<compile_context>
chip_gen: v7x
topology: tpu7x:2x2x1
jax: 0.10.2.dev20260603
libtpu: 0.0.44.dev20260713+nightly
codegen_flags: <defaults>
</compile_context>

<pallas_src>
import functools

import jax
import jax.numpy as jnp
from jax import lax
from jax.experimental import pallas as pl
from jax.experimental.pallas import tpu as pltpu
from jax.experimental.pallas import tpu_sc as plsc

_D = 128
_L = 16


@functools.lru_cache(maxsize=None)
def _build(n_author: int, n_venue: int, n_paper: int):
    n_split = 2 if n_paper % (2 * 8) == 0 else 1
    pp = n_paper // n_split
    mesh = plsc.VectorSubcoreMesh(
        core_axis_name="c", subcore_axis_name="s", num_cores=1, num_subcores=1
    )
    nch = _D // _L

    @functools.partial(
        pl.kernel,
        out_type=jax.ShapeDtypeStruct((_D,), jnp.float32),
        mesh=mesh,
        scratch_types=[
            pltpu.VMEM((n_author,), jnp.int32),
            pltpu.VMEM((n_venue,), jnp.int32),
            pltpu.VMEM((n_paper,), jnp.int32),
            pltpu.VMEM((n_author, _D), jnp.float32),
            pltpu.VMEM((n_venue, _D), jnp.float32),
            pltpu.VMEM((n_paper, _D), jnp.float32),
            pltpu.VMEM((16,), jnp.float32),
            pltpu.VMEM((16,), jnp.float32),
            pltpu.VMEM((16,), jnp.float32),
            pltpu.VMEM((_D,), jnp.float32),
            pltpu.SemaphoreType.DMA,
            pltpu.SemaphoreType.DMA,
            pltpu.SemaphoreType.DMA,
        ] + [pltpu.SemaphoreType.DMA] * n_split,
    )
    def k(author_hbm, venue_hbm, paper_hbm, aid_hbm, vid_hbm, rid_hbm,
          wa_hbm, wv_hbm, wp_hbm, out_hbm,
          aid_v, vid_v, rid_v, arows_v, vrows_v, prows_v,
          wa_v, wv_v, wp_v, out_v, sem_ids, sem_w, sem_av, *sem_p):
        c1 = pltpu.async_copy(aid_hbm, aid_v, sem_ids)
        c2 = pltpu.async_copy(vid_hbm, vid_v, sem_ids)
        c3 = pltpu.async_copy(rid_hbm, rid_v, sem_ids)
        c4 = pltpu.async_copy(wa_hbm, wa_v.at[pl.ds(0, 1)], sem_w)
        c5 = pltpu.async_copy(wv_hbm, wv_v.at[pl.ds(0, 1)], sem_w)
        c6 = pltpu.async_copy(wp_hbm, wp_v.at[pl.ds(0, 1)], sem_w)
        c1.wait()
        c2.wait()
        c3.wait()
        ga = pltpu.async_copy(author_hbm.at[aid_v], arows_v, sem_av)
        gv = pltpu.async_copy(venue_hbm.at[vid_v], vrows_v, sem_av)
        gps = [
            pltpu.async_copy(
                paper_hbm.at[rid_v.at[pl.ds(j * pp, pp)]],
                prows_v.at[pl.ds(j * pp, pp)], sem_p[j])
            for j in range(n_split)
        ]
        c4.wait()
        c5.wait()
        c6.wait()
        zeros16 = lax.iota(jnp.int32, 16) * 0
        dnums = lax.GatherDimensionNumbers(
            offset_dims=(), collapsed_slice_dims=(0,), start_index_map=(0,))
        splat = lambda v: lax.gather(
            v, zeros16[:, None], dnums, slice_sizes=(1,),
            mode=lax.GatherScatterMode.PROMISE_IN_BOUNDS)
        sa = splat(wa_v[...]) * (1.0 / n_author)
        sv = splat(wv_v[...]) * (1.0 / n_venue)
        sp = splat(wp_v[...]) * (1.0 / n_paper)
        ga.wait()
        gv.wait()
        for c in range(nch):
            sl = pl.ds(c * _L, _L)
            acc_a = arows_v[0, sl]
            for r in range(1, n_author):
                acc_a = acc_a + arows_v[r, sl]
            acc_v = vrows_v[0, sl]
            for r in range(1, n_venue):
                acc_v = acc_v + vrows_v[r, sl]
            out_v[sl] = sa * acc_a + sv * acc_v
        for j, g in enumerate(gps):
            g.wait()
            base = j * pp
            for c in range(nch):
                sl = pl.ds(c * _L, _L)
                acc_p = prows_v[base, sl]
                for r in range(1, pp):
                    acc_p = acc_p + prows_v[base + r, sl]
                out_v[sl] = out_v[sl] + sp * acc_p
        pltpu.sync_copy(out_v, out_hbm)

    return k


def kernel(paper_emb, author_emb, venue_emb, w_author, w_venue, w_paper,
           author_ids, venue_ids, ref_ids):
    aid = author_ids.astype(jnp.int32)
    vid = venue_ids.astype(jnp.int32)
    rid = ref_ids.astype(jnp.int32)
    na, nv, np_ = aid.shape[0], vid.shape[0], rid.shape[0]
    k = _build(na, nv, np_)
    return k(author_emb, venue_emb, paper_emb, aid, vid, rid,
             jnp.reshape(w_author.astype(jnp.float32), (1,)),
             jnp.reshape(w_venue.astype(jnp.float32), (1,)),
             jnp.reshape(w_paper.astype(jnp.float32), (1,)))

# --- scband reference (transcript-rebuilt; emitter-appended) ---
"""Pipeline reference for scband-weighted-imputer-67396626809330 (READ-ONLY COPY).

The authoritative reference and input builder live on the scoring server;
editing this copy changes nothing except your own understanding.
"""

import jax, jax.numpy as jnp
import numpy as np

N_PAPER = 100000
N_AUTHOR = 50000
N_VENUE = 10000
D = 128


def setup_inputs(seed: int = 0) -> dict:
    key = jax.random.key(seed)
    k1, k2, k3, k4, k5, k6 = jax.random.split(key, 6)
    paper_emb = jax.random.normal(k1, (N_PAPER, D), dtype=jnp.float32)
    author_emb = jax.random.normal(k2, (N_AUTHOR, D), dtype=jnp.float32)
    venue_emb = jax.random.normal(k3, (N_VENUE, D), dtype=jnp.float32)
    author_ids = jax.random.randint(k4, (8,), 0, N_AUTHOR, dtype=jnp.int64 if jax.config.jax_enable_x64 else jnp.int32)
    venue_ids = jax.random.randint(k5, (1,), 0, N_VENUE, dtype=jnp.int64 if jax.config.jax_enable_x64 else jnp.int32)
    ref_ids = jax.random.randint(k6, (32,), 0, N_PAPER, dtype=jnp.int64 if jax.config.jax_enable_x64 else jnp.int32)
    # learned scalar weights, one per metadata type (initialized to 1.0 as in the torch module)
    w_author = jnp.array(1.0, dtype=jnp.float32)
    w_venue = jnp.array(1.0, dtype=jnp.float32)
    w_paper = jnp.array(1.0, dtype=jnp.float32)
    return {
        'paper_emb': paper_emb,
        'author_emb': author_emb,
        'venue_emb': venue_emb,
        'w_author': w_author,
        'w_venue': w_venue,
        'w_paper': w_paper,
        'author_ids': author_ids,
        'venue_ids': venue_ids,
        'ref_ids': ref_ids,
    }


def reference(paper_emb, author_emb, venue_emb, w_author, w_venue, w_paper,
              author_ids, venue_ids, ref_ids):
    # v_{p,t} = sum_m w_m * mean_{i in N^m} u_{i,t}
    # Each metadata type: gather neighbour embeddings, mean over neighbours, scale by scalar weight.
    # Neighbour ids are generated in-range so the torch `ids[ids < size]` filter is a no-op.
    part_author = w_author * jnp.take(author_emb, author_ids, axis=0).mean(axis=0)
    part_venue = w_venue * jnp.take(venue_emb, venue_ids, axis=0).mean(axis=0)
    part_paper = w_paper * jnp.take(paper_emb, ref_ids, axis=0).mean(axis=0)
    v = jnp.stack([part_author, part_venue, part_paper], axis=0).sum(axis=0)
    return v

if __name__ == "__main__":
    import jax
    _d = setup_inputs()
    print(jax.jit(kernel)(*tuple(_d.values())))

</pallas_src>

<mosaic_0001>
#map = affine_map<(d0, d1) -> (0, 0)>
#map1 = affine_map<(d0, d1) -> (0)>
module attributes {stable_mosaic.version = 14 : i64} {
  func.func @k(%arg0: i32, %arg1: i32, %arg2: memref<50000x128xf32, #tpu.memory_space<hbm>>, %arg3: memref<10000x128xf32, #tpu.memory_space<hbm>>, %arg4: memref<100000x128xf32, #tpu.memory_space<hbm>>, %arg5: memref<8xi32, #tpu.memory_space<hbm>>, %arg6: memref<1xi32, #tpu.memory_space<hbm>>, %arg7: memref<32xi32, #tpu.memory_space<hbm>>, %arg8: memref<1xf32, #tpu.memory_space<hbm>>, %arg9: memref<1xf32, #tpu.memory_space<hbm>>, %arg10: memref<1xf32, #tpu.memory_space<hbm>>, %arg11: memref<128xf32, #tpu.memory_space<hbm>>, %arg12: memref<8xi32, #tpu.memory_space<vmem>>, %arg13: memref<1xi32, #tpu.memory_space<vmem>>, %arg14: memref<32xi32, #tpu.memory_space<vmem>>, %arg15: memref<8x128xf32, #tpu.memory_space<vmem>>, %arg16: memref<1x128xf32, #tpu.memory_space<vmem>>, %arg17: memref<32x128xf32, #tpu.memory_space<vmem>>, %arg18: memref<16xf32, #tpu.memory_space<vmem>>, %arg19: memref<16xf32, #tpu.memory_space<vmem>>, %arg20: memref<16xf32, #tpu.memory_space<vmem>>, %arg21: memref<128xf32, #tpu.memory_space<vmem>>, %arg22: memref<!tpu.dma_semaphore, #tpu.memory_space<semaphore_mem>>, %arg23: memref<!tpu.dma_semaphore, #tpu.memory_space<semaphore_mem>>, %arg24: memref<!tpu.dma_semaphore, #tpu.memory_space<semaphore_mem>>, %arg25: memref<!tpu.dma_semaphore, #tpu.memory_space<semaphore_mem>>, %arg26: memref<!tpu.dma_semaphore, #tpu.memory_space<semaphore_mem>>) attributes {dimension_semantics = [#tpu.dimension_semantics<core_parallel>, #tpu.dimension_semantics<subcore_parallel>], iteration_bounds = array<i64: 1, 1>, scalar_prefetch = 0 : i64, scratch_operands = 15 : i64, tpu.core_type = #tpu.core_type<sc_vector_subcore>, window_params = [{transform_indices = #map}, {transform_indices = #map}, {transform_indices = #map}, {transform_indices = #map1}, {transform_indices = #map1}, {transform_indices = #map1}, {transform_indices = #map1}, {transform_indices = #map1}, {transform_indices = #map1}, {transform_indices = #map1}]} {
    tpu.enqueue_dma source(%arg5 : memref<8xi32, #tpu.memory_space<hbm>>) target(%arg12 : memref<8xi32, #tpu.memory_space<vmem>>) target_semaphore(%arg22 : memref<!tpu.dma_semaphore, #tpu.memory_space<semaphore_mem>>)
    tpu.enqueue_dma source(%arg6 : memref<1xi32, #tpu.memory_space<hbm>>) target(%arg13 : memref<1xi32, #tpu.memory_space<vmem>>) target_semaphore(%arg22 : memref<!tpu.dma_semaphore, #tpu.memory_space<semaphore_mem>>)
    tpu.enqueue_dma source(%arg7 : memref<32xi32, #tpu.memory_space<hbm>>) target(%arg14 : memref<32xi32, #tpu.memory_space<vmem>>) target_semaphore(%arg22 : memref<!tpu.dma_semaphore, #tpu.memory_space<semaphore_mem>>)
    %dma_start3A = arith.constant 0 : i32
    %dma_start3A_0 = tpu.memref_slice %arg18[%dma_start3A] : memref<16xf32, #tpu.memory_space<vmem>> -> memref<1xf32, #tpu.memory_space<vmem>>
    %dma_start3A_1 = arith.constant 0 : i32
    %dma_start3A_2 = tpu.memref_slice %arg18[%dma_start3A_1] : memref<16xf32, #tpu.memory_space<vmem>> -> memref<1xf32, #tpu.memory_space<vmem>>
    tpu.enqueue_dma source(%arg8 : memref<1xf32, #tpu.memory_space<hbm>>) target(%dma_start3A_2 : memref<1xf32, #tpu.memory_space<vmem>>) target_semaphore(%arg23 : memref<!tpu.dma_semaphore, #tpu.memory_space<semaphore_mem>>)
    %dma_start3A_3 = arith.constant 0 : i32
    %dma_start3A_4 = tpu.memref_slice %arg19[%dma_start3A_3] : memref<16xf32, #tpu.memory_space<vmem>> -> memref<1xf32, #tpu.memory_space<vmem>>
    %dma_start3A_5 = arith.constant 0 : i32
    %dma_start3A_6 = tpu.memref_slice %arg19[%dma_start3A_5] : memref<16xf32, #tpu.memory_space<vmem>> -> memref<1xf32, #tpu.memory_space<vmem>>
    tpu.enqueue_dma source(%arg9 : memref<1xf32, #tpu.memory_space<hbm>>) target(%dma_start3A_6 : memref<1xf32, #tpu.memory_space<vmem>>) target_semaphore(%arg23 : memref<!tpu.dma_semaphore, #tpu.memory_space<semaphore_mem>>)
    %dma_start3A_7 = arith.constant 0 : i32
    %dma_start3A_8 = tpu.memref_slice %arg20[%dma_start3A_7] : memref<16xf32, #tpu.memory_space<vmem>> -> memref<1xf32, #tpu.memory_space<vmem>>
    %dma_start3A_9 = arith.constant 0 : i32
    %dma_start3A_10 = tpu.memref_slice %arg20[%dma_start3A_9] : memref<16xf32, #tpu.memory_space<vmem>> -> memref<1xf32, #tpu.memory_space<vmem>>
    tpu.enqueue_dma source(%arg10 : memref<1xf32, #tpu.memory_space<hbm>>) target(%dma_start3A_10 : memref<1xf32, #tpu.memory_space<vmem>>) target_semaphore(%arg23 : memref<!tpu.dma_semaphore, #tpu.memory_space<semaphore_mem>>)
    tpu.wait_dma2 semaphore(%arg22 : memref<!tpu.dma_semaphore, #tpu.memory_space<semaphore_mem>>) src(%arg5 : memref<8xi32, #tpu.memory_space<hbm>>) dst(%arg12 : memref<8xi32, #tpu.memory_space<vmem>>)
    tpu.wait_dma2 semaphore(%arg22 : memref<!tpu.dma_semaphore, #tpu.memory_space<semaphore_mem>>) src(%arg6 : memref<1xi32, #tpu.memory_space<hbm>>) dst(%arg13 : memref<1xi32, #tpu.memory_space<vmem>>)
    tpu.wait_dma2 semaphore(%arg22 : memref<!tpu.dma_semaphore, #tpu.memory_space<semaphore_mem>>) src(%arg7 : memref<32xi32, #tpu.memory_space<hbm>>) dst(%arg14 : memref<32xi32, #tpu.memory_space<vmem>>)
    %dma_start3A_11 = arith.constant 0 : i32
    %dma_start3A_12 = arith.constant 0 : i32
    %dma_start3A_13 = tpu.memref_slice %arg2[%dma_start3A_11, %dma_start3A_12] : memref<50000x128xf32, #tpu.memory_space<hbm>> -> memref<50000x128xf32, #tpu.memory_space<hbm>>
    tpu.enqueue_indirect_dma source(%dma_start3A_13 : memref<50000x128xf32, #tpu.memory_space<hbm>>) target(%arg15 : memref<8x128xf32, #tpu.memory_space<vmem>>) offsets(%arg12 : memref<8xi32, #tpu.memory_space<vmem>>) semaphore(%arg24 : memref<!tpu.dma_semaphore, #tpu.memory_space<semaphore_mem>>)
    %dma_start3A_14 = arith.constant 0 : i32
    %dma_start3A_15 = arith.constant 0 : i32
    %dma_start3A_16 = tpu.memref_slice %arg3[%dma_start3A_14, %dma_start3A_15] : memref<10000x128xf32, #tpu.memory_space<hbm>> -> memref<10000x128xf32, #tpu.memory_space<hbm>>
    tpu.enqueue_indirect_dma source(%dma_start3A_16 : memref<10000x128xf32, #tpu.memory_space<hbm>>) target(%arg16 : memref<1x128xf32, #tpu.memory_space<vmem>>) offsets(%arg13 : memref<1xi32, #tpu.memory_space<vmem>>) semaphore(%arg24 : memref<!tpu.dma_semaphore, #tpu.memory_space<semaphore_mem>>)
    %dma_start3A_17 = arith.constant 0 : i32
    %dma_start3A_18 = arith.constant 0 : i32
    %dma_start3A_19 = tpu.memref_slice %arg17[%dma_start3A_17, %dma_start3A_18] : memref<32x128xf32, #tpu.memory_space<vmem>> -> memref<16x128xf32, #tpu.memory_space<vmem>>
    %dma_start3A_20 = arith.constant 0 : i32
    %dma_start3A_21 = tpu.memref_slice %arg14[%dma_start3A_20] : memref<32xi32, #tpu.memory_space<vmem>> -> memref<16xi32, #tpu.memory_space<vmem>>
    %dma_start3A_22 = arith.constant 0 : i32
    %dma_start3A_23 = arith.constant 0 : i32
    %dma_start3A_24 = tpu.memref_slice %arg4[%dma_start3A_22, %dma_start3A_23] : memref<100000x128xf32, #tpu.memory_space<hbm>> -> memref<100000x128xf32, #tpu.memory_space<hbm>>
    tpu.enqueue_indirect_dma source(%dma_start3A_24 : memref<100000x128xf32, #tpu.memory_space<hbm>>) target(%dma_start3A_19 : memref<16x128xf32, #tpu.memory_space<vmem>>) offsets(%dma_start3A_21 : memref<16xi32, #tpu.memory_space<vmem>>) semaphore(%arg25 : memref<!tpu.dma_semaphore, #tpu.memory_space<semaphore_mem>>)
    %dma_start3A_25 = arith.constant 16 : i32
    %dma_start3A_26 = arith.constant 0 : i32
    %dma_start3A_27 = tpu.memref_slice %arg17[%dma_start3A_25, %dma_start3A_26] : memref<32x128xf32, #tpu.memory_space<vmem>> -> memref<16x128xf32, #tpu.memory_space<vmem>>
    %dma_start3A_28 = arith.constant 16 : i32
    %dma_start3A_29 = tpu.memref_slice %arg14[%dma_start3A_28] : memref<32xi32, #tpu.memory_space<vmem>> -> memref<16xi32, #tpu.memory_space<vmem>>
    %dma_start3A_30 = arith.constant 0 : i32
    %dma_start3A_31 = arith.constant 0 : i32
    %dma_start3A_32 = tpu.memref_slice %arg4[%dma_start3A_30, %dma_start3A_31] : memref<100000x128xf32, #tpu.memory_space<hbm>> -> memref<100000x128xf32, #tpu.memory_space<hbm>>
    tpu.enqueue_indirect_dma source(%dma_start3A_32 : memref<100000x128xf32, #tpu.memory_space<hbm>>) target(%dma_start3A_27 : memref<16x128xf32, #tpu.memory_space<vmem>>) offsets(%dma_start3A_29 : memref<16xi32, #tpu.memory_space<vmem>>) semaphore(%arg26 : memref<!tpu.dma_semaphore, #tpu.memory_space<semaphore_mem>>)
    %dma_wait3A = arith.constant 0 : i32
    %dma_wait3A_33 = tpu.memref_slice %arg18[%dma_wait3A] : memref<16xf32, #tpu.memory_space<vmem>> -> memref<1xf32, #tpu.memory_space<vmem>>
    %dma_wait3A_34 = arith.constant 0 : i32
    %dma_wait3A_35 = tpu.memref_slice %arg18[%dma_wait3A_34] : memref<16xf32, #tpu.memory_space<vmem>> -> memref<1xf32, #tpu.memory_space<vmem>>
    tpu.wait_dma2 semaphore(%arg23 : memref<!tpu.dma_semaphore, #tpu.memory_space<semaphore_mem>>) src(%arg8 : memref<1xf32, #tpu.memory_space<hbm>>) dst(%dma_wait3A_35 : memref<1xf32, #tpu.memory_space<vmem>>)
    %dma_wait3A_36 = arith.constant 0 : i32
    %dma_wait3A_37 = tpu.memref_slice %arg19[%dma_wait3A_36] : memref<16xf32, #tpu.memory_space<vmem>> -> memref<1xf32, #tpu.memory_space<vmem>>
    %dma_wait3A_38 = arith.constant 0 : i32
    %dma_wait3A_39 = tpu.memref_slice %arg19[%dma_wait3A_38] : memref<16xf32, #tpu.memory_space<vmem>> -> memref<1xf32, #tpu.memory_space<vmem>>
    tpu.wait_dma2 semaphore(%arg23 : memref<!tpu.dma_semaphore, #tpu.memory_space<semaphore_mem>>) src(%arg9 : memref<1xf32, #tpu.memory_space<hbm>>) dst(%dma_wait3A_39 : memref<1xf32, #tpu.memory_space<vmem>>)
    %dma_wait3A_40 = arith.constant 0 : i32
    %dma_wait3A_41 = tpu.memref_slice %arg20[%dma_wait3A_40] : memref<16xf32, #tpu.memory_space<vmem>> -> memref<1xf32, #tpu.memory_space<vmem>>
    %dma_wait3A_42 = arith.constant 0 : i32
    %dma_wait3A_43 = tpu.memref_slice %arg20[%dma_wait3A_42] : memref<16xf32, #tpu.memory_space<vmem>> -> memref<1xf32, #tpu.memory_space<vmem>>
    tpu.wait_dma2 semaphore(%arg23 : memref<!tpu.dma_semaphore, #tpu.memory_space<semaphore_mem>>) src(%arg10 : memref<1xf32, #tpu.memory_space<hbm>>) dst(%dma_wait3A_43 : memref<1xf32, #tpu.memory_space<vmem>>)
    %iota3A = tpu.iota {dimensions = array<i32: 0>} : vector<16xi32>
    %mul3A = arith.constant 0 : i32
    %mul3A_44 = vector.broadcast %mul3A : i32 to vector<16xi32>
    %mul3A_45 = arith.muli %iota3A, %mul3A_44 : vector<16xi32>
    %get3A = arith.constant 0 : index
    %get3A_46 = tpu.vector_load %arg18[%get3A] {strides = array<i32>} : memref<16xf32, #tpu.memory_space<vmem>>, vector<16xf32>,
    %get3A_47 = vector.shape_cast %get3A_46 : vector<16xf32> to vector<16xf32>
    %broadcast_in_dim3A = vector.shape_cast %mul3A_45 : vector<16xi32> to vector<16x1xi32>
    %gather3A = vector.shape_cast %broadcast_in_dim3A : vector<16x1xi32> to vector<16xi32>
    %gather3A_48 = tpu.dynamic_gather %get3A_47[%gather3A] in [0] : vector<16xf32>, vector<16xi32> -> vector<16xf32>
    %mul3A_49 = arith.constant 1.250000e-01 : f32
    %mul3A_50 = vector.broadcast %mul3A_49 : f32 to vector<16xf32>
    %mul3A_51 = arith.mulf %gather3A_48, %mul3A_50 : vector<16xf32>
    %get3A_52 = arith.constant 0 : index
    %get3A_53 = tpu.vector_load %arg19[%get3A_52] {strides = array<i32>} : memref<16xf32, #tpu.memory_space<vmem>>, vector<16xf32>,
    %get3A_54 = vector.shape_cast %get3A_53 : vector<16xf32> to vector<16xf32>
    %broadcast_in_dim3A_55 = vector.shape_cast %mul3A_45 : vector<16xi32> to vector<16x1xi32>
    %gather3A_56 = vector.shape_cast %broadcast_in_dim3A_55 : vector<16x1xi32> to vector<16xi32>
    %gather3A_57 = tpu.dynamic_gather %get3A_54[%gather3A_56] in [0] : vector<16xf32>, vector<16xi32> -> vector<16xf32>
    %mul3A_58 = arith.constant 1.000000e+00 : f32
    %mul3A_59 = vector.broadcast %mul3A_58 : f32 to vector<16xf32>
    %mul3A_60 = arith.mulf %gather3A_57, %mul3A_59 : vector<16xf32>
    %get3A_61 = arith.constant 0 : index
    %get3A_62 = tpu.vector_load %arg20[%get3A_61] {strides = array<i32>} : memref<16xf32, #tpu.memory_space<vmem>>, vector<16xf32>,
    %get3A_63 = vector.shape_cast %get3A_62 : vector<16xf32> to vector<16xf32>
    %broadcast_in_dim3A_64 = vector.shape_cast %mul3A_45 : vector<16xi32> to vector<16x1xi32>
    %gather3A_65 = vector.shape_cast %broadcast_in_dim3A_64 : vector<16x1xi32> to vector<16xi32>
    %gather3A_66 = tpu.dynamic_gather %get3A_63[%gather3A_65] in [0] : vector<16xf32>, vector<16xi32> -> vector<16xf32>
    %mul3A_67 = arith.constant 3.125000e-02 : f32
    %mul3A_68 = vector.broadcast %mul3A_67 : f32 to vector<16xf32>
    %mul3A_69 = arith.mulf %gather3A_66, %mul3A_68 : vector<16xf32>
    %dma_wait3A_70 = arith.constant 0 : i32
    %dma_wait3A_71 = arith.constant 0 : i32
    %dma_wait3A_72 = tpu.memref_slice %arg2[%dma_wait3A_70, %dma_wait3A_71] : memref<50000x128xf32, #tpu.memory_space<hbm>> -> memref<50000x128xf32, #tpu.memory_space<hbm>>
    tpu.wait_indirect_dma semaphore(%arg24 : memref<!tpu.dma_semaphore, #tpu.memory_space<semaphore_mem>>) src(%dma_wait3A_72 : memref<50000x128xf32, #tpu.memory_space<hbm>>) dst(%arg15 : memref<8x128xf32, #tpu.memory_space<vmem>>)
    %dma_wait3A_73 = arith.constant 0 : i32
    %dma_wait3A_74 = arith.constant 0 : i32
    %dma_wait3A_75 = tpu.memref_slice %arg3[%dma_wait3A_73, %dma_wait3A_74] : memref<10000x128xf32, #tpu.memory_space<hbm>> -> memref<10000x128xf32, #tpu.memory_space<hbm>>
    tpu.wait_indirect_dma semaphore(%arg24 : memref<!tpu.dma_semaphore, #tpu.memory_space<semaphore_mem>>) src(%dma_wait3A_75 : memref<10000x128xf32, #tpu.memory_space<hbm>>) dst(%arg16 : memref<1x128xf32, #tpu.memory_space<vmem>>)
    %get3A_76 = arith.constant 0 : i32
    %get3A_77 = arith.index_cast %get3A_76 : i32 to index
    %get3A_78 = arith.constant 0 : index
    %get3A_79 = tpu.vector_load %arg15[%get3A_77, %get3A_78] {strides = array<i32>} : memref<8x128xf32, #tpu.memory_space<vmem>>, vector<1x16xf32>,
    %get3A_80 = vector.shape_cast %get3A_79 : vector<1x16xf32> to vector<16xf32>
    %get3A_81 = arith.constant 1 : i32
    %get3A_82 = arith.index_cast %get3A_81 : i32 to index
    %get3A_83 = arith.constant 0 : index
    %get3A_84 = tpu.vector_load %arg15[%get3A_82, %get3A_83] {strides = array<i32>} : memref<8x128xf32, #tpu.memory_space<vmem>>, vector<1x16xf32>,
    %get3A_85 = vector.shape_cast %get3A_84 : vector<1x16xf32> to vector<16xf32>
    %add3A = arith.addf %get3A_80, %get3A_85 : vector<16xf32>
    %get3A_86 = arith.constant 2 : i32
    %get3A_87 = arith.index_cast %get3A_86 : i32 to index
    %get3A_88 = arith.constant 0 : index
    %get3A_89 = tpu.vector_load %arg15[%get3A_87, %get3A_88] {strides = array<i32>} : memref<8x128xf32, #tpu.memory_space<vmem>>, vector<1x16xf32>,
    %get3A_90 = vector.shape_cast %get3A_89 : vector<1x16xf32> to vector<16xf32>
    %add3A_91 = arith.addf %add3A, %get3A_90 : vector<16xf32>
    %get3A_92 = arith.constant 3 : i32
    %get3A_93 = arith.index_cast %get3A_92 : i32 to index
    %get3A_94 = arith.constant 0 : index
    %get3A_95 = tpu.vector_load %arg15[%get3A_93, %get3A_94] {strides = array<i32>} : memref<8x128xf32, #tpu.memory_space<vmem>>, vector<1x16xf32>,
    %get3A_96 = vector.shape_cast %get3A_95 : vector<1x16xf32> to vector<16xf32>
    %add3A_97 = arith.addf %add3A_91, %get3A_96 : vector<16xf32>
    %get3A_98 = arith.constant 4 : i32
    %get3A_99 = arith.index_cast %get3A_98 : i32 to index
    %get3A_100 = arith.constant 0 : index
    %get3A_101 = tpu.vector_load %arg15[%get3A_99, %get3A_100] {strides = array<i32>} : memref<8x128xf32, #tpu.memory_space<vmem>>, vector<1x16xf32>,
    %get3A_102 = vector.shape_cast %get3A_101 : vector<1x16xf32> to vector<16xf32>
    %add3A_103 = arith.addf %add3A_97, %get3A_102 : vector<16xf32>
    %get3A_104 = arith.constant 5 : i32
    %get3A_105 = arith.index_cast %get3A_104 : i32 to index
    %get3A_106 = arith.constant 0 : index
    %get3A_107 = tpu.vector_load %arg15[%get3A_105, %get3A_106] {strides = array<i32>} : memref<8x128xf32, #tpu.memory_space<vmem>>, vector<1x16xf32>,
    %get3A_108 = vector.shape_cast %get3A_107 : vector<1x16xf32> to vector<16xf32>
    %add3A_109 = arith.addf %add3A_103, %get3A_108 : vector<16xf32>
    %get3A_110 = arith.constant 6 : i32
    %get3A_111 = arith.index_cast %get3A_110 : i32 to index
    %get3A_112 = arith.constant 0 : index
    %get3A_113 = tpu.vector_load %arg15[%get3A_111, %get3A_112] {strides = array<i32>} : memref<8x128xf32, #tpu.memory_space<vmem>>, vector<1x16xf32>,
    %get3A_114 = vector.shape_cast %get3A_113 : vector<1x16xf32> to vector<16xf32>
    %add3A_115 = arith.addf %add3A_109, %get3A_114 : vector<16xf32>
    %get3A_116 = arith.constant 7 : i32
    %get3A_117 = arith.index_cast %get3A_116 : i32 to index
    %get3A_118 = arith.constant 0 : index
    %get3A_119 = tpu.vector_load %arg15[%get3A_117, %get3A_118] {strides = array<i32>} : memref<8x128xf32, #tpu.memory_space<vmem>>, vector<1x16xf32>,
    %get3A_120 = vector.shape_cast %get3A_119 : vector<1x16xf32> to vector<16xf32>
    %add3A_121 = arith.addf %add3A_115, %get3A_120 : vector<16xf32>
    %get3A_122 = arith.constant 0 : i32
    %get3A_123 = arith.index_cast %get3A_122 : i32 to index
    %get3A_124 = arith.constant 0 : index
    %get3A_125 = tpu.vector_load %arg16[%get3A_123, %get3A_124] {strides = array<i32>} : memref<1x128xf32, #tpu.memory_space<vmem>>, vector<1x16xf32>,
    %get3A_126 = vector.shape_cast %get3A_125 : vector<1x16xf32> to vector<16xf32>
    %mul3A_127 = arith.mulf %mul3A_51, %add3A_121 : vector<16xf32>
    %mul3A_128 = arith.mulf %mul3A_60, %get3A_126 : vector<16xf32>
    %add3A_129 = arith.addf %mul3A_127, %mul3A_128 : vector<16xf32>
    %swap3A = arith.constant 0 : index
    %swap3A_130 = tpu.vector_load %arg21[%swap3A] {strides = array<i32>} : memref<128xf32, #tpu.memory_space<vmem>>, vector<16xf32>,
    %swap3A_131 = vector.shape_cast %swap3A_130 : vector<16xf32> to vector<16xf32>
    %swap3A_132 = vector.shape_cast %add3A_129 : vector<16xf32> to vector<16xf32>
    tpu.vector_store %arg21[%swap3A], %swap3A_132 {strides = array<i32>} : memref<128xf32, #tpu.memory_space<vmem>>, vector<16xf32>,
    %get3A_133 = arith.constant 0 : i32
    %get3A_134 = arith.index_cast %get3A_133 : i32 to index
    %get3A_135 = arith.constant 16 : index
    %get3A_136 = tpu.vector_load %arg15[%get3A_134, %get3A_135] {strides = array<i32>} : memref<8x128xf32, #tpu.memory_space<vmem>>, vector<1x16xf32>,
    %get3A_137 = vector.shape_cast %get3A_136 : vector<1x16xf32> to vector<16xf32>
    %get3A_138 = arith.constant 1 : i32
    %get3A_139 = arith.index_cast %get3A_138 : i32 to index
    %get3A_140 = arith.constant 16 : index
    %get3A_141 = tpu.vector_load %arg15[%get3A_139, %get3A_140] {strides = array<i32>} : memref<8x128xf32, #tpu.memory_space<vmem>>, vector<1x16xf32>,
    %get3A_142 = vector.shape_cast %get3A_141 : vector<1x16xf32> to vector<16xf32>
    %add3A_143 = arith.addf %get3A_137, %get3A_142 : vector<16xf32>
    %get3A_144 = arith.constant 2 : i32
    %get3A_145 = arith.index_cast %get3A_144 : i32 to index
    %get3A_146 = arith.constant 16 : index
    %get3A_147 = tpu.vector_load %arg15[%get3A_145, %get3A_146] {strides = array<i32>} : memref<8x128xf32, #tpu.memory_space<vmem>>, vector<1x16xf32>,
    %get3A_148 = vector.shape_cast %get3A_147 : vector<1x16xf32> to vector<16xf32>
    %add3A_149 = arith.addf %add3A_143, %get3A_148 : vector<16xf32>
    %get3A_150 = arith.constant 3 : i32
    %get3A_151 = arith.index_cast %get3A_150 : i32 to index
    %get3A_152 = arith.constant 16 : index
    %get3A_153 = tpu.vector_load %arg15[%get3A_151, %get3A_152] {strides = array<i32>} : memref<8x128xf32, #tpu.memory_space<vmem>>, vector<1x16xf32>,
    %get3A_154 = vector.shape_cast %get3A_153 : vector<1x16xf32> to vector<16xf32>
    %add3A_155 = arith.addf %add3A_149, %get3A_154 : vector<16xf32>
    %get3A_156 = arith.constant 4 : i32
    %get3A_157 = arith.index_cast %get3A_156 : i32 to index
    %get3A_158 = arith.constant 16 : index
    %get3A_159 = tpu.vector_load %arg15[%get3A_157, %get3A_158] {strides = array<i32>} : memref<8x128xf32, #tpu.memory_space<vmem>>, vector<1x16xf32>,
    %get3A_160 = vector.shape_cast %get3A_159 : vector<1x16xf32> to vector<16xf32>
    %add3A_161 = arith.addf %add3A_155, %get3A_160 : vector<16xf32>
    %get3A_162 = arith.constant 5 : i32
    %get3A_163 = arith.index_cast %get3A_162 : i32 to index
    %get3A_164 = arith.constant 16 : index
    %get3A_165 = tpu.vector_load %arg15[%get3A_163, %get3A_164] {strides = array<i32>} : memref<8x128xf32, #tpu.memory_space<vmem>>, vector<1x16xf32>,
    %get3A_166 = vector.shape_cast %get3A_165 : vector<1x16xf32> to vector<16xf32>
    %add3A_167 = arith.addf %add3A_161, %get3A_166 : vector<16xf32>
    %get3A_168 = arith.constant 6 : i32
    %get3A_169 = arith.index_cast %get3A_168 : i32 to index
    %get3A_170 = arith.constant 16 : index
    %get3A_171 = tpu.vector_load %arg15[%get3A_169, %get3A_170] {strides = array<i32>} : memref<8x128xf32, #tpu.memory_space<vmem>>, vector<1x16xf32>,
    %get3A_172 = vector.shape_cast %get3A_171 : vector<1x16xf32> to vector<16xf32>
    %add3A_173 = arith.addf %add3A_167, %get3A_172 : vector<16xf32>
    %get3A_174 = arith.constant 7 : i32
    %get3A_175 = arith.index_cast %get3A_174 : i32 to index
    %get3A_176 = arith.constant 16 : index
    %get3A_177 = tpu.vector_load %arg15[%get3A_175, %get3A_176] {strides = array<i32>} : memref<8x128xf32, #tpu.memory_space<vmem>>, vector<1x16xf32>,
    %get3A_178 = vector.shape_cast %get3A_177 : vector<1x16xf32> to vector<16xf32>
    %add3A_179 = arith.addf %add3A_173, %get3A_178 : vector<16xf32>
    %get3A_180 = arith.constant 0 : i32
    %get3A_181 = arith.index_cast %get3A_180 : i32 to index
    %get3A_182 = arith.constant 16 : index
    %get3A_183 = tpu.vector_load %arg16[%get3A_181, %get3A_182] {strides = array<i32>} : memref<1x128xf32, #tpu.memory_space<vmem>>, vector<1x16xf32>,
    %get3A_184 = vector.shape_cast %get3A_183 : vector<1x16xf32> to vector<16xf32>
    %mul3A_185 = arith.mulf %mul3A_51, %add3A_179 : vector<16xf32>
    %mul3A_186 = arith.mulf %mul3A_60, %get3A_184 : vector<16xf32>
    %add3A_187 = arith.addf %mul3A_185, %mul3A_186 : vector<16xf32>
    %swap3A_188 = arith.constant 16 : index
    %swap3A_189 = tpu.vector_load %arg21[%swap3A_188] {strides = array<i32>} : memref<128xf32, #tpu.memory_space<vmem>>, vector<16xf32>,
    %swap3A_190 = vector.shape_cast %swap3A_189 : vector<16xf32> to vector<16xf32>
    %swap3A_191 = vector.shape_cast %add3A_187 : vector<16xf32> to vector<16xf32>
    tpu.vector_store %arg21[%swap3A_188], %swap3A_191 {strides = array<i32>} : memref<128xf32, #tpu.memory_space<vmem>>, vector<16xf32>,
    %get3A_192 = arith.constant 0 : i32
    %get3A_193 = arith.index_cast %get3A_192 : i32 to index
    %get3A_194 = arith.constant 32 : index
    %get3A_195 = tpu.vector_load %arg15[%get3A_193, %get3A_194] {strides = array<i32>} : memref<8x128xf32, #tpu.memory_space<vmem>>, vector<1x16xf32>,
    %get3A_196 = vector.shape_cast %get3A_195 : vector<1x16xf32> to vector<16xf32>
    %get3A_197 = arith.constant 1 : i32
    %get3A_198 = arith.index_cast %get3A_197 : i32 to index
    %get3A_199 = arith.constant 32 : index
    %get3A_200 = tpu.vector_load %arg15[%get3A_198, %get3A_199] {strides = array<i32>} : memref<8x128xf32, #tpu.memory_space<vmem>>, vector<1x16xf32>,
    %get3A_201 = vector.shape_cast %get3A_200 : vector<1x16xf32> to vector<16xf32>
    %add3A_202 = arith.addf %get3A_196, %get3A_201 : vector<16xf32>
    %get3A_203 = arith.constant 2 : i32
    %get3A_204 = arith.index_cast %get3A_203 : i32 to index
    %get3A_205 = arith.constant 32 : index
    %get3A_206 = tpu.vector_load %arg15[%get3A_204, %get3A_205] {strides = array<i32>} : memref<8x128xf32, #tpu.memory_space<vmem>>, vector<1x16xf32>,
    %get3A_207 = vector.shape_cast %get3A_206 : vector<1x16xf32> to vector<16xf32>
    %add3A_208 = arith.addf %add3A_202, %get3A_207 : vector<16xf32>
    %get3A_209 = arith.constant 3 : i32
    %get3A_210 = arith.index_cast %get3A_209 : i32 to index
    %get3A_211 = arith.constant 32 : index
    %get3A_212 = tpu.vector_load %arg15[%get3A_210, %get3A_211] {strides = array<i32>} : memref<8x128xf32, #tpu.memory_space<vmem>>, vector<1x16xf32>,
    %get3A_213 = vector.shape_cast %get3A_212 : vector<1x16xf32> to vector<16xf32>
    %add3A_214 = arith.addf %add3A_208, %get3A_213 : vector<16xf32>
    %get3A_215 = arith.constant 4 : i32
    %get3A_216 = arith.index_cast %get3A_215 : i32 to index
    %get3A_217 = arith.constant 32 : index
    %get3A_218 = tpu.vector_load %arg15[%get3A_216, %get3A_217] {strides = array<i32>} : memref<8x128xf32, #tpu.memory_space<vmem>>, vector<1x16xf32>,
    %get3A_219 = vector.shape_cast %get3A_218 : vector<1x16xf32> to vector<16xf32>
    %add3A_220 = arith.addf %add3A_214, %get3A_219 : vector<16xf32>
    %get3A_221 = arith.constant 5 : i32
    %get3A_222 = arith.index_cast %get3A_221 : i32 to index
    %get3A_223 = arith.constant 32 : index
    %get3A_224 = tpu.vector_load %arg15[%get3A_222, %get3A_223] {strides = array<i32>} : memref<8x128xf32, #tpu.memory_space<vmem>>, vector<1x16xf32>,
    %get3A_225 = vector.shape_cast %get3A_224 : vector<1x16xf32> to vector<16xf32>
    %add3A_226 = arith.addf %add3A_220, %get3A_225 : vector<16xf32>
    %get3A_227 = arith.constant 6 : i32
    %get3A_228 = arith.index_cast %get3A_227 : i32 to index
    %get3A_229 = arith.constant 32 : index
    %get3A_230 = tpu.vector_load %arg15[%get3A_228, %get3A_229] {strides = array<i32>} : memref<8x128xf32, #tpu.memory_space<vmem>>, vector<1x16xf32>,
    %get3A_231 = vector.shape_cast %get3A_230 : vector<1x16xf32> to vector<16xf32>
    %add3A_232 = arith.addf %add3A_226, %get3A_231 : vector<16xf32>
    %get3A_233 = arith.constant 7 : i32
    %get3A_234 = arith.index_cast %get3A_233 : i32 to index
    %get3A_235 = arith.constant 32 : index
    %get3A_236 = tpu.vector_load %arg15[%get3A_234, %get3A_235] {strides = array<i32>} : memref<8x128xf32, #tpu.memory_space<vmem>>, vector<1x16xf32>,
    %get3A_237 = vector.shape_cast %get3A_236 : vector<1x16xf32> to vector<16xf32>
    %add3A_238 = arith.addf %add3A_232, %get3A_237 : vector<16xf32>
    %get3A_239 = arith.constant 0 : i32
    %get3A_240 = arith.index_cast %get3A_239 : i32 to index
    %get3A_241 = arith.constant 32 : index
    %get3A_242 = tpu.vector_load %arg16[%get3A_240, %get3A_241] {strides = array<i32>} : memref<1x128xf32, #tpu.memory_space<vmem>>, vector<1x16xf32>,
    %get3A_243 = vector.shape_cast %get3A_242 : vector<1x16xf32> to vector<16xf32>
    %mul3A_244 = arith.mulf %mul3A_51, %add3A_238 : vector<16xf32>
    %mul3A_245 = arith.mulf %mul3A_60, %get3A_243 : vector<16xf32>
    %add3A_246 = arith.addf %mul3A_244, %mul3A_245 : vector<16xf32>
    %swap3A_247 = arith.constant 32 : index
    %swap3A_248 = tpu.vector_load %arg21[%swap3A_247] {strides = array<i32>} : memref<128xf32, #tpu.memory_space<vmem>>, vector<16xf32>,
    %swap3A_249 = vector.shape_cast %swap3A_248 : vector<16xf32> to vector<16xf32>
    %swap3A_250 = vector.shape_cast %add3A_246 : vector<16xf32> to vector<16xf32>
    tpu.vector_store %arg21[%swap3A_247], %swap3A_250 {strides = array<i32>} : memref<128xf32, #tpu.memory_space<vmem>>, vector<16xf32>,
    %get3A_251 = arith.constant 0 : i32
    %get3A_252 = arith.index_cast %get3A_251 : i32 to index
    %get3A_253 = arith.constant 48 : index
    %get3A_254 = tpu.vector_load %arg15[%get3A_252, %get3A_253] {strides = array<i32>} : memref<8x128xf32, #tpu.memory_space<vmem>>, vector<1x16xf32>,
    %get3A_255 = vector.shape_cast %get3A_254 : vector<1x16xf32> to vector<16xf32>
    %get3A_256 = arith.constant 1 : i32
    %get3A_257 = arith.index_cast %get3A_256 : i32 to index
    %get3A_258 = arith.constant 48 : index
    %get3A_259 = tpu.vector_load %arg15[%get3A_257, %get3A_258] {strides = array<i32>} : memref<8x128xf32, #tpu.memory_space<vmem>>, vector<1x16xf32>,
    %get3A_260 = vector.shape_cast %get3A_259 : vector<1x16xf32> to vector<16xf32>
    %add3A_261 = arith.addf %get3A_255, %get3A_260 : vector<16xf32>
    %get3A_262 = arith.constant 2 : i32
    %get3A_263 = arith.index_cast %get3A_262 : i32 to index
    %get3A_264 = arith.constant 48 : index
    %get3A_265 = tpu.vector_load %arg15[%get3A_263, %get3A_264] {strides = array<i32>} : memref<8x128xf32, #tpu.memory_space<vmem>>, vector<1x16xf32>,
    %get3A_266 = vector.shape_cast %get3A_265 : vector<1x16xf32> to vector<16xf32>
    %add3A_267 = arith.addf %add3A_261, %get3A_266 : vector<16xf32>
    %get3A_268 = arith.constant 3 : i32
    %get3A_269 = arith.index_cast %get3A_268 : i32 to index
    %get3A_270 = arith.constant 48 : index
    %get3A_271 = tpu.vector_load %arg15[%get3A_269, %get3A_270] {strides = array<i32>} : memref<8x128xf32, #tpu.memory_space<vmem>>, vector<1x16xf32>,
    %get3A_272 = vector.shape_cast %get3A_271 : vector<1x16xf32> to vector<16xf32>
    %add3A_273 = arith.addf %add3A_267, %get3A_272 : vector<16xf32>
    %get3A_274 = arith.constant 4 : i32
    %get3A_275 = arith.index_cast %get3A_274 : i32 to index
    %get3A_276 = arith.constant 48 : index
    %get3A_277 = tpu.vector_load %arg15[%get3A_275, %get3A_276] {strides = array<i32>} : memref<8x128xf32, #tpu.memory_space<vmem>>, vector<1x16xf32>,
    %get3A_278 = vector.shape_cast %get3A_277 : vector<1x16xf32> to vector<16xf32>
    %add3A_279 = arith.addf %add3A_273, %get3A_278 : vector<16xf32>
    %get3A_280 = arith.constant 5 : i32
    %get3A_281 = arith.index_cast %get3A_280 : i32 to index
    %get3A_282 = arith.constant 48 : index
    %get3A_283 = tpu.vector_load %arg15[%get3A_281, %get3A_282] {strides = array<i32>} : memref<8x128xf32, #tpu.memory_space<vmem>>, vector<1x16xf32>,
    %get3A_284 = vector.shape_cast %get3A_283 : vector<1x16xf32> to vector<16xf32>
    %add3A_285 = arith.addf %add3A_279, %get3A_284 : vector<16xf32>
    %get3A_286 = arith.constant 6 : i32
    %get3A_287 = arith.index_cast %get3A_286 : i32 to index
    %get3A_288 = arith.constant 48 : index
    %get3A_289 = tpu.vector_load %arg15[%get3A_287, %get3A_288] {strides = array<i32>} : memref<8x128xf32, #tpu.memory_space<vmem>>, vector<1x16xf32>,
    %get3A_290 = vector.shape_cast %get3A_289 : vector<1x16xf32> to vector<16xf32>
    %add3A_291 = arith.addf %add3A_285, %get3A_290 : vector<16xf32>
    %get3A_292 = arith.constant 7 : i32
    %get3A_293 = arith.index_cast %get3A_292 : i32 to index
    %get3A_294 = arith.constant 48 : index
    %get3A_295 = tpu.vector_load %arg15[%get3A_293, %get3A_294] {strides = array<i32>} : memref<8x128xf32, #tpu.memory_space<vmem>>, vector<1x16xf32>,
    %get3A_296 = vector.shape_cast %get3A_295 : vector<1x16xf32> to vector<16xf32>
    %add3A_297 = arith.addf %add3A_291, %get3A_296 : vector<16xf32>
    %get3A_298 = arith.constant 0 : i32
    %get3A_299 = arith.index_cast %get3A_298 : i32 to index
    %get3A_300 = arith.constant 48 : index
    %get3A_301 = tpu.vector_load %arg16[%get3A_299, %get3A_300] {strides = array<i32>} : memref<1x128xf32, #tpu.memory_space<vmem>>, vector<1x16xf32>,
    %get3A_302 = vector.shape_cast %get3A_301 : vector<1x16xf32> to vector<16xf32>
    %mul3A_303 = arith.mulf %mul3A_51, %add3A_297 : vector<16xf32>
    %mul3A_304 = arith.mulf %mul3A_60, %get3A_302 : vector<16xf32>
    %add3A_305 = arith.addf %mul3A_303, %mul3A_304 : vector<16xf32>
    %swap3A_306 = arith.constant 48 : index
    %swap3A_307 = tpu.vector_load %arg21[%swap3A_306] {strides = array<i32>} : memref<128xf32, #tpu.memory_space<vmem>>, vector<16xf32>,
    %swap3A_308 = vector.shape_cast %swap3A_307 : vector<16xf32> to vector<16xf32>
    %swap3A_309 = vector.shape_cast %add3A_305 : vector<16xf32> to vector<16xf32>
    tpu.vector_store %arg21[%swap3A_306], %swap3A_309 {strides = array<i32>} : memref<128xf32, #tpu.memory_space<vmem>>, vector<16xf32>,
    %get3A_310 = arith.constant 0 : i32
    %get3A_311 = arith.index_cast %get3A_310 : i32 to index
    %get3A_312 = arith.constant 64 : index
    %get3A_313 = tpu.vector_load %arg15[%get3A_311, %get3A_312] {strides = array<i32>} : memref<8x128xf32, #tpu.memory_space<vmem>>, vector<1x16xf32>,
    %get3A_314 = vector.shape_cast %get3A_313 : vector<1x16xf32> to vector<16xf32>
    %get3A_315 = arith.constant 1 : i32
    %get3A_316 = arith.index_cast %get3A_315 : i32 to index
    %get3A_317 = arith.constant 64 : index
    %get3A_318 = tpu.vector_load %arg15[%get3A_316, %get3A_317] {strides = array<i32>} : memref<8x128xf32, #tpu.memory_space<vmem>>, vector<1x16xf32>,
    %get3A_319 = vector.shape_cast %get3A_318 : vector<1x16xf32> to vector<16xf32>
    %add3A_320 = arith.addf %get3A_314, %get3A_319 : vector<16xf32>
    %get3A_321 = arith.constant 2 : i32
    %get3A_322 = arith.index_cast %get3A_321 : i32 to index
    %get3A_323 = arith.constant 64 : index
    %get3A_324 = tpu.vector_load %arg15[%get3A_322, %get3A_323] {strides = array<i32>} : memref<8x128xf32, #tpu.memory_space<vmem>>, vector<1x16xf32>,
    %get3A_325 = vector.shape_cast %get3A_324 : vector<1x16xf32> to vector<16xf32>
    %add3A_326 = arith.addf %add3A_320, %get3A_325 : vector<16xf32>
    %get3A_327 = arith.constant 3 : i32
    %get3A_328 = arith.index_cast %get3A_327 : i32 to index
    %get3A_329 = arith.constant 64 : index
    %get3A_330 = tpu.vector_load %arg15[%get3A_328, %get3A_329] {strides = array<i32>} : memref<8x128xf32, #tpu.memory_space<vmem>>, vector<1x16xf32>,
    %get3A_331 = vector.shape_cast %get3A_330 : vector<1x16xf32> to vector<16xf32>
    %add3A_332 = arith.addf %add3A_326, %get3A_331 : vector<16xf32>
    %get3A_333 = arith.constant 4 : i32
    %get3A_334 = arith.index_cast %get3A_333 : i32 to index
    %get3A_335 = arith.constant 64 : index
    %get3A_336 = tpu.vector_load %arg15[%get3A_334, %get3A_335] {strides = array<i32>} : memref<8x128xf32, #tpu.memory_space<vmem>>, vector<1x16xf32>,
    %get3A_337 = vector.shape_cast %get3A_336 : vector<1x16xf32> to vector<16xf32>
    %add3A_338 = arith.addf %add3A_332, %get3A_337 : vector<16xf32>
    %get3A_339 = arith.constant 5 : i32
    %get3A_340 = arith.index_cast %get3A_339 : i32 to index
    %get3A_341 = arith.constant 64 : index
    %get3A_342 = tpu.vector_load %arg15[%get3A_340, %get3A_341] {strides = array<i32>} : memref<8x128xf32, #tpu.memory_space<vmem>>, vector<1x16xf32>,
    %get3A_343 = vector.shape_cast %get3A_342 : vector<1x16xf32> to vector<16xf32>
    %add3A_344 = arith.addf %add3A_338, %get3A_343 : vector<16xf32>
    %get3A_345 = arith.constant 6 : i32
    %get3A_346 = arith.index_cast %get3A_345 : i32 to index
    %get3A_347 = arith.constant 64 : index
    %get3A_348 = tpu.vector_load %arg15[%get3A_346, %get3A_347] {strides = array<i32>} : memref<8x128xf32, #tpu.memory_space<vmem>>, vector<1x16xf32>,
    %get3A_349 = vector.shape_cast %get3A_348 : vector<1x16xf32> to vector<16xf32>
    %add3A_350 = arith.addf %add3A_344, %get3A_349 : vector<16xf32>
    %get3A_351 = arith.constant 7 : i32
    %get3A_352 = arith.index_cast %get3A_351 : i32 to index
    %get3A_353 = arith.constant 64 : index
    %get3A_354 = tpu.vector_load %arg15[%get3A_352, %get3A_353] {strides = array<i32>} : memref<8x128xf32, #tpu.memory_space<vmem>>, vector<1x16xf32>,
    %get3A_355 = vector.shape_cast %get3A_354 : vector<1x16xf32> to vector<16xf32>
    %add3A_356 = arith.addf %add3A_350, %get3A_355 : vector<16xf32>
    %get3A_357 = arith.constant 0 : i32
    %get3A_358 = arith.index_cast %get3A_357 : i32 to index
    %get3A_359 = arith.constant 64 : index
    %get3A_360 = tpu.vector_load %arg16[%get3A_358, %get3A_359] {strides = array<i32>} : memref<1x128xf32, #tpu.memory_space<vmem>>, vector<1x16xf32>,
    %get3A_361 = vector.shape_cast %get3A_360 : vector<1x16xf32> to vector<16xf32>
    %mul3A_362 = arith.mulf %mul3A_51, %add3A_356 : vector<16xf32>
    %mul3A_363 = arith.mulf %mul3A_60, %get3A_361 : vector<16xf32>
    %add3A_364 = arith.addf %mul3A_362, %mul3A_363 : vector<16xf32>
    %swap3A_365 = arith.constant 64 : index
    %swap3A_366 = tpu.vector_load %arg21[%swap3A_365] {strides = array<i32>} : memref<128xf32, #tpu.memory_space<vmem>>, vector<16xf32>,
    %swap3A_367 = vector.shape_cast %swap3A_366 : vector<16xf32> to vector<16xf32>
    %swap3A_368 = vector.shape_cast %add3A_364 : vector<16xf32> to vector<16xf32>
    tpu.vector_store %arg21[%swap3A_365], %swap3A_368 {strides = array<i32>} : memref<128xf32, #tpu.memory_space<vmem>>, vector<16xf32>,
    %get3A_369 = arith.constant 0 : i32
    %get3A_370 = arith.index_cast %get3A_369 : i32 to index
    %get3A_371 = arith.constant 80 : index
    %get3A_372 = tpu.vector_load %arg15[%get3A_370, %get3A_371] {strides = array<i32>} : memref<8x128xf32, #tpu.memory_space<vmem>>, vector<1x16xf32>,
    %get3A_373 = vector.shape_cast %get3A_372 : vector<1x16xf32> to vector<16xf32>
    %get3A_374 = arith.constant 1 : i32
    %get3A_375 = arith.index_cast %get3A_374 : i32 to index
    %get3A_376 = arith.constant 80 : index
    %get3A_377 = tpu.vector_load %arg15[%get3A_375, %get3A_376] {strides = array<i32>} : memref<8x128xf32, #tpu.memory_space<vmem>>, vector<1x16xf32>,
    %get3A_378 = vector.shape_cast %get3A_377 : vector<1x16xf32> to vector<16xf32>
    %add3A_379 = arith.addf %get3A_373, %get3A_378 : vector<16xf32>
    %get3A_380 = arith.constant 2 : i32
    %get3A_381 = arith.index_cast %get3A_380 : i32 to index
    %get3A_382 = arith.constant 80 : index
    %get3A_383 = tpu.vector_load %arg15[%get3A_381, %get3A_382] {strides = array<i32>} : memref<8x128xf32, #tpu.memory_space<vmem>>, vector<1x16xf32>,
    %get3A_384 = vector.shape_cast %get3A_383 : vector<1x16xf32> to vector<16xf32>
    %add3A_385 = arith.addf %add3A_379, %get3A_384 : vector<16xf32>
    %get3A_386 = arith.constant 3 : i32
    %get3A_387 = arith.index_cast %get3A_386 : i32 to index
    %get3A_388 = arith.constant 80 : index
    %get3A_389 = tpu.vector_load %arg15[%get3A_387, %get3A_388] {strides = array<i32>} : memref<8x128xf32, #tpu.memory_space<vmem>>, vector<1x16xf32>,
    %get3A_390 = vector.shape_cast %get3A_389 : vector<1x16xf32> to vector<16xf32>
    %add3A_391 = arith.addf %add3A_385, %get3A_390 : vector<16xf32>
    %get3A_392 = arith.constant 4 : i32
    %get3A_393 = arith.index_cast %get3A_392 : i32 to index
    %get3A_394 = arith.constant 80 : index
    %get3A_395 = tpu.vector_load %arg15[%get3A_393, %get3A_394] {strides = array<i32>} : memref<8x128xf32, #tpu.memory_space<vmem>>, vector<1x16xf32>,
    %get3A_396 = vector.shape_cast %get3A_395 : vector<1x16xf32> to vector<16xf32>
    %add3A_397 = arith.addf %add3A_391, %get3A_396 : vector<16xf32>
    %get3A_398 = arith.constant 5 : i32
    %get3A_399 = arith.index_cast %get3A_398 : i32 to index
    %get3A_400 = arith.constant 80 : index
    %get3A_401 = tpu.vector_load %arg15[%get3A_399, %get3A_400] {strides = array<i32>} : memref<8x128xf32, #tpu.memory_space<vmem>>, vector<1x16xf32>,
    %get3A_402 = vector.shape_cast %get3A_401 : vector<1x16xf32> to vector<16xf32>
    %add3A_403 = arith.addf %add3A_397, %get3A_402 : vector<16xf32>
    %get3A_404 = arith.constant 6 : i32
    %get3A_405 = arith.index_cast %get3A_404 : i32 to index
    %get3A_406 = arith.constant 80 : index
    %get3A_407 = tpu.vector_load %arg15[%get3A_405, %get3A_406] {strides = array<i32>} : memref<8x128xf32, #tpu.memory_space<vmem>>, vector<1x16xf32>,
    %get3A_408 = vector.shape_cast %get3A_407 : vector<1x16xf32> to vector<16xf32>
    %add3A_409 = arith.addf %add3A_403, %get3A_408 : vector<16xf32>
    %get3A_410 = arith.constant 7 : i32
    %get3A_411 = arith.index_cast %get3A_410 : i32 to index
    %get3A_412 = arith.constant 80 : index
    %get3A_413 = tpu.vector_load %arg15[%get3A_411, %get3A_412] {strides = array<i32>} : memref<8x128xf32, #tpu.memory_space<vmem>>, vector<1x16xf32>,
    %get3A_414 = vector.shape_cast %get3A_413 : vector<1x16xf32> to vector<16xf32>
    %add3A_415 = arith.addf %add3A_409, %get3A_414 : vector<16xf32>
    %get3A_416 = arith.constant 0 : i32
    %get3A_417 = arith.index_cast %get3A_416 : i32 to index
    %get3A_418 = arith.constant 80 : index
    %get3A_419 = tpu.vector_load %arg16[%get3A_417, %get3A_418] {strides = array<i32>} : memref<1x128xf32, #tpu.memory_space<vmem>>, vector<1x16xf32>,
    %get3A_420 = vector.shape_cast %get3A_419 : vector<1x16xf32> to vector<16xf32>
    %mul3A_421 = arith.mulf %mul3A_51, %add3A_415 : vector<16xf32>
    %mul3A_422 = arith.mulf %mul3A_60, %get3A_420 : vector<16xf32>
    %add3A_423 = arith.addf %mul3A_421, %mul3A_422 : vector<16xf32>
    %swap3A_424 = arith.constant 80 : index
    %swap3A_425 = tpu.vector_load %arg21[%swap3A_424] {strides = array<i32>} : memref<128xf32, #tpu.memory_space<vmem>>, vector<16xf32>,
    %swap3A_426 = vector.shape_cast %swap3A_425 : vector<16xf32> to vector<16xf32>
    %swap3A_427 = vector.shape_cast %add3A_423 : vector<16xf32> to vector<16xf32>
    tpu.vector_store %arg21[%swap3A_424], %swap3A_427 {strides = array<i32>} : memref<128xf32, #tpu.memory_space<vmem>>, vector<16xf32>,
    %get3A_428 = arith.constant 0 : i32
    %get3A_429 = arith.index_cast %get3A_428 : i32 to index
    %get3A_430 = arith.constant 96 : index
    %get3A_431 = tpu.vector_load %arg15[%get3A_429, %get3A_430] {strides = array<i32>} : memref<8x128xf32, #tpu.memory_space<vmem>>, vector<1x16xf32>,
    %get3A_432 = vector.shape_cast %get3A_431 : vector<1x16xf32> to vector<16xf32>
    %get3A_433 = arith.constant 1 : i32
    %get3A_434 = arith.index_cast %get3A_433 : i32 to index
    %get3A_435 = arith.constant 96 : index
    %get3A_436 = tpu.vector_load %arg15[%get3A_434, %get3A_435] {strides = array<i32>} : memref<8x128xf32, #tpu.memory_space<vmem>>, vector<1x16xf32>,
    %get3A_437 = vector.shape_cast %get3A_436 : vector<1x16xf32> to vector<16xf32>
    %add3A_438 = arith.addf %get3A_432, %get3A_437 : vector<16xf32>
    %get3A_439 = arith.constant 2 : i32
    %get3A_440 = arith.index_cast %get3A_439 : i32 to index
    %get3A_441 = arith.constant 96 : index
    %get3A_442 = tpu.vector_load %arg15[%get3A_440, %get3A_441] {strides = array<i32>} : memref<8x128xf32, #tpu.memory_space<vmem>>, vector<1x16xf32>,
    %get3A_443 = vector.shape_cast %get3A_442 : vector<1x16xf32> to vector<16xf32>
    %add3A_444 = arith.addf %add3A_438, %get3A_443 : vector<16xf32>
    %get3A_445 = arith.constant 3 : i32
    %get3A_446 = arith.index_cast %get3A_445 : i32 to index
    %get3A_447 = arith.constant 96 : index
    %get3A_448 = tpu.vector_load %arg15[%get3A_446, %get3A_447] {strides = array<i32>} : memref<8x128xf32, #tpu.memory_space<vmem>>, vector<1x16xf32>,
    %get3A_449 = vector.shape_cast %get3A_448 : vector<1x16xf32> to vector<16xf32>
    %add3A_450 = arith.addf %add3A_444, %get3A_449 : vector<16xf32>
    %get3A_451 = arith.constant 4 : i32
    %get3A_452 = arith.index_cast %get3A_451 : i32 to index
    %get3A_453 = arith.constant 96 : index
    %get3A_454 = tpu.vector_load %arg15[%get3A_452, %get3A_453] {strides = array<i32>} : memref<8x128xf32, #tpu.memory_space<vmem>>, vector<1x16xf32>,
    %get3A_455 = vector.shape_cast %get3A_454 : vector<1x16xf32> to vector<16xf32>
    %add3A_456 = arith.addf %add3A_450, %get3A_455 : vector<16xf32>
    %get3A_457 = arith.constant 5 : i32
    %get3A_458 = arith.index_cast %get3A_457 : i32 to index
    %get3A_459 = arith.constant 96 : index
    %get3A_460 = tpu.vector_load %arg15[%get3A_458, %get3A_459] {strides = array<i32>} : memref<8x128xf32, #tpu.memory_space<vmem>>, vector<1x16xf32>,
    %get3A_461 = vector.shape_cast %get3A_460 : vector<1x16xf32> to vector<16xf32>
    %add3A_462 = arith.addf %add3A_456, %get3A_461 : vector<16xf32>
    %get3A_463 = arith.constant 6 : i32
    %get3A_464 = arith.index_cast %get3A_463 : i32 to index
    %get3A_465 = arith.constant 96 : index
    %get3A_466 = tpu.vector_load %arg15[%get3A_464, %get3A_465] {strides = array<i32>} : memref<8x128xf32, #tpu.memory_space<vmem>>, vector<1x16xf32>,
    %get3A_467 = vector.shape_cast %get3A_466 : vector<1x16xf32> to vector<16xf32>
    %add3A_468 = arith.addf %add3A_462, %get3A_467 : vector<16xf32>
    %get3A_469 = arith.constant 7 : i32
    %get3A_470 = arith.index_cast %get3A_469 : i32 to index
    %get3A_471 = arith.constant 96 : index
    %get3A_472 = tpu.vector_load %arg15[%get3A_470, %get3A_471] {strides = array<i32>} : memref<8x128xf32, #tpu.memory_space<vmem>>, vector<1x16xf32>,
    %get3A_473 = vector.shape_cast %get3A_472 : vector<1x16xf32> to vector<16xf32>
    %add3A_474 = arith.addf %add3A_468, %get3A_473 : vector<16xf32>
    %get3A_475 = arith.constant 0 : i32
    %get3A_476 = arith.index_cast %get3A_475 : i32 to index
    %get3A_477 = arith.constant 96 : index
    %get3A_478 = tpu.vector_load %arg16[%get3A_476, %get3A_477] {strides = array<i32>} : memref<1x128xf32, #tpu.memory_space<vmem>>, vector<1x16xf32>,
    %get3A_479 = vector.shape_cast %get3A_478 : vector<1x16xf32> to vector<16xf32>
    %mul3A_480 = arith.mulf %mul3A_51, %add3A_474 : vector<16xf32>
    %mul3A_481 = arith.mulf %mul3A_60, %get3A_479 : vector<16xf32>
    %add3A_482 = arith.addf %mul3A_480, %mul3A_481 : vector<16xf32>
    %swap3A_483 = arith.constant 96 : index
    %swap3A_484 = tpu.vector_load %arg21[%swap3A_483] {strides = array<i32>} : memref<128xf32, #tpu.memory_space<vmem>>, vector<16xf32>,
    %swap3A_485 = vector.shape_cast %swap3A_484 : vector<16xf32> to vector<16xf32>
    %swap3A_486 = vector.shape_cast %add3A_482 : vector<16xf32> to vector<16xf32>
    tpu.vector_store %arg21[%swap3A_483], %swap3A_486 {strides = array<i32>} : memref<128xf32, #tpu.memory_space<vmem>>, vector<16xf32>,
    %get3A_487 = arith.constant 0 : i32
    %get3A_488 = arith.index_cast %get3A_487 : i32 to index
    %get3A_489 = arith.constant 112 : index
    %get3A_490 = tpu.vector_load %arg15[%get3A_488, %get3A_489] {strides = array<i32>} : memref<8x128xf32, #tpu.memory_space<vmem>>, vector<1x16xf32>,
    %get3A_491 = vector.shape_cast %get3A_490 : vector<1x16xf32> to vector<16xf32>
    %get3A_492 = arith.constant 1 : i32
    %get3A_493 = arith.index_cast %get3A_492 : i32 to index
    %get3A_494 = arith.constant 112 : index
    %get3A_495 = tpu.vector_load %arg15[%get3A_493, %get3A_494] {strides = array<i32>} : memref<8x128xf32, #tpu.memory_space<vmem>>, vector<1x16xf32>,
    %get3A_496 = vector.shape_cast %get3A_495 : vector<1x16xf32> to vector<16xf32>
    %add3A_497 = arith.addf %get3A_491, %get3A_496 : vector<16xf32>
    %get3A_498 = arith.constant 2 : i32
    %get3A_499 = arith.index_cast %get3A_498 : i32 to index
    %get3A_500 = arith.constant 112 : index
    %get3A_501 = tpu.vector_load %arg15[%get3A_499, %get3A_500] {strides = array<i32>} : memref<8x128xf32, #tpu.memory_space<vmem>>, vector<1x16xf32>,
    %get3A_502 = vector.shape_cast %get3A_501 : vector<1x16xf32> to vector<16xf32>
    %add3A_503 = arith.addf %add3A_497, %get3A_502 : vector<16xf32>
    %get3A_504 = arith.constant 3 : i32
    %get3A_505 = arith.index_cast %get3A_504 : i32 to index
    %get3A_506 = arith.constant 112 : index
    %get3A_507 = tpu.vector_load %arg15[%get3A_505, %get3A_506] {strides = array<i32>} : memref<8x128xf32, #tpu.memory_space<vmem>>, vector<1x16xf32>,
    %get3A_508 = vector.shape_cast %get3A_507 : vector<1x16xf32> to vector<16xf32>
    %add3A_509 = arith.addf %add3A_503, %get3A_508 : vector<16xf32>
    %get3A_510 = arith.constant 4 : i32
    %get3A_511 = arith.index_cast %get3A_510 : i32 to index
    %get3A_512 = arith.constant 112 : index
    %get3A_513 = tpu.vector_load %arg15[%get3A_511, %get3A_512] {strides = array<i32>} : memref<8x128xf32, #tpu.memory_space<vmem>>, vector<1x16xf32>,
    %get3A_514 = vector.shape_cast %get3A_513 : vector<1x16xf32> to vector<16xf32>
    %add3A_515 = arith.addf %add3A_509, %get3A_514 : vector<16xf32>
    %get3A_516 = arith.constant 5 : i32
    %get3A_517 = arith.index_cast %get3A_516 : i32 to index
    %get3A_518 = arith.constant 112 : index
    %get3A_519 = tpu.vector_load %arg15[%get3A_517, %get3A_518] {strides = array<i32>} : memref<8x128xf32, #tpu.memory_space<vmem>>, vector<1x16xf32>,
    %get3A_520 = vector.shape_cast %get3A_519 : vector<1x16xf32> to vector<16xf32>
    %add3A_521 = arith.addf %add3A_515, %get3A_520 : vector<16xf32>
    %get3A_522 = arith.constant 6 : i32
    %get3A_523 = arith.index_cast %get3A_522 : i32 to index
    %get3A_524 = arith.constant 112 : index
    %get3A_525 = tpu.vector_load %arg15[%get3A_523, %get3A_524] {strides = array<i32>} : memref<8x128xf32, #tpu.memory_space<vmem>>, vector<1x16xf32>,
    %get3A_526 = vector.shape_cast %get3A_525 : vector<1x16xf32> to vector<16xf32>
    %add3A_527 = arith.addf %add3A_521, %get3A_526 : vector<16xf32>
    %get3A_528 = arith.constant 7 : i32
    %get3A_529 = arith.index_cast %get3A_528 : i32 to index
    %get3A_530 = arith.constant 112 : index
    %get3A_531 = tpu.vector_load %arg15[%get3A_529, %get3A_530] {strides = array<i32>} : memref<8x128xf32, #tpu.memory_space<vmem>>, vector<1x16xf32>,
    %get3A_532 = vector.shape_cast %get3A_531 : vector<1x16xf32> to vector<16xf32>
    %add3A_533 = arith.addf %add3A_527, %get3A_532 : vector<16xf32>
    %get3A_534 = arith.constant 0 : i32
    %get3A_535 = arith.index_cast %get3A_534 : i32 to index
    %get3A_536 = arith.constant 112 : index
    %get3A_537 = tpu.vector_load %arg16[%get3A_535, %get3A_536] {strides = array<i32>} : memref<1x128xf32, #tpu.memory_space<vmem>>, vector<1x16xf32>,
    %get3A_538 = vector.shape_cast %get3A_537 : vector<1x16xf32> to vector<16xf32>
    %mul3A_539 = arith.mulf %mul3A_51, %add3A_533 : vector<16xf32>
    %mul3A_540 = arith.mulf %mul3A_60, %get3A_538 : vector<16xf32>
    %add3A_541 = arith.addf %mul3A_539, %mul3A_540 : vector<16xf32>
    %swap3A_542 = arith.constant 112 : index
    %swap3A_543 = tpu.vector_load %arg21[%swap3A_542] {strides = array<i32>} : memref<128xf32, #tpu.memory_space<vmem>>, vector<16xf32>,
    %swap3A_544 = vector.shape_cast %swap3A_543 : vector<16xf32> to vector<16xf32>
    %swap3A_545 = vector.shape_cast %add3A_541 : vector<16xf32> to vector<16xf32>
    tpu.vector_store %arg21[%swap3A_542], %swap3A_545 {strides = array<i32>} : memref<128xf32, #tpu.memory_space<vmem>>, vector<16xf32>,
    %dma_wait3A_546 = arith.constant 0 : i32
    %dma_wait3A_547 = arith.constant 0 : i32
    %dma_wait3A_548 = tpu.memref_slice %arg17[%dma_wait3A_546, %dma_wait3A_547] : memref<32x128xf32, #tpu.memory_space<vmem>> -> memref<16x128xf32, #tpu.memory_space<vmem>>
    %dma_wait3A_549 = arith.constant 0 : i32
    %dma_wait3A_550 = tpu.memref_slice %arg14[%dma_wait3A_549] : memref<32xi32, #tpu.memory_space<vmem>> -> memref<16xi32, #tpu.memory_space<vmem>>
    %dma_wait3A_551 = arith.constant 0 : i32
    %dma_wait3A_552 = arith.constant 0 : i32
    %dma_wait3A_553 = tpu.memref_slice %arg4[%dma_wait3A_551, %dma_wait3A_552] : memref<100000x128xf32, #tpu.memory_space<hbm>> -> memref<100000x128xf32, #tpu.memory_space<hbm>>
    tpu.wait_indirect_dma semaphore(%arg25 : memref<!tpu.dma_semaphore, #tpu.memory_space<semaphore_mem>>) src(%dma_wait3A_553 : memref<100000x128xf32, #tpu.memory_space<hbm>>) dst(%dma_wait3A_548 : memref<16x128xf32, #tpu.memory_space<vmem>>)
    %get3A_554 = arith.constant 0 : i32
    %get3A_555 = arith.index_cast %get3A_554 : i32 to index
    %get3A_556 = arith.constant 0 : index
    %get3A_557 = tpu.vector_load %arg17[%get3A_555, %get3A_556] {strides = array<i32>} : memref<32x128xf32, #tpu.memory_space<vmem>>, vector<1x16xf32>,
    %get3A_558 = vector.shape_cast %get3A_557 : vector<1x16xf32> to vector<16xf32>
    %get3A_559 = arith.constant 1 : i32
    %get3A_560 = arith.index_cast %get3A_559 : i32 to index
    %get3A_561 = arith.constant 0 : index
    %get3A_562 = tpu.vector_load %arg17[%get3A_560, %get3A_561] {strides = array<i32>} : memref<32x128xf32, #tpu.memory_space<vmem>>, vector<1x16xf32>,
    %get3A_563 = vector.shape_cast %get3A_562 : vector<1x16xf32> to vector<16xf32>
    %add3A_564 = arith.addf %get3A_558, %get3A_563 : vector<16xf32>
    %get3A_565 = arith.constant 2 : i32
    %get3A_566 = arith.index_cast %get3A_565 : i32 to index
    %get3A_567 = arith.constant 0 : index
    %get3A_568 = tpu.vector_load %arg17[%get3A_566, %get3A_567] {strides = array<i32>} : memref<32x128xf32, #tpu.memory_space<vmem>>, vector<1x16xf32>,
    %get3A_569 = vector.shape_cast %get3A_568 : vector<1x16xf32> to vector<16xf32>
    %add3A_570 = arith.addf %add3A_564, %get3A_569 : vector<16xf32>
    %get3A_571 = arith.constant 3 : i32
    %get3A_572 = arith.index_cast %get3A_571 : i32 to index
    %get3A_573 = arith.constant 0 : index
    %get3A_574 = tpu.vector_load %arg17[%get3A_572, %get3A_573] {strides = array<i32>} : memref<32x128xf32, #tpu.memory_space<vmem>>, vector<1x16xf32>,
    %get3A_575 = vector.shape_cast %get3A_574 : vector<1x16xf32> to vector<16xf32>
    %add3A_576 = arith.addf %add3A_570, %get3A_575 : vector<16xf32>
    %get3A_577 = arith.constant 4 : i32
    %get3A_578 = arith.index_cast %get3A_577 : i32 to index
    %get3A_579 = arith.constant 0 : index
    %get3A_580 = tpu.vector_load %arg17[%get3A_578, %get3A_579] {strides = array<i32>} : memref<32x128xf32, #tpu.memory_space<vmem>>, vector<1x16xf32>,
    %get3A_581 = vector.shape_cast %get3A_580 : vector<1x16xf32> to vector<16xf32>
    %add3A_582 = arith.addf %add3A_576, %get3A_581 : vector<16xf32>
    %get3A_583 = arith.constant 5 : i32
    %get3A_584 = arith.index_cast %get3A_583 : i32 to index
    %get3A_585 = arith.constant 0 : index
    %get3A_586 = tpu.vector_load %arg17[%get3A_584, %get3A_585] {strides = array<i32>} : memref<32x128xf32, #tpu.memory_space<vmem>>, vector<1x16xf32>,
    %get3A_587 = vector.shape_cast %get3A_586 : vector<1x16xf32> to vector<16xf32>
    %add3A_588 = arith.addf %add3A_582, %get3A_587 : vector<16xf32>
    %get3A_589 = arith.constant 6 : i32
    %get3A_590 = arith.index_cast %get3A_589 : i32 to index
    %get3A_591 = arith.constant 0 : index
    %get3A_592 = tpu.vector_load %arg17[%get3A_590, %get3A_591] {strides = array<i32>} : memref<32x128xf32, #tpu.memory_space<vmem>>, vector<1x16xf32>,
    %get3A_593 = vector.shape_cast %get3A_592 : vector<1x16xf32> to vector<16xf32>
    %add3A_594 = arith.addf %add3A_588, %get3A_593 : vector<16xf32>
    %get3A_595 = arith.constant 7 : i32
    %get3A_596 = arith.index_cast %get3A_595 : i32 to index
    %get3A_597 = arith.constant 0 : index
    %get3A_598 = tpu.vector_load %arg17[%get3A_596, %get3A_597] {strides = array<i32>} : memref<32x128xf32, #tpu.memory_space<vmem>>, vector<1x16xf32>,
    %get3A_599 = vector.shape_cast %get3A_598 : vector<1x16xf32> to vector<16xf32>
    %add3A_600 = arith.addf %add3A_594, %get3A_599 : vector<16xf32>
    %get3A_601 = arith.constant 8 : i32
    %get3A_602 = arith.index_cast %get3A_601 : i32 to index
    %get3A_603 = arith.constant 0 : index
    %get3A_604 = tpu.vector_load %arg17[%get3A_602, %get3A_603] {strides = array<i32>} : memref<32x128xf32, #tpu.memory_space<vmem>>, vector<1x16xf32>,
    %get3A_605 = vector.shape_cast %get3A_604 : vector<1x16xf32> to vector<16xf32>
    %add3A_606 = arith.addf %add3A_600, %get3A_605 : vector<16xf32>
    %get3A_607 = arith.constant 9 : i32
    %get3A_608 = arith.index_cast %get3A_607 : i32 to index
    %get3A_609 = arith.constant 0 : index
    %get3A_610 = tpu.vector_load %arg17[%get3A_608, %get3A_609] {strides = array<i32>} : memref<32x128xf32, #tpu.memory_space<vmem>>, vector<1x16xf32>,
    %get3A_611 = vector.shape_cast %get3A_610 : vector<1x16xf32> to vector<16xf32>
    %add3A_612 = arith.addf %add3A_606, %get3A_611 : vector<16xf32>
    %get3A_613 = arith.constant 10 : i32
    %get3A_614 = arith.index_cast %get3A_613 : i32 to index
    %get3A_615 = arith.constant 0 : index
    %get3A_616 = tpu.vector_load %arg17[%get3A_614, %get3A_615] {strides = array<i32>} : memref<32x128xf32, #tpu.memory_space<vmem>>, vector<1x16xf32>,
    %get3A_617 = vector.shape_cast %get3A_616 : vector<1x16xf32> to vector<16xf32>
    %add3A_618 = arith.addf %add3A_612, %get3A_617 : vector<16xf32>
    %get3A_619 = arith.constant 11 : i32
    %get3A_620 = arith.index_cast %get3A_619 : i32 to index
    %get3A_621 = arith.constant 0 : index
    %get3A_622 = tpu.vector_load %arg17[%get3A_620, %get3A_621] {strides = array<i32>} : memref<32x128xf32, #tpu.memory_space<vmem>>, vector<1x16xf32>,
    %get3A_623 = vector.shape_cast %get3A_622 : vector<1x16xf32> to vector<16xf32>
    %add3A_624 = arith.addf %add3A_618, %get3A_623 : vector<16xf32>
    %get3A_625 = arith.constant 12 : i32
    %get3A_626 = arith.index_cast %get3A_625 : i32 to index
    %get3A_627 = arith.constant 0 : index
    %get3A_628 = tpu.vector_load %arg17[%get3A_626, %get3A_627] {strides = array<i32>} : memref<32x128xf32, #tpu.memory_space<vmem>>, vector<1x16xf32>,
    %get3A_629 = vector.shape_cast %get3A_628 : vector<1x16xf32> to vector<16xf32>
    %add3A_630 = arith.addf %add3A_624, %get3A_629 : vector<16xf32>
    %get3A_631 = arith.constant 13 : i32
    %get3A_632 = arith.index_cast %get3A_631 : i32 to index
    %get3A_633 = arith.constant 0 : index
    %get3A_634 = tpu.vector_load %arg17[%get3A_632, %get3A_633] {strides = array<i32>} : memref<32x128xf32, #tpu.memory_space<vmem>>, vector<1x16xf32>,
    %get3A_635 = vector.shape_cast %get3A_634 : vector<1x16xf32> to vector<16xf32>
    %add3A_636 = arith.addf %add3A_630, %get3A_635 : vector<16xf32>
    %get3A_637 = arith.constant 14 : i32
    %get3A_638 = arith.index_cast %get3A_637 : i32 to index
    %get3A_639 = arith.constant 0 : index
    %get3A_640 = tpu.vector_load %arg17[%get3A_638, %get3A_639] {strides = array<i32>} : memref<32x128xf32, #tpu.memory_space<vmem>>, vector<1x16xf32>,
    %get3A_641 = vector.shape_cast %get3A_640 : vector<1x16xf32> to vector<16xf32>
    %add3A_642 = arith.addf %add3A_636, %get3A_641 : vector<16xf32>
    %get3A_643 = arith.constant 15 : i32
    %get3A_644 = arith.index_cast %get3A_643 : i32 to index
    %get3A_645 = arith.constant 0 : index
    %get3A_646 = tpu.vector_load %arg17[%get3A_644, %get3A_645] {strides = array<i32>} : memref<32x128xf32, #tpu.memory_space<vmem>>, vector<1x16xf32>,
    %get3A_647 = vector.shape_cast %get3A_646 : vector<1x16xf32> to vector<16xf32>
    %add3A_648 = arith.addf %add3A_642, %get3A_647 : vector<16xf32>
    %get3A_649 = arith.constant 0 : index
    %get3A_650 = tpu.vector_load %arg21[%get3A_649] {strides = array<i32>} : memref<128xf32, #tpu.memory_space<vmem>>, vector<16xf32>,
    %get3A_651 = vector.shape_cast %get3A_650 : vector<16xf32> to vector<16xf32>
    %mul3A_652 = arith.mulf %mul3A_69, %add3A_648 : vector<16xf32>
    %add3A_653 = arith.addf %get3A_651, %mul3A_652 : vector<16xf32>
    %swap3A_654 = arith.constant 0 : index
    %swap3A_655 = tpu.vector_load %arg21[%swap3A_654] {strides = array<i32>} : memref<128xf32, #tpu.memory_space<vmem>>, vector<16xf32>,
    %swap3A_656 = vector.shape_cast %swap3A_655 : vector<16xf32> to vector<16xf32>
    %swap3A_657 = vector.shape_cast %add3A_653 : vector<16xf32> to vector<16xf32>
    tpu.vector_store %arg21[%swap3A_654], %swap3A_657 {strides = array<i32>} : memref<128xf32, #tpu.memory_space<vmem>>, vector<16xf32>,
    %get3A_658 = arith.constant 0 : i32
    %get3A_659 = arith.index_cast %get3A_658 : i32 to index
    %get3A_660 = arith.constant 16 : index
    %get3A_661 = tpu.vector_load %arg17[%get3A_659, %get3A_660] {strides = array<i32>} : memref<32x128xf32, #tpu.memory_space<vmem>>, vector<1x16xf32>,
    %get3A_662 = vector.shape_cast %get3A_661 : vector<1x16xf32> to vector<16xf32>
    %get3A_663 = arith.constant 1 : i32
    %get3A_664 = arith.index_cast %get3A_663 : i32 to index
    %get3A_665 = arith.constant 16 : index
    %get3A_666 = tpu.vector_load %arg17[%get3A_664, %get3A_665] {strides = array<i32>} : memref<32x128xf32, #tpu.memory_space<vmem>>, vector<1x16xf32>,
    %get3A_667 = vector.shape_cast %get3A_666 : vector<1x16xf32> to vector<16xf32>
    %add3A_668 = arith.addf %get3A_662, %get3A_667 : vector<16xf32>
    %get3A_669 = arith.constant 2 : i32
    %get3A_670 = arith.index_cast %get3A_669 : i32 to index
    %get3A_671 = arith.constant 16 : index
    %get3A_672 = tpu.vector_load %arg17[%get3A_670, %get3A_671] {strides = array<i32>} : memref<32x128xf32, #tpu.memory_space<vmem>>, vector<1x16xf32>,
    %get3A_673 = vector.shape_cast %get3A_672 : vector<1x16xf32> to vector<16xf32>
    %add3A_674 = arith.addf %add3A_668, %get3A_673 : vector<16xf32>
    %get3A_675 = arith.constant 3 : i32
    %get3A_676 = arith.index_cast %get3A_675 : i32 to index
    %get3A_677 = arith.constant 16 : index
    %get3A_678 = tpu.vector_load %arg17[%get3A_676, %get3A_677] {strides = array<i32>} : memref<32x128xf32, #tpu.memory_space<vmem>>, vector<1x16xf32>,
    %get3A_679 = vector.shape_cast %get3A_678 : vector<1x16xf32> to vector<16xf32>
    %add3A_680 = arith.addf %add3A_674, %get3A_679 : vector<16xf32>
    %get3A_681 = arith.constant 4 : i32
    %get3A_682 = arith.index_cast %get3A_681 : i32 to index
    %get3A_683 = arith.constant 16 : index
    %get3A_684 = tpu.vector_load %arg17[%get3A_682, %get3A_683] {strides = array<i32>} : memref<32x128xf32, #tpu.memory_space<vmem>>, vector<1x16xf32>,
    %get3A_685 = vector.shape_cast %get3A_684 : vector<1x16xf32> to vector<16xf32>
    %add3A_686 = arith.addf %add3A_680, %get3A_685 : vector<16xf32>
    %get3A_687 = arith.constant 5 : i32
    %get3A_688 = arith.index_cast %get3A_687 : i32 to index
    %get3A_689 = arith.constant 16 : index
    %get3A_690 = tpu.vector_load %arg17[%get3A_688, %get3A_689] {strides = array<i32>} : memref<32x128xf32, #tpu.memory_space<vmem>>, vector<1x16xf32>,
    %get3A_691 = vector.shape_cast %get3A_690 : vector<1x16xf32> to vector<16xf32>
    %add3A_692 = arith.addf %add3A_686, %get3A_691 : vector<16xf32>
    %get3A_693 = arith.constant 6 : i32
    %get3A_694 = arith.index_cast %get3A_693 : i32 to index
    %get3A_695 = arith.constant 16 : index
    %get3A_696 = tpu.vector_load %arg17[%get3A_694, %get3A_695] {strides = array<i32>} : memref<32x128xf32, #tpu.memory_space<vmem>>, vector<1x16xf32>,
    %get3A_697 = vector.shape_cast %get3A_696 : vector<1x16xf32> to vector<16xf32>
    %add3A_698 = arith.addf %add3A_692, %get3A_697 : vector<16xf32>
    %get3A_699 = arith.constant 7 : i32
    %get3A_700 = arith.index_cast %get3A_699 : i32 to index
    %get3A_701 = arith.constant 16 : index
    %get3A_702 = tpu.vector_load %arg17[%get3A_700, %get3A_701] {strides = array<i32>} : memref<32x128xf32, #tpu.memory_space<vmem>>, vector<1x16xf32>,
    %get3A_703 = vector.shape_cast %get3A_702 : vector<1x16xf32> to vector<16xf32>
    %add3A_704 = arith.addf %add3A_698, %get3A_703 : vector<16xf32>
    %get3A_705 = arith.constant 8 : i32
    %get3A_706 = arith.index_cast %get3A_705 : i32 to index
    %get3A_707 = arith.constant 16 : index
    %get3A_708 = tpu.vector_load %arg17[%get3A_706, %get3A_707] {strides = array<i32>} : memref<32x128xf32, #tpu.memory_space<vmem>>, vector<1x16xf32>,
    %get3A_709 = vector.shape_cast %get3A_708 : vector<1x16xf32> to vector<16xf32>
    %add3A_710 = arith.addf %add3A_704, %get3A_709 : vector<16xf32>
    %get3A_711 = arith.constant 9 : i32
    %get3A_712 = arith.index_cast %get3A_711 : i32 to index
    %get3A_713 = arith.constant 16 : index
    %get3A_714 = tpu.vector_load %arg17[%get3A_712, %get3A_713] {strides = array<i32>} : memref<32x128xf32, #tpu.memory_space<vmem>>, vector<1x16xf32>,
    %get3A_715 = vector.shape_cast %get3A_714 : vector<1x16xf32> to vector<16xf32>
    %add3A_716 = arith.addf %add3A_710, %get3A_715 : vector<16xf32>
    %get3A_717 = arith.constant 10 : i32
    %get3A_718 = arith.index_cast %get3A_717 : i32 to index
    %get3A_719 = arith.constant 16 : index
    %get3A_720 = tpu.vector_load %arg17[%get3A_718, %get3A_719] {strides = array<i32>} : memref<32x128xf32, #tpu.memory_space<vmem>>, vector<1x16xf32>,
    %get3A_721 = vector.shape_cast %get3A_720 : vector<1x16xf32> to vector<16xf32>
    %add3A_722 = arith.addf %add3A_716, %get3A_721 : vector<16xf32>
    %get3A_723 = arith.constant 11 : i32
    %get3A_724 = arith.index_cast %get3A_723 : i32 to index
    %get3A_725 = arith.constant 16 : index
    %get3A_726 = tpu.vector_load %arg17[%get3A_724, %get3A_725] {strides = array<i32>} : memref<32x128xf32, #tpu.memory_space<vmem>>, vector<1x16xf32>,
    %get3A_727 = vector.shape_cast %get3A_726 : vector<1x16xf32> to vector<16xf32>
    %add3A_728 = arith.addf %add3A_722, %get3A_727 : vector<16xf32>
    %get3A_729 = arith.constant 12 : i32
    %get3A_730 = arith.index_cast %get3A_729 : i32 to index
    %get3A_731 = arith.constant 16 : index
    %get3A_732 = tpu.vector_load %arg17[%get3A_730, %get3A_731] {strides = array<i32>} : memref<32x128xf32, #tpu.memory_space<vmem>>, vector<1x16xf32>,
    %get3A_733 = vector.shape_cast %get3A_732 : vector<1x16xf32> to vector<16xf32>
    %add3A_734 = arith.addf %add3A_728, %get3A_733 : vector<16xf32>
    %get3A_735 = arith.constant 13 : i32
    %get3A_736 = arith.index_cast %get3A_735 : i32 to index
    %get3A_737 = arith.constant 16 : index
    %get3A_738 = tpu.vector_load %arg17[%get3A_736, %get3A_737] {strides = array<i32>} : memref<32x128xf32, #tpu.memory_space<vmem>>, vector<1x16xf32>,
    %get3A_739 = vector.shape_cast %get3A_738 : vector<1x16xf32> to vector<16xf32>
    %add3A_740 = arith.addf %add3A_734, %get3A_739 : vector<16xf32>
    %get3A_741 = arith.constant 14 : i32
    %get3A_742 = arith.index_cast %get3A_741 : i32 to index
    %get3A_743 = arith.constant 16 : index
    %get3A_744 = tpu.vector_load %arg17[%get3A_742, %get3A_743] {strides = array<i32>} : memref<32x128xf32, #tpu.memory_space<vmem>>, vector<1x16xf32>,
    %get3A_745 = vector.shape_cast %get3A_744 : vector<1x16xf32> to vector<16xf32>
    %add3A_746 = arith.addf %add3A_740, %get3A_745 : vector<16xf32>
    %get3A_747 = arith.constant 15 : i32
    %get3A_748 = arith.index_cast %get3A_747 : i32 to index
    %get3A_749 = arith.constant 16 : index
    %get3A_750 = tpu.vector_load %arg17[%get3A_748, %get3A_749] {strides = array<i32>} : memref<32x128xf32, #tpu.memory_space<vmem>>, vector<1x16xf32>,
    %get3A_751 = vector.shape_cast %get3A_750 : vector<1x16xf32> to vector<16xf32>
    %add3A_752 = arith.addf %add3A_746, %get3A_751 : vector<16xf32>
    %get3A_753 = arith.constant 16 : index
    %get3A_754 = tpu.vector_load %arg21[%get3A_753] {strides = array<i32>} : memref<128xf32, #tpu.memory_space<vmem>>, vector<16xf32>,
    %get3A_755 = vector.shape_cast %get3A_754 : vector<16xf32> to vector<16xf32>
    %mul3A_756 = arith.mulf %mul3A_69, %add3A_752 : vector<16xf32>
    %add3A_757 = arith.addf %get3A_755, %mul3A_756 : vector<16xf32>
    %swap3A_758 = arith.constant 16 : index
    %swap3A_759 = tpu.vector_load %arg21[%swap3A_758] {strides = array<i32>} : memref<128xf32, #tpu.memory_space<vmem>>, vector<16xf32>,
    %swap3A_760 = vector.shape_cast %swap3A_759 : vector<16xf32> to vector<16xf32>
    %swap3A_761 = vector.shape_cast %add3A_757 : vector<16xf32> to vector<16xf32>
    tpu.vector_store %arg21[%swap3A_758], %swap3A_761 {strides = array<i32>} : memref<128xf32, #tpu.memory_space<vmem>>, vector<16xf32>,
    %get3A_762 = arith.constant 0 : i32
    %get3A_763 = arith.index_cast %get3A_762 : i32 to index
    %get3A_764 = arith.constant 32 : index
    %get3A_765 = tpu.vector_load %arg17[%get3A_763, %get3A_764] {strides = array<i32>} : memref<32x128xf32, #tpu.memory_space<vmem>>, vector<1x16xf32>,
    %get3A_766 = vector.shape_cast %get3A_765 : vector<1x16xf32> to vector<16xf32>
    %get3A_767 = arith.constant 1 : i32
    %get3A_768 = arith.index_cast %get3A_767 : i32 to index
    %get3A_769 = arith.constant 32 : index
    %get3A_770 = tpu.vector_load %arg17[%get3A_768, %get3A_769] {strides = array<i32>} : memref<32x128xf32, #tpu.memory_space<vmem>>, vector<1x16xf32>,
    %get3A_771 = vector.shape_cast %get3A_770 : vector<1x16xf32> to vector<16xf32>
    %add3A_772 = arith.addf %get3A_766, %get3A_771 : vector<16xf32>
    %get3A_773 = arith.constant 2 : i32
    %get3A_774 = arith.index_cast %get3A_773 : i32 to index
    %get3A_775 = arith.constant 32 : index
    %get3A_776 = tpu.vector_load %arg17[%get3A_774, %get3A_775] {strides = array<i32>} : memref<32x128xf32, #tpu.memory_space<vmem>>, vector<1x16xf32>,
    %get3A_777 = vector.shape_cast %get3A_776 : vector<1x16xf32> to vector<16xf32>
    %add3A_778 = arith.addf %add3A_772, %get3A_777 : vector<16xf32>
    %get3A_779 = arith.constant 3 : i32
    %get3A_780 = arith.index_cast %get3A_779 : i32 to index
    %get3A_781 = arith.constant 32 : index
    %get3A_782 = tpu.vector_load %arg17[%get3A_780, %get3A_781] {strides = array<i32>} : memref<32x128xf32, #tpu.memory_space<vmem>>, vector<1x16xf32>,
    %get3A_783 = vector.shape_cast %get3A_782 : vector<1x16xf32> to vector<16xf32>
    %add3A_784 = arith.addf %add3A_778, %get3A_783 : vector<16xf32>
    %get3A_785 = arith.constant 4 : i32
    %get3A_786 = arith.index_cast %get3A_785 : i32 to index
    %get3A_787 = arith.constant 32 : index
    %get3A_788 = tpu.vector_load %arg17[%get3A_786, %get3A_787] {strides = array<i32>} : memref<32x128xf32, #tpu.memory_space<vmem>>, vector<1x16xf32>,
    %get3A_789 = vector.shape_cast %get3A_788 : vector<1x16xf32> to vector<16xf32>
    %add3A_790 = arith.addf %add3A_784, %get3A_789 : vector<16xf32>
    %get3A_791 = arith.constant 5 : i32
    %get3A_792 = arith.index_cast %get3A_791 : i32 to index
    %get3A_793 = arith.constant 32 : index
    %get3A_794 = tpu.vector_load %arg17[%get3A_792, %get3A_793] {strides = array<i32>} : memref<32x128xf32, #tpu.memory_space<vmem>>, vector<1x16xf32>,
    %get3A_795 = vector.shape_cast %get3A_794 : vector<1x16xf32> to vector<16xf32>
    %add3A_796 = arith.addf %add3A_790, %get3A_795 : vector<16xf32>
    %get3A_797 = arith.constant 6 : i32
    %get3A_798 = arith.index_cast %get3A_797 : i32 to index
    %get3A_799 = arith.constant 32 : index
    %get3A_800 = tpu.vector_load %arg17[%get3A_798, %get3A_799] {strides = array<i32>} : memref<32x128xf32, #tpu.memory_space<vmem>>, vector<1x16xf32>,
    %get3A_801 = vector.shape_cast %get3A_800 : vector<1x16xf32> to vector<16xf32>
    %add3A_802 = arith.addf %add3A_796, %get3A_801 : vector<16xf32>
    %get3A_803 = arith.constant 7 : i32
    %get3A_804 = arith.index_cast %get3A_803 : i32 to index
    %get3A_805 = arith.constant 32 : index
    %get3A_806 = tpu.vector_load %arg17[%get3A_804, %get3A_805] {strides = array<i32>} : memref<32x128xf32, #tpu.memory_space<vmem>>, vector<1x16xf32>,
    %get3A_807 = vector.shape_cast %get3A_806 : vector<1x16xf32> to vector<16xf32>
    %add3A_808 = arith.addf %add3A_802, %get3A_807 : vector<16xf32>
    %get3A_809 = arith.constant 8 : i32
    %get3A_810 = arith.index_cast %get3A_809 : i32 to index
    %get3A_811 = arith.constant 32 : index
    %get3A_812 = tpu.vector_load %arg17[%get3A_810, %get3A_811] {strides = array<i32>} : memref<32x128xf32, #tpu.memory_space<vmem>>, vector<1x16xf32>,
    %get3A_813 = vector.shape_cast %get3A_812 : vector<1x16xf32> to vector<16xf32>
    %add3A_814 = arith.addf %add3A_808, %get3A_813 : vector<16xf32>
    %get3A_815 = arith.constant 9 : i32
    %get3A_816 = arith.index_cast %get3A_815 : i32 to index
    %get3A_817 = arith.constant 32 : index
    %get3A_818 = tpu.vector_load %arg17[%get3A_816, %get3A_817] {strides = array<i32>} : memref<32x128xf32, #tpu.memory_space<vmem>>, vector<1x16xf32>,
    %get3A_819 = vector.shape_cast %get3A_818 : vector<1x16xf32> to vector<16xf32>
    %add3A_820 = arith.addf %add3A_814, %get3A_819 : vector<16xf32>
    %get3A_821 = arith.constant 10 : i32
    %get3A_822 = arith.index_cast %get3A_821 : i32 to index
    %get3A_823 = arith.constant 32 : index
    %get3A_824 = tpu.vector_load %arg17[%get3A_822, %get3A_823] {strides = array<i32>} : memref<32x128xf32, #tpu.memory_space<vmem>>, vector<1x16xf32>,
    %get3A_825 = vector.shape_cast %get3A_824 : vector<1x16xf32> to vector<16xf32>
    %add3A_826 = arith.addf %add3A_820, %get3A_825 : vector<16xf32>
    %get3A_827 = arith.constant 11 : i32
    %get3A_828 = arith.index_cast %get3A_827 : i32 to index
    %get3A_829 = arith.constant 32 : index
    %get3A_830 = tpu.vector_load %arg17[%get3A_828, %get3A_829] {strides = array<i32>} : memref<32x128xf32, #tpu.memory_space<vmem>>, vector<1x16xf32>,
    %get3A_831 = vector.shape_cast %get3A_830 : vector<1x16xf32> to vector<16xf32>
    %add3A_832 = arith.addf %add3A_826, %get3A_831 : vector<16xf32>
    %get3A_833 = arith.constant 12 : i32
    %get3A_834 = arith.index_cast %get3A_833 : i32 to index
    %get3A_835 = arith.constant 32 : index
    %get3A_836 = tpu.vector_load %arg17[%get3A_834, %get3A_835] {strides = array<i32>} : memref<32x128xf32, #tpu.memory_space<vmem>>, vector<1x16xf32>,
    %get3A_837 = vector.shape_cast %get3A_836 : vector<1x16xf32> to vector<16xf32>
    %add3A_838 = arith.addf %add3A_832, %get3A_837 : vector<16xf32>
    %get3A_839 = arith.constant 13 : i32
    %get3A_840 = arith.index_cast %get3A_839 : i32 to index
    %get3A_841 = arith.constant 32 : index
    %get3A_842 = tpu.vector_load %arg17[%get3A_840, %get3A_841] {strides = array<i32>} : memref<32x128xf32, #tpu.memory_space<vmem>>, vector<1x16xf32>,
    %get3A_843 = vector.shape_cast %get3A_842 : vector<1x16xf32> to vector<16xf32>
    %add3A_844 = arith.addf %add3A_838, %get3A_843 : vector<16xf32>
    %get3A_845 = arith.constant 14 : i32
    %get3A_846 = arith.index_cast %get3A_845 : i32 to index
    %get3A_847 = arith.constant 32 : index
    %get3A_848 = tpu.vector_load %arg17[%get3A_846, %get3A_847] {strides = array<i32>} : memref<32x128xf32, #tpu.memory_space<vmem>>, vector<1x16xf32>,
    %get3A_849 = vector.shape_cast %get3A_848 : vector<1x16xf32> to vector<16xf32>
    %add3A_850 = arith.addf %add3A_844, %get3A_849 : vector<16xf32>
    %get3A_851 = arith.constant 15 : i32
    %get3A_852 = arith.index_cast %get3A_851 : i32 to index
    %get3A_853 = arith.constant 32 : index
    %get3A_854 = tpu.vector_load %arg17[%get3A_852, %get3A_853] {strides = array<i32>} : memref<32x128xf32, #tpu.memory_space<vmem>>, vector<1x16xf32>,
    %get3A_855 = vector.shape_cast %get3A_854 : vector<1x16xf32> to vector<16xf32>
    %add3A_856 = arith.addf %add3A_850, %get3A_855 : vector<16xf32>
    %get3A_857 = arith.constant 32 : index
    %get3A_858 = tpu.vector_load %arg21[%get3A_857] {strides = array<i32>} : memref<128xf32, #tpu.memory_space<vmem>>, vector<16xf32>,
    %get3A_859 = vector.shape_cast %get3A_858 : vector<16xf32> to vector<16xf32>
    %mul3A_860 = arith.mulf %mul3A_69, %add3A_856 : vector<16xf32>
    %add3A_861 = arith.addf %get3A_859, %mul3A_860 : vector<16xf32>
    %swap3A_862 = arith.constant 32 : index
    %swap3A_863 = tpu.vector_load %arg21[%swap3A_862] {strides = array<i32>} : memref<128xf32, #tpu.memory_space<vmem>>, vector<16xf32>,
    %swap3A_864 = vector.shape_cast %swap3A_863 : vector<16xf32> to vector<16xf32>
    %swap3A_865 = vector.shape_cast %add3A_861 : vector<16xf32> to vector<16xf32>
    tpu.vector_store %arg21[%swap3A_862], %swap3A_865 {strides = array<i32>} : memref<128xf32, #tpu.memory_space<vmem>>, vector<16xf32>,
    %get3A_866 = arith.constant 0 : i32
    %get3A_867 = arith.index_cast %get3A_866 : i32 to index
    %get3A_868 = arith.constant 48 : index
    %get3A_869 = tpu.vector_load %arg17[%get3A_867, %get3A_868] {strides = array<i32>} : memref<32x128xf32, #tpu.memory_space<vmem>>, vector<1x16xf32>,
    %get3A_870 = vector.shape_cast %get3A_869 : vector<1x16xf32> to vector<16xf32>
    %get3A_871 = arith.constant 1 : i32
    %get3A_872 = arith.index_cast %get3A_871 : i32 to index
    %get3A_873 = arith.constant 48 : index
    %get3A_874 = tpu.vector_load %arg17[%get3A_872, %get3A_873] {strides = array<i32>} : memref<32x128xf32, #tpu.memory_space<vmem>>, vector<1x16xf32>,
    %get3A_875 = vector.shape_cast %get3A_874 : vector<1x16xf32> to vector<16xf32>
    %add3A_876 = arith.addf %get3A_870, %get3A_875 : vector<16xf32>
    %get3A_877 = arith.constant 2 : i32
    %get3A_878 = arith.index_cast %get3A_877 : i32 to index
    %get3A_879 = arith.constant 48 : index
    %get3A_880 = tpu.vector_load %arg17[%get3A_878, %get3A_879] {strides = array<i32>} : memref<32x128xf32, #tpu.memory_space<vmem>>, vector<1x16xf32>,
    %get3A_881 = vector.shape_cast %get3A_880 : vector<1x16xf32> to vector<16xf32>
    %add3A_882 = arith.addf %add3A_876, %get3A_881 : vector<16xf32>
    %get3A_883 = arith.constant 3 : i32
    %get3A_884 = arith.index_cast %get3A_883 : i32 to index
    %get3A_885 = arith.constant 48 : index
    %get3A_886 = tpu.vector_load %arg17[%get3A_884, %get3A_885] {strides = array<i32>} : memref<32x128xf32, #tpu.memory_space<vmem>>, vector<1x16xf32>,
    %get3A_887 = vector.shape_cast %get3A_886 : vector<1x16xf32> to vector<16xf32>
    %add3A_888 = arith.addf %add3A_882, %get3A_887 : vector<16xf32>
    %get3A_889 = arith.constant 4 : i32
    %get3A_890 = arith.index_cast %get3A_889 : i32 to index
    %get3A_891 = arith.constant 48 : index
    %get3A_892 = tpu.vector_load %arg17[%get3A_890, %get3A_891] {strides = array<i32>} : memref<32x128xf32, #tpu.memory_space<vmem>>, vector<1x16xf32>,
    %get3A_893 = vector.shape_cast %get3A_892 : vector<1x16xf32> to vector<16xf32>
    %add3A_894 = arith.addf %add3A_888, %get3A_893 : vector<16xf32>
    %get3A_895 = arith.constant 5 : i32
    %get3A_896 = arith.index_cast %get3A_895 : i32 to index
    %get3A_897 = arith.constant 48 : index
    %get3A_898 = tpu.vector_load %arg17[%get3A_896, %get3A_897] {strides = array<i32>} : memref<32x128xf32, #tpu.memory_space<vmem>>, vector<1x16xf32>,
    %get3A_899 = vector.shape_cast %get3A_898 : vector<1x16xf32> to vector<16xf32>
    %add3A_900 = arith.addf %add3A_894, %get3A_899 : vector<16xf32>
    %get3A_901 = arith.constant 6 : i32
    %get3A_902 = arith.index_cast %get3A_901 : i32 to index
    %get3A_903 = arith.constant 48 : index
    %get3A_904 = tpu.vector_load %arg17[%get3A_902, %get3A_903] {strides = array<i32>} : memref<32x128xf32, #tpu.memory_space<vmem>>, vector<1x16xf32>,
    %get3A_905 = vector.shape_cast %get3A_904 : vector<1x16xf32> to vector<16xf32>
    %add3A_906 = arith.addf %add3A_900, %get3A_905 : vector<16xf32>
    %get3A_907 = arith.constant 7 : i32
    %get3A_908 = arith.index_cast %get3A_907 : i32 to index
    %get3A_909 = arith.constant 48 : index
    %get3A_910 = tpu.vector_load %arg17[%get3A_908, %get3A_909] {strides = array<i32>} : memref<32x128xf32, #tpu.memory_space<vmem>>, vector<1x16xf32>,
    %get3A_911 = vector.shape_cast %get3A_910 : vector<1x16xf32> to vector<16xf32>
    %add3A_912 = arith.addf %add3A_906, %get3A_911 : vector<16xf32>
    %get3A_913 = arith.constant 8 : i32
    %get3A_914 = arith.index_cast %get3A_913 : i32 to index
    %get3A_915 = arith.constant 48 : index
    %get3A_916 = tpu.vector_load %arg17[%get3A_914, %get3A_915] {strides = array<i32>} : memref<32x128xf32, #tpu.memory_space<vmem>>, vector<1x16xf32>,
    %get3A_917 = vector.shape_cast %get3A_916 : vector<1x16xf32> to vector<16xf32>
    %add3A_918 = arith.addf %add3A_912, %get3A_917 : vector<16xf32>
    %get3A_919 = arith.constant 9 : i32
    %get3A_920 = arith.index_cast %get3A_919 : i32 to index
    %get3A_921 = arith.constant 48 : index
    %get3A_922 = tpu.vector_load %arg17[%get3A_920, %get3A_921] {strides = array<i32>} : memref<32x128xf32, #tpu.memory_space<vmem>>, vector<1x16xf32>,
    %get3A_923 = vector.shape_cast %get3A_922 : vector<1x16xf32> to vector<16xf32>
    %add3A_924 = arith.addf %add3A_918, %get3A_923 : vector<16xf32>
    %get3A_925 = arith.constant 10 : i32
    %get3A_926 = arith.index_cast %get3A_925 : i32 to index
    %get3A_927 = arith.constant 48 : index
    %get3A_928 = tpu.vector_load %arg17[%get3A_926, %get3A_927] {strides = array<i32>} : memref<32x128xf32, #tpu.memory_space<vmem>>, vector<1x16xf32>,
    %get3A_929 = vector.shape_cast %get3A_928 : vector<1x16xf32> to vector<16xf32>
    %add3A_930 = arith.addf %add3A_924, %get3A_929 : vector<16xf32>
    %get3A_931 = arith.constant 11 : i32
    %get3A_932 = arith.index_cast %get3A_931 : i32 to index
    %get3A_933 = arith.constant 48 : index
    %get3A_934 = tpu.vector_load %arg17[%get3A_932, %get3A_933] {strides = array<i32>} : memref<32x128xf32, #tpu.memory_space<vmem>>, vector<1x16xf32>,
    %get3A_935 = vector.shape_cast %get3A_934 : vector<1x16xf32> to vector<16xf32>
    %add3A_936 = arith.addf %add3A_930, %get3A_935 : vector<16xf32>
    %get3A_937 = arith.constant 12 : i32
    %get3A_938 = arith.index_cast %get3A_937 : i32 to index
    %get3A_939 = arith.constant 48 : index
    %get3A_940 = tpu.vector_load %arg17[%get3A_938, %get3A_939] {strides = array<i32>} : memref<32x128xf32, #tpu.memory_space<vmem>>, vector<1x16xf32>,
    %get3A_941 = vector.shape_cast %get3A_940 : vector<1x16xf32> to vector<16xf32>
    %add3A_942 = arith.addf %add3A_936, %get3A_941 : vector<16xf32>
    %get3A_943 = arith.constant 13 : i32
    %get3A_944 = arith.index_cast %get3A_943 : i32 to index
    %get3A_945 = arith.constant 48 : index
    %get3A_946 = tpu.vector_load %arg17[%get3A_944, %get3A_945] {strides = array<i32>} : memref<32x128xf32, #tpu.memory_space<vmem>>, vector<1x16xf32>,
    %get3A_947 = vector.shape_cast %get3A_946 : vector<1x16xf32> to vector<16xf32>
    %add3A_948 = arith.addf %add3A_942, %get3A_947 : vector<16xf32>
    %get3A_949 = arith.constant 14 : i32
    %get3A_950 = arith.index_cast %get3A_949 : i32 to index
    %get3A_951 = arith.constant 48 : index
    %get3A_952 = tpu.vector_load %arg17[%get3A_950, %get3A_951] {strides = array<i32>} : memref<32x128xf32, #tpu.memory_space<vmem>>, vector<1x16xf32>,
    %get3A_953 = vector.shape_cast %get3A_952 : vector<1x16xf32> to vector<16xf32>
    %add3A_954 = arith.addf %add3A_948, %get3A_953 : vector<16xf32>
    %get3A_955 = arith.constant 15 : i32
    %get3A_956 = arith.index_cast %get3A_955 : i32 to index
    %get3A_957 = arith.constant 48 : index
    %get3A_958 = tpu.vector_load %arg17[%get3A_956, %get3A_957] {strides = array<i32>} : memref<32x128xf32, #tpu.memory_space<vmem>>, vector<1x16xf32>,
    %get3A_959 = vector.shape_cast %get3A_958 : vector<1x16xf32> to vector<16xf32>
    %add3A_960 = arith.addf %add3A_954, %get3A_959 : vector<16xf32>
    %get3A_961 = arith.constant 48 : index
    %get3A_962 = tpu.vector_load %arg21[%get3A_961] {strides = array<i32>} : memref<128xf32, #tpu.memory_space<vmem>>, vector<16xf32>,
    %get3A_963 = vector.shape_cast %get3A_962 : vector<16xf32> to vector<16xf32>
    %mul3A_964 = arith.mulf %mul3A_69, %add3A_960 : vector<16xf32>
    %add3A_965 = arith.addf %get3A_963, %mul3A_964 : vector<16xf32>
    %swap3A_966 = arith.constant 48 : index
    %swap3A_967 = tpu.vector_load %arg21[%swap3A_966] {strides = array<i32>} : memref<128xf32, #tpu.memory_space<vmem>>, vector<16xf32>,
    %swap3A_968 = vector.shape_cast %swap3A_967 : vector<16xf32> to vector<16xf32>
    %swap3A_969 = vector.shape_cast %add3A_965 : vector<16xf32> to vector<16xf32>
    tpu.vector_store %arg21[%swap3A_966], %swap3A_969 {strides = array<i32>} : memref<128xf32, #tpu.memory_space<vmem>>, vector<16xf32>,
    %get3A_970 = arith.constant 0 : i32
    %get3A_971 = arith.index_cast %get3A_970 : i32 to index
    %get3A_972 = arith.constant 64 : index
    %get3A_973 = tpu.vector_load %arg17[%get3A_971, %get3A_972] {strides = array<i32>} : memref<32x128xf32, #tpu.memory_space<vmem>>, vector<1x16xf32>,
    %get3A_974 = vector.shape_cast %get3A_973 : vector<1x16xf32> to vector<16xf32>
    %get3A_975 = arith.constant 1 : i32
    %get3A_976 = arith.index_cast %get3A_975 : i32 to index
    %get3A_977 = arith.constant 64 : index
    %get3A_978 = tpu.vector_load %arg17[%get3A_976, %get3A_977] {strides = array<i32>} : memref<32x128xf32, #tpu.memory_space<vmem>>, vector<1x16xf32>,
    %get3A_979 = vector.shape_cast %get3A_978 : vector<1x16xf32> to vector<16xf32>
    %add3A_980 = arith.addf %get3A_974, %get3A_979 : vector<16xf32>
    %get3A_981 = arith.constant 2 : i32
    %get3A_982 = arith.index_cast %get3A_981 : i32 to index
    %get3A_983 = arith.constant 64 : index
    %get3A_984 = tpu.vector_load %arg17[%get3A_982, %get3A_983] {strides = array<i32>} : memref<32x128xf32, #tpu.memory_space<vmem>>, vector<1x16xf32>,
    %get3A_985 = vector.shape_cast %get3A_984 : vector<1x16xf32> to vector<16xf32>
    %add3A_986 = arith.addf %add3A_980, %get3A_985 : vector<16xf32>
    %get3A_987 = arith.constant 3 : i32
    %get3A_988 = arith.index_cast %get3A_987 : i32 to index
    %get3A_989 = arith.constant 64 : index
    %get3A_990 = tpu.vector_load %arg17[%get3A_988, %get3A_989] {strides = array<i32>} : memref<32x128xf32, #tpu.memory_space<vmem>>, vector<1x16xf32>,
    %get3A_991 = vector.shape_cast %get3A_990 : vector<1x16xf32> to vector<16xf32>
    %add3A_992 = arith.addf %add3A_986, %get3A_991 : vector<16xf32>
    %get3A_993 = arith.constant 4 : i32
    %get3A_994 = arith.index_cast %get3A_993 : i32 to index
    %get3A_995 = arith.constant 64 : index
    %get3A_996 = tpu.vector_load %arg17[%get3A_994, %get3A_995] {strides = array<i32>} : memref<32x128xf32, #tpu.memory_space<vmem>>, vector<1x16xf32>,
    %get3A_997 = vector.shape_cast %get3A_996 : vector<1x16xf32> to vector<16xf32>
    %add3A_998 = arith.addf %add3A_992, %get3A_997 : vector<16xf32>
    %get3A_999 = arith.constant 5 : i32
    %get3A_1000 = arith.index_cast %get3A_999 : i32 to index
    %get3A_1001 = arith.constant 64 : index
    %get3A_1002 = tpu.vector_load %arg17[%get3A_1000, %get3A_1001] {strides = array<i32>} : memref<32x128xf32, #tpu.memory_space<vmem>>, vector<1x16xf32>,
    %get3A_1003 = vector.shape_cast %get3A_1002 : vector<1x16xf32> to vector<16xf32>
    %add3A_1004 = arith.addf %add3A_998, %get3A_1003 : vector<16xf32>
    %get3A_1005 = arith.constant 6 : i32
    %get3A_1006 = arith.index_cast %get3A_1005 : i32 to index
    %get3A_1007 = arith.constant 64 : index
    %get3A_1008 = tpu.vector_load %arg17[%get3A_1006, %get3A_1007] {strides = array<i32>} : memref<32x128xf32, #tpu.memory_space<vmem>>, vector<1x16xf32>,
    %get3A_1009 = vector.shape_cast %get3A_1008 : vector<1x16xf32> to vector<16xf32>
    %add3A_1010 = arith.addf %add3A_1004, %get3A_1009 : vector<16xf32>
    %get3A_1011 = arith.constant 7 : i32
    %get3A_1012 = arith.index_cast %get3A_1011 : i32 to index
    %get3A_1013 = arith.constant 64 : index
    %get3A_1014 = tpu.vector_load %arg17[%get3A_1012, %get3A_1013] {strides = array<i32>} : memref<32x128xf32, #tpu.memory_space<vmem>>, vector<1x16xf32>,
    %get3A_1015 = vector.shape_cast %get3A_1014 : vector<1x16xf32> to vector<16xf32>
    %add3A_1016 = arith.addf %add3A_1010, %get3A_1015 : vector<16xf32>
    %get3A_1017 = arith.constant 8 : i32
    %get3A_1018 = arith.index_cast %get3A_1017 : i32 to index
    %get3A_1019 = arith.constant 64 : index
    %get3A_1020 = tpu.vector_load %arg17[%get3A_1018, %get3A_1019] {strides = array<i32>} : memref<32x128xf32, #tpu.memory_space<vmem>>, vector<1x16xf32>,
    %get3A_1021 = vector.shape_cast %get3A_1020 : vector<1x16xf32> to vector<16xf32>
    %add3A_1022 = arith.addf %add3A_1016, %get3A_1021 : vector<16xf32>
    %get3A_1023 = arith.constant 9 : i32
    %get3A_1024 = arith.index_cast %get3A_1023 : i32 to index
    %get3A_1025 = arith.constant 64 : index
    %get3A_1026 = tpu.vector_load %arg17[%get3A_1024, %get3A_1025] {strides = array<i32>} : memref<32x128xf32, #tpu.memory_space<vmem>>, vector<1x16xf32>,
    %get3A_1027 = vector.shape_cast %get3A_1026 : vector<1x16xf32> to vector<16xf32>
    %add3A_1028 = arith.addf %add3A_1022, %get3A_1027 : vector<16xf32>
    %get3A_1029 = arith.constant 10 : i32
    %get3A_1030 = arith.index_cast %get3A_1029 : i32 to index
    %get3A_1031 = arith.constant 64 : index
    %get3A_1032 = tpu.vector_load %arg17[%get3A_1030, %get3A_1031] {strides = array<i32>} : memref<32x128xf32, #tpu.memory_space<vmem>>, vector<1x16xf32>,
    %get3A_1033 = vector.shape_cast %get3A_1032 : vector<1x16xf32> to vector<16xf32>
    %add3A_1034 = arith.addf %add3A_1028, %get3A_1033 : vector<16xf32>
    %get3A_1035 = arith.constant 11 : i32
    %get3A_1036 = arith.index_cast %get3A_1035 : i32 to index
    %get3A_1037 = arith.constant 64 : index
    %get3A_1038 = tpu.vector_load %arg17[%get3A_1036, %get3A_1037] {strides = array<i32>} : memref<32x128xf32, #tpu.memory_space<vmem>>, vector<1x16xf32>,
    %get3A_1039 = vector.shape_cast %get3A_1038 : vector<1x16xf32> to vector<16xf32>
    %add3A_1040 = arith.addf %add3A_1034, %get3A_1039 : vector<16xf32>
    %get3A_1041 = arith.constant 12 : i32
    %get3A_1042 = arith.index_cast %get3A_1041 : i32 to index
    %get3A_1043 = arith.constant 64 : index
    %get3A_1044 = tpu.vector_load %arg17[%get3A_1042, %get3A_1043] {strides = array<i32>} : memref<32x128xf32, #tpu.memory_space<vmem>>, vector<1x16xf32>,
    %get3A_1045 = vector.shape_cast %get3A_1044 : vector<1x16xf32> to vector<16xf32>
    %add3A_1046 = arith.addf %add3A_1040, %get3A_1045 : vector<16xf32>
    %get3A_1047 = arith.constant 13 : i32
    %get3A_1048 = arith.index_cast %get3A_1047 : i32 to index
    %get3A_1049 = arith.constant 64 : index
    %get3A_1050 = tpu.vector_load %arg17[%get3A_1048, %get3A_1049] {strides = array<i32>} : memref<32x128xf32, #tpu.memory_space<vmem>>, vector<1x16xf32>,
    %get3A_1051 = vector.shape_cast %get3A_1050 : vector<1x16xf32> to vector<16xf32>
    %add3A_1052 = arith.addf %add3A_1046, %get3A_1051 : vector<16xf32>
    %get3A_1053 = arith.constant 14 : i32
    %get3A_1054 = arith.index_cast %get3A_1053 : i32 to index
    %get3A_1055 = arith.constant 64 : index
    %get3A_1056 = tpu.vector_load %arg17[%get3A_1054, %get3A_1055] {strides = array<i32>} : memref<32x128xf32, #tpu.memory_space<vmem>>, vector<1x16xf32>,
    %get3A_1057 = vector.shape_cast %get3A_1056 : vector<1x16xf32> to vector<16xf32>
    %add3A_1058 = arith.addf %add3A_1052, %get3A_1057 : vector<16xf32>
    %get3A_1059 = arith.constant 15 : i32
    %get3A_1060 = arith.index_cast %get3A_1059 : i32 to index
    %get3A_1061 = arith.constant 64 : index
    %get3A_1062 = tpu.vector_load %arg17[%get3A_1060, %get3A_1061] {strides = array<i32>} : memref<32x128xf32, #tpu.memory_space<vmem>>, vector<1x16xf32>,
    %get3A_1063 = vector.shape_cast %get3A_1062 : vector<1x16xf32> to vector<16xf32>
    %add3A_1064 = arith.addf %add3A_1058, %get3A_1063 : vector<16xf32>
    %get3A_1065 = arith.constant 64 : index
    %get3A_1066 = tpu.vector_load %arg21[%get3A_1065] {strides = array<i32>} : memref<128xf32, #tpu.memory_space<vmem>>, vector<16xf32>,
    %get3A_1067 = vector.shape_cast %get3A_1066 : vector<16xf32> to vector<16xf32>
    %mul3A_1068 = arith.mulf %mul3A_69, %add3A_1064 : vector<16xf32>
    %add3A_1069 = arith.addf %get3A_1067, %mul3A_1068 : vector<16xf32>
    %swap3A_1070 = arith.constant 64 : index
    %swap3A_1071 = tpu.vector_load %arg21[%swap3A_1070] {strides = array<i32>} : memref<128xf32, #tpu.memory_space<vmem>>, vector<16xf32>,
    %swap3A_1072 = vector.shape_cast %swap3A_1071 : vector<16xf32> to vector<16xf32>
    %swap3A_1073 = vector.shape_cast %add3A_1069 : vector<16xf32> to vector<16xf32>
    tpu.vector_store %arg21[%swap3A_1070], %swap3A_1073 {strides = array<i32>} : memref<128xf32, #tpu.memory_space<vmem>>, vector<16xf32>,
    %get3A_1074 = arith.constant 0 : i32
    %get3A_1075 = arith.index_cast %get3A_1074 : i32 to index
    %get3A_1076 = arith.constant 80 : index
    %get3A_1077 = tpu.vector_load %arg17[%get3A_1075, %get3A_1076] {strides = array<i32>} : memref<32x128xf32, #tpu.memory_space<vmem>>, vector<1x16xf32>,
    %get3A_1078 = vector.shape_cast %get3A_1077 : vector<1x16xf32> to vector<16xf32>
    %get3A_1079 = arith.constant 1 : i32
    %get3A_1080 = arith.index_cast %get3A_1079 : i32 to index
    %get3A_1081 = arith.constant 80 : index
    %get3A_1082 = tpu.vector_load %arg17[%get3A_1080, %get3A_1081] {strides = array<i32>} : memref<32x128xf32, #tpu.memory_space<vmem>>, vector<1x16xf32>,
    %get3A_1083 = vector.shape_cast %get3A_1082 : vector<1x16xf32> to vector<16xf32>
    %add3A_1084 = arith.addf %get3A_1078, %get3A_1083 : vector<16xf32>
    %get3A_1085 = arith.constant 2 : i32
    %get3A_1086 = arith.index_cast %get3A_1085 : i32 to index
    %get3A_1087 = arith.constant 80 : index
    %get3A_1088 = tpu.vector_load %arg17[%get3A_1086, %get3A_1087] {strides = array<i32>} : memref<32x128xf32, #tpu.memory_space<vmem>>, vector<1x16xf32>,
    %get3A_1089 = vector.shape_cast %get3A_1088 : vector<1x16xf32> to vector<16xf32>
    %add3A_1090 = arith.addf %add3A_1084, %get3A_1089 : vector<16xf32>
    %get3A_1091 = arith.constant 3 : i32
    %get3A_1092 = arith.index_cast %get3A_1091 : i32 to index
    %get3A_1093 = arith.constant 80 : index
    %get3A_1094 = tpu.vector_load %arg17[%get3A_1092, %get3A_1093] {strides = array<i32>} : memref<32x128xf32, #tpu.memory_space<vmem>>, vector<1x16xf32>,
    %get3A_1095 = vector.shape_cast %get3A_1094 : vector<1x16xf32> to vector<16xf32>
    %add3A_1096 = arith.addf %add3A_1090, %get3A_1095 : vector<16xf32>
    %get3A_1097 = arith.constant 4 : i32
    %get3A_1098 = arith.index_cast %get3A_1097 : i32 to index
    %get3A_1099 = arith.constant 80 : index
    %get3A_1100 = tpu.vector_load %arg17[%get3A_1098, %get3A_1099] {strides = array<i32>} : memref<32x128xf32, #tpu.memory_space<vmem>>, vector<1x16xf32>,
    %get3A_1101 = vector.shape_cast %get3A_1100 : vector<1x16xf32> to vector<16xf32>
    %add3A_1102 = arith.addf %add3A_1096, %get3A_1101 : vector<16xf32>
    %get3A_1103 = arith.constant 5 : i32
    %get3A_1104 = arith.index_cast %get3A_1103 : i32 to index
    %get3A_1105 = arith.constant 80 : index
    %get3A_1106 = tpu.vector_load %arg17[%get3A_1104, %get3A_1105] {strides = array<i32>} : memref<32x128xf32, #tpu.memory_space<vmem>>, vector<1x16xf32>,
    %get3A_1107 = vector.shape_cast %get3A_1106 : vector<1x16xf32> to vector<16xf32>
    %add3A_1108 = arith.addf %add3A_1102, %get3A_1107 : vector<16xf32>
    %get3A_1109 = arith.constant 6 : i32
    %get3A_1110 = arith.index_cast %get3A_1109 : i32 to index
    %get3A_1111 = arith.constant 80 : index
    %get3A_1112 = tpu.vector_load %arg17[%get3A_1110, %get3A_1111] {strides = array<i32>} : memref<32x128xf32, #tpu.memory_space<vmem>>, vector<1x16xf32>,
    %get3A_1113 = vector.shape_cast %get3A_1112 : vector<1x16xf32> to vector<16xf32>
    %add3A_1114 = arith.addf %add3A_1108, %get3A_1113 : vector<16xf32>
    %get3A_1115 = arith.constant 7 : i32
    %get3A_1116 = arith.index_cast %get3A_1115 : i32 to index
    %get3A_1117 = arith.constant 80 : index
    %get3A_1118 = tpu.vector_load %arg17[%get3A_1116, %get3A_1117] {strides = array<i32>} : memref<32x128xf32, #tpu.memory_space<vmem>>, vector<1x16xf32>,
    %get3A_1119 = vector.shape_cast %get3A_1118 : vector<1x16xf32> to vector<16xf32>
    %add3A_1120 = arith.addf %add3A_1114, %get3A_1119 : vector<16xf32>
    %get3A_1121 = arith.constant 8 : i32
    %get3A_1122 = arith.index_cast %get3A_1121 : i32 to index
    %get3A_1123 = arith.constant 80 : index
    %get3A_1124 = tpu.vector_load %arg17[%get3A_1122, %get3A_1123] {strides = array<i32>} : memref<32x128xf32, #tpu.memory_space<vmem>>, vector<1x16xf32>,
    %get3A_1125 = vector.shape_cast %get3A_1124 : vector<1x16xf32> to vector<16xf32>
    %add3A_1126 = arith.addf %add3A_1120, %get3A_1125 : vector<16xf32>
    %get3A_1127 = arith.constant 9 : i32
    %get3A_1128 = arith.index_cast %get3A_1127 : i32 to index
    %get3A_1129 = arith.constant 80 : index
    %get3A_1130 = tpu.vector_load %arg17[%get3A_1128, %get3A_1129] {strides = array<i32>} : memref<32x128xf32, #tpu.memory_space<vmem>>, vector<1x16xf32>,
    %get3A_1131 = vector.shape_cast %get3A_1130 : vector<1x16xf32> to vector<16xf32>
    %add3A_1132 = arith.addf %add3A_1126, %get3A_1131 : vector<16xf32>
    %get3A_1133 = arith.constant 10 : i32
    %get3A_1134 = arith.index_cast %get3A_1133 : i32 to index
    %get3A_1135 = arith.constant 80 : index
    %get3A_1136 = tpu.vector_load %arg17[%get3A_1134, %get3A_1135] {strides = array<i32>} : memref<32x128xf32, #tpu.memory_space<vmem>>, vector<1x16xf32>,
    %get3A_1137 = vector.shape_cast %get3A_1136 : vector<1x16xf32> to vector<16xf32>
    %add3A_1138 = arith.addf %add3A_1132, %get3A_1137 : vector<16xf32>
    %get3A_1139 = arith.constant 11 : i32
    %get3A_1140 = arith.index_cast %get3A_1139 : i32 to index
    %get3A_1141 = arith.constant 80 : index
    %get3A_1142 = tpu.vector_load %arg17[%get3A_1140, %get3A_1141] {strides = array<i32>} : memref<32x128xf32, #tpu.memory_space<vmem>>, vector<1x16xf32>,
    %get3A_1143 = vector.shape_cast %get3A_1142 : vector<1x16xf32> to vector<16xf32>
    %add3A_1144 = arith.addf %add3A_1138, %get3A_1143 : vector<16xf32>
    %get3A_1145 = arith.constant 12 : i32
    %get3A_1146 = arith.index_cast %get3A_1145 : i32 to index
    %get3A_1147 = arith.constant 80 : index
    %get3A_1148 = tpu.vector_load %arg17[%get3A_1146, %get3A_1147] {strides = array<i32>} : memref<32x128xf32, #tpu.memory_space<vmem>>, vector<1x16xf32>,
    %get3A_1149 = vector.shape_cast %get3A_1148 : vector<1x16xf32> to vector<16xf32>
    %add3A_1150 = arith.addf %add3A_1144, %get3A_1149 : vector<16xf32>
    %get3A_1151 = arith.constant 13 : i32
    %get3A_1152 = arith.index_cast %get3A_1151 : i32 to index
    %get3A_1153 = arith.constant 80 : index
    %get3A_1154 = tpu.vector_load %arg17[%get3A_1152, %get3A_1153] {strides = array<i32>} : memref<32x128xf32, #tpu.memory_space<vmem>>, vector<1x16xf32>,
    %get3A_1155 = vector.shape_cast %get3A_1154 : vector<1x16xf32> to vector<16xf32>
    %add3A_1156 = arith.addf %add3A_1150, %get3A_1155 : vector<16xf32>
    %get3A_1157 = arith.constant 14 : i32
    %get3A_1158 = arith.index_cast %get3A_1157 : i32 to index
    %get3A_1159 = arith.constant 80 : index
    %get3A_1160 = tpu.vector_load %arg17[%get3A_1158, %get3A_1159] {strides = array<i32>} : memref<32x128xf32, #tpu.memory_space<vmem>>, vector<1x16xf32>,
    %get3A_1161 = vector.shape_cast %get3A_1160 : vector<1x16xf32> to vector<16xf32>
    %add3A_1162 = arith.addf %add3A_1156, %get3A_1161 : vector<16xf32>
    %get3A_1163 = arith.constant 15 : i32
    %get3A_1164 = arith.index_cast %get3A_1163 : i32 to index
    %get3A_1165 = arith.constant 80 : index
    %get3A_1166 = tpu.vector_load %arg17[%get3A_1164, %get3A_1165] {strides = array<i32>} : memref<32x128xf32, #tpu.memory_space<vmem>>, vector<1x16xf32>,
    %get3A_1167 = vector.shape_cast %get3A_1166 : vector<1x16xf32> to vector<16xf32>
    %add3A_1168 = arith.addf %add3A_1162, %get3A_1167 : vector<16xf32>
    %get3A_1169 = arith.constant 80 : index
    %get3A_1170 = tpu.vector_load %arg21[%get3A_1169] {strides = array<i32>} : memref<128xf32, #tpu.memory_space<vmem>>, vector<16xf32>,
    %get3A_1171 = vector.shape_cast %get3A_1170 : vector<16xf32> to vector<16xf32>
    %mul3A_1172 = arith.mulf %mul3A_69, %add3A_1168 : vector<16xf32>
    %add3A_1173 = arith.addf %get3A_1171, %mul3A_1172 : vector<16xf32>
    %swap3A_1174 = arith.constant 80 : index
    %swap3A_1175 = tpu.vector_load %arg21[%swap3A_1174] {strides = array<i32>} : memref<128xf32, #tpu.memory_space<vmem>>, vector<16xf32>,
    %swap3A_1176 = vector.shape_cast %swap3A_1175 : vector<16xf32> to vector<16xf32>
    %swap3A_1177 = vector.shape_cast %add3A_1173 : vector<16xf32> to vector<16xf32>
    tpu.vector_store %arg21[%swap3A_1174], %swap3A_1177 {strides = array<i32>} : memref<128xf32, #tpu.memory_space<vmem>>, vector<16xf32>,
    %get3A_1178 = arith.constant 0 : i32
    %get3A_1179 = arith.index_cast %get3A_1178 : i32 to index
    %get3A_1180 = arith.constant 96 : index
    %get3A_1181 = tpu.vector_load %arg17[%get3A_1179, %get3A_1180] {strides = array<i32>} : memref<32x128xf32, #tpu.memory_space<vmem>>, vector<1x16xf32>,
    %get3A_1182 = vector.shape_cast %get3A_1181 : vector<1x16xf32> to vector<16xf32>
    %get3A_1183 = arith.constant 1 : i32
    %get3A_1184 = arith.index_cast %get3A_1183 : i32 to index
    %get3A_1185 = arith.constant 96 : index
    %get3A_1186 = tpu.vector_load %arg17[%get3A_1184, %get3A_1185] {strides = array<i32>} : memref<32x128xf32, #tpu.memory_space<vmem>>, vector<1x16xf32>,
    %get3A_1187 = vector.shape_cast %get3A_1186 : vector<1x16xf32> to vector<16xf32>
    %add3A_1188 = arith.addf %get3A_1182, %get3A_1187 : vector<16xf32>
    %get3A_1189 = arith.constant 2 : i32
    %get3A_1190 = arith.index_cast %get3A_1189 : i32 to index
    %get3A_1191 = arith.constant 96 : index
    %get3A_1192 = tpu.vector_load %arg17[%get3A_1190, %get3A_1191] {strides = array<i32>} : memref<32x128xf32, #tpu.memory_space<vmem>>, vector<1x16xf32>,
    %get3A_1193 = vector.shape_cast %get3A_1192 : vector<1x16xf32> to vector<16xf32>
    %add3A_1194 = arith.addf %add3A_1188, %get3A_1193 : vector<16xf32>
    %get3A_1195 = arith.constant 3 : i32
    %get3A_1196 = arith.index_cast %get3A_1195 : i32 to index
    %get3A_1197 = arith.constant 96 : index
    %get3A_1198 = tpu.vector_load %arg17[%get3A_1196, %get3A_1197] {strides = array<i32>} : memref<32x128xf32, #tpu.memory_space<vmem>>, vector<1x16xf32>,
    %get3A_1199 = vector.shape_cast %get3A_1198 : vector<1x16xf32> to vector<16xf32>
    %add3A_1200 = arith.addf %add3A_1194, %get3A_1199 : vector<16xf32>
    %get3A_1201 = arith.constant 4 : i32
    %get3A_1202 = arith.index_cast %get3A_1201 : i32 to index
    %get3A_1203 = arith.constant 96 : index
    %get3A_1204 = tpu.vector_load %arg17[%get3A_1202, %get3A_1203] {strides = array<i32>} : memref<32x128xf32, #tpu.memory_space<vmem>>, vector<1x16xf32>,
    %get3A_1205 = vector.shape_cast %get3A_1204 : vector<1x16xf32> to vector<16xf32>
    %add3A_1206 = arith.addf %add3A_1200, %get3A_1205 : vector<16xf32>
    %get3A_1207 = arith.constant 5 : i32
    %get3A_1208 = arith.index_cast %get3A_1207 : i32 to index
    %get3A_1209 = arith.constant 96 : index
    %get3A_1210 = tpu.vector_load %arg17[%get3A_1208, %get3A_1209] {strides = array<i32>} : memref<32x128xf32, #tpu.memory_space<vmem>>, vector<1x16xf32>,
    %get3A_1211 = vector.shape_cast %get3A_1210 : vector<1x16xf32> to vector<16xf32>
    %add3A_1212 = arith.addf %add3A_1206, %get3A_1211 : vector<16xf32>
    %get3A_1213 = arith.constant 6 : i32
    %get3A_1214 = arith.index_cast %get3A_1213 : i32 to index
    %get3A_1215 = arith.constant 96 : index
    %get3A_1216 = tpu.vector_load %arg17[%get3A_1214, %get3A_1215] {strides = array<i32>} : memref<32x128xf32, #tpu.memory_space<vmem>>, vector<1x16xf32>,
    %get3A_1217 = vector.shape_cast %get3A_1216 : vector<1x16xf32> to vector<16xf32>
    %add3A_1218 = arith.addf %add3A_1212, %get3A_1217 : vector<16xf32>
    %get3A_1219 = arith.constant 7 : i32
    %get3A_1220 = arith.index_cast %get3A_1219 : i32 to index
    %get3A_1221 = arith.constant 96 : index
    %get3A_1222 = tpu.vector_load %arg17[%get3A_1220, %get3A_1221] {strides = array<i32>} : memref<32x128xf32, #tpu.memory_space<vmem>>, vector<1x16xf32>,
    %get3A_1223 = vector.shape_cast %get3A_1222 : vector<1x16xf32> to vector<16xf32>
    %add3A_1224 = arith.addf %add3A_1218, %get3A_1223 : vector<16xf32>
    %get3A_1225 = arith.constant 8 : i32
    %get3A_1226 = arith.index_cast %get3A_1225 : i32 to index
    %get3A_1227 = arith.constant 96 : index
    %get3A_1228 = tpu.vector_load %arg17[%get3A_1226, %get3A_1227] {strides = array<i32>} : memref<32x128xf32, #tpu.memory_space<vmem>>, vector<1x16xf32>,
    %get3A_1229 = vector.shape_cast %get3A_1228 : vector<1x16xf32> to vector<16xf32>
    %add3A_1230 = arith.addf %add3A_1224, %get3A_1229 : vector<16xf32>
    %get3A_1231 = arith.constant 9 : i32
    %get3A_1232 = arith.index_cast %get3A_1231 : i32 to index
    %get3A_1233 = arith.constant 96 : index
    %get3A_1234 = tpu.vector_load %arg17[%get3A_1232, %get3A_1233] {strides = array<i32>} : memref<32x128xf32, #tpu.memory_space<vmem>>, vector<1x16xf32>,
    %get3A_1235 = vector.shape_cast %get3A_1234 : vector<1x16xf32> to vector<16xf32>
    %add3A_1236 = arith.addf %add3A_1230, %get3A_1235 : vector<16xf32>
    %get3A_1237 = arith.constant 10 : i32
    %get3A_1238 = arith.index_cast %get3A_1237 : i32 to index
    %get3A_1239 = arith.constant 96 : index
    %get3A_1240 = tpu.vector_load %arg17[%get3A_1238, %get3A_1239] {strides = array<i32>} : memref<32x128xf32, #tpu.memory_space<vmem>>, vector<1x16xf32>,
    %get3A_1241 = vector.shape_cast %get3A_1240 : vector<1x16xf32> to vector<16xf32>
    %add3A_1242 = arith.addf %add3A_1236, %get3A_1241 : vector<16xf32>
    %get3A_1243 = arith.constant 11 : i32
    %get3A_1244 = arith.index_cast %get3A_1243 : i32 to index
    %get3A_1245 = arith.constant 96 : index
    %get3A_1246 = tpu.vector_load %arg17[%get3A_1244, %get3A_1245] {strides = array<i32>} : memref<32x128xf32, #tpu.memory_space<vmem>>, vector<1x16xf32>,
    %get3A_1247 = vector.shape_cast %get3A_1246 : vector<1x16xf32> to vector<16xf32>
    %add3A_1248 = arith.addf %add3A_1242, %get3A_1247 : vector<16xf32>
    %get3A_1249 = arith.constant 12 : i32
    %get3A_1250 = arith.index_cast %get3A_1249 : i32 to index
    %get3A_1251 = arith.constant 96 : index
    %get3A_1252 = tpu.vector_load %arg17[%get3A_1250, %get3A_1251] {strides = array<i32>} : memref<32x128xf32, #tpu.memory_space<vmem>>, vector<1x16xf32>,
    %get3A_1253 = vector.shape_cast %get3A_1252 : vector<1x16xf32> to vector<16xf32>
    %add3A_1254 = arith.addf %add3A_1248, %get3A_1253 : vector<16xf32>
    %get3A_1255 = arith.constant 13 : i32
    %get3A_1256 = arith.index_cast %get3A_1255 : i32 to index
    %get3A_1257 = arith.constant 96 : index
    %get3A_1258 = tpu.vector_load %arg17[%get3A_1256, %get3A_1257] {strides = array<i32>} : memref<32x128xf32, #tpu.memory_space<vmem>>, vector<1x16xf32>,
    %get3A_1259 = vector.shape_cast %get3A_1258 : vector<1x16xf32> to vector<16xf32>
    %add3A_1260 = arith.addf %add3A_1254, %get3A_1259 : vector<16xf32>
    %get3A_1261 = arith.constant 14 : i32
    %get3A_1262 = arith.index_cast %get3A_1261 : i32 to index
    %get3A_1263 = arith.constant 96 : index
    %get3A_1264 = tpu.vector_load %arg17[%get3A_1262, %get3A_1263] {strides = array<i32>} : memref<32x128xf32, #tpu.memory_space<vmem>>, vector<1x16xf32>,
    %get3A_1265 = vector.shape_cast %get3A_1264 : vector<1x16xf32> to vector<16xf32>
    %add3A_1266 = arith.addf %add3A_1260, %get3A_1265 : vector<16xf32>
    %get3A_1267 = arith.constant 15 : i32
    %get3A_1268 = arith.index_cast %get3A_1267 : i32 to index
    %get3A_1269 = arith.constant 96 : index
    %get3A_1270 = tpu.vector_load %arg17[%get3A_1268, %get3A_1269] {strides = array<i32>} : memref<32x128xf32, #tpu.memory_space<vmem>>, vector<1x16xf32>,
    %get3A_1271 = vector.shape_cast %get3A_1270 : vector<1x16xf32> to vector<16xf32>
    %add3A_1272 = arith.addf %add3A_1266, %get3A_1271 : vector<16xf32>
    %get3A_1273 = arith.constant 96 : index
    %get3A_1274 = tpu.vector_load %arg21[%get3A_1273] {strides = array<i32>} : memref<128xf32, #tpu.memory_space<vmem>>, vector<16xf32>,
    %get3A_1275 = vector.shape_cast %get3A_1274 : vector<16xf32> to vector<16xf32>
    %mul3A_1276 = arith.mulf %mul3A_69, %add3A_1272 : vector<16xf32>
    %add3A_1277 = arith.addf %get3A_1275, %mul3A_1276 : vector<16xf32>
    %swap3A_1278 = arith.constant 96 : index
    %swap3A_1279 = tpu.vector_load %arg21[%swap3A_1278] {strides = array<i32>} : memref<128xf32, #tpu.memory_space<vmem>>, vector<16xf32>,
    %swap3A_1280 = vector.shape_cast %swap3A_1279 : vector<16xf32> to vector<16xf32>
    %swap3A_1281 = vector.shape_cast %add3A_1277 : vector<16xf32> to vector<16xf32>
    tpu.vector_store %arg21[%swap3A_1278], %swap3A_1281 {strides = array<i32>} : memref<128xf32, #tpu.memory_space<vmem>>, vector<16xf32>,
    %get3A_1282 = arith.constant 0 : i32
    %get3A_1283 = arith.index_cast %get3A_1282 : i32 to index
    %get3A_1284 = arith.constant 112 : index
    %get3A_1285 = tpu.vector_load %arg17[%get3A_1283, %get3A_1284] {strides = array<i32>} : memref<32x128xf32, #tpu.memory_space<vmem>>, vector<1x16xf32>,
    %get3A_1286 = vector.shape_cast %get3A_1285 : vector<1x16xf32> to vector<16xf32>
    %get3A_1287 = arith.constant 1 : i32
    %get3A_1288 = arith.index_cast %get3A_1287 : i32 to index
    %get3A_1289 = arith.constant 112 : index
    %get3A_1290 = tpu.vector_load %arg17[%get3A_1288, %get3A_1289] {strides = array<i32>} : memref<32x128xf32, #tpu.memory_space<vmem>>, vector<1x16xf32>,
    %get3A_1291 = vector.shape_cast %get3A_1290 : vector<1x16xf32> to vector<16xf32>
    %add3A_1292 = arith.addf %get3A_1286, %get3A_1291 : vector<16xf32>
    %get3A_1293 = arith.constant 2 : i32
    %get3A_1294 = arith.index_cast %get3A_1293 : i32 to index
    %get3A_1295 = arith.constant 112 : index
    %get3A_1296 = tpu.vector_load %arg17[%get3A_1294, %get3A_1295] {strides = array<i32>} : memref<32x128xf32, #tpu.memory_space<vmem>>, vector<1x16xf32>,
    %get3A_1297 = vector.shape_cast %get3A_1296 : vector<1x16xf32> to vector<16xf32>
    %add3A_1298 = arith.addf %add3A_1292, %get3A_1297 : vector<16xf32>
    %get3A_1299 = arith.constant 3 : i32
    %get3A_1300 = arith.index_cast %get3A_1299 : i32 to index
    %get3A_1301 = arith.constant 112 : index
    %get3A_1302 = tpu.vector_load %arg17[%get3A_1300, %get3A_1301] {strides = array<i32>} : memref<32x128xf32, #tpu.memory_space<vmem>>, vector<1x16xf32>,
    %get3A_1303 = vector.shape_cast %get3A_1302 : vector<1x16xf32> to vector<16xf32>
    %add3A_1304 = arith.addf %add3A_1298, %get3A_1303 : vector<16xf32>
    %get3A_1305 = arith.constant 4 : i32
    %get3A_1306 = arith.index_cast %get3A_1305 : i32 to index
    %get3A_1307 = arith.constant 112 : index
    %get3A_1308 = tpu.vector_load %arg17[%get3A_1306, %get3A_1307] {strides = array<i32>} : memref<32x128xf32, #tpu.memory_space<vmem>>, vector<1x16xf32>,
    %get3A_1309 = vector.shape_cast %get3A_1308 : vector<1x16xf32> to vector<16xf32>
    %add3A_1310 = arith.addf %add3A_1304, %get3A_1309 : vector<16xf32>
    %get3A_1311 = arith.constant 5 : i32
    %get3A_1312 = arith.index_cast %get3A_1311 : i32 to index
    %get3A_1313 = arith.constant 112 : index
    %get3A_1314 = tpu.vector_load %arg17[%get3A_1312, %get3A_1313] {strides = array<i32>} : memref<32x128xf32, #tpu.memory_space<vmem>>, vector<1x16xf32>,
    %get3A_1315 = vector.shape_cast %get3A_1314 : vector<1x16xf32> to vector<16xf32>
    %add3A_1316 = arith.addf %add3A_1310, %get3A_1315 : vector<16xf32>
    %get3A_1317 = arith.constant 6 : i32
    %get3A_1318 = arith.index_cast %get3A_1317 : i32 to index
    %get3A_1319 = arith.constant 112 : index
    %get3A_1320 = tpu.vector_load %arg17[%get3A_1318, %get3A_1319] {strides = array<i32>} : memref<32x128xf32, #tpu.memory_space<vmem>>, vector<1x16xf32>,
    %get3A_1321 = vector.shape_cast %get3A_1320 : vector<1x16xf32> to vector<16xf32>
    %add3A_1322 = arith.addf %add3A_1316, %get3A_1321 : vector<16xf32>
    %get3A_1323 = arith.constant 7 : i32
    %get3A_1324 = arith.index_cast %get3A_1323 : i32 to index
    %get3A_1325 = arith.constant 112 : index
    %get3A_1326 = tpu.vector_load %arg17[%get3A_1324, %get3A_1325] {strides = array<i32>} : memref<32x128xf32, #tpu.memory_space<vmem>>, vector<1x16xf32>,
    %get3A_1327 = vector.shape_cast %get3A_1326 : vector<1x16xf32> to vector<16xf32>
    %add3A_1328 = arith.addf %add3A_1322, %get3A_1327 : vector<16xf32>
    %get3A_1329 = arith.constant 8 : i32
    %get3A_1330 = arith.index_cast %get3A_1329 : i32 to index
    %get3A_1331 = arith.constant 112 : index
    %get3A_1332 = tpu.vector_load %arg17[%get3A_1330, %get3A_1331] {strides = array<i32>} : memref<32x128xf32, #tpu.memory_space<vmem>>, vector<1x16xf32>,
    %get3A_1333 = vector.shape_cast %get3A_1332 : vector<1x16xf32> to vector<16xf32>
    %add3A_1334 = arith.addf %add3A_1328, %get3A_1333 : vector<16xf32>
    %get3A_1335 = arith.constant 9 : i32
    %get3A_1336 = arith.index_cast %get3A_1335 : i32 to index
    %get3A_1337 = arith.constant 112 : index
    %get3A_1338 = tpu.vector_load %arg17[%get3A_1336, %get3A_1337] {strides = array<i32>} : memref<32x128xf32, #tpu.memory_space<vmem>>, vector<1x16xf32>,
    %get3A_1339 = vector.shape_cast %get3A_1338 : vector<1x16xf32> to vector<16xf32>
    %add3A_1340 = arith.addf %add3A_1334, %get3A_1339 : vector<16xf32>
    %get3A_1341 = arith.constant 10 : i32
    %get3A_1342 = arith.index_cast %get3A_1341 : i32 to index
    %get3A_1343 = arith.constant 112 : index
    %get3A_1344 = tpu.vector_load %arg17[%get3A_1342, %get3A_1343] {strides = array<i32>} : memref<32x128xf32, #tpu.memory_space<vmem>>, vector<1x16xf32>,
    %get3A_1345 = vector.shape_cast %get3A_1344 : vector<1x16xf32> to vector<16xf32>
    %add3A_1346 = arith.addf %add3A_1340, %get3A_1345 : vector<16xf32>
    %get3A_1347 = arith.constant 11 : i32
    %get3A_1348 = arith.index_cast %get3A_1347 : i32 to index
    %get3A_1349 = arith.constant 112 : index
    %get3A_1350 = tpu.vector_load %arg17[%get3A_1348, %get3A_1349] {strides = array<i32>} : memref<32x128xf32, #tpu.memory_space<vmem>>, vector<1x16xf32>,
    %get3A_1351 = vector.shape_cast %get3A_1350 : vector<1x16xf32> to vector<16xf32>
    %add3A_1352 = arith.addf %add3A_1346, %get3A_1351 : vector<16xf32>
    %get3A_1353 = arith.constant 12 : i32
    %get3A_1354 = arith.index_cast %get3A_1353 : i32 to index
    %get3A_1355 = arith.constant 112 : index
    %get3A_1356 = tpu.vector_load %arg17[%get3A_1354, %get3A_1355] {strides = array<i32>} : memref<32x128xf32, #tpu.memory_space<vmem>>, vector<1x16xf32>,
    %get3A_1357 = vector.shape_cast %get3A_1356 : vector<1x16xf32> to vector<16xf32>
    %add3A_1358 = arith.addf %add3A_1352, %get3A_1357 : vector<16xf32>
    %get3A_1359 = arith.constant 13 : i32
    %get3A_1360 = arith.index_cast %get3A_1359 : i32 to index
    %get3A_1361 = arith.constant 112 : index
    %get3A_1362 = tpu.vector_load %arg17[%get3A_1360, %get3A_1361] {strides = array<i32>} : memref<32x128xf32, #tpu.memory_space<vmem>>, vector<1x16xf32>,
    %get3A_1363 = vector.shape_cast %get3A_1362 : vector<1x16xf32> to vector<16xf32>
    %add3A_1364 = arith.addf %add3A_1358, %get3A_1363 : vector<16xf32>
    %get3A_1365 = arith.constant 14 : i32
    %get3A_1366 = arith.index_cast %get3A_1365 : i32 to index
    %get3A_1367 = arith.constant 112 : index
    %get3A_1368 = tpu.vector_load %arg17[%get3A_1366, %get3A_1367] {strides = array<i32>} : memref<32x128xf32, #tpu.memory_space<vmem>>, vector<1x16xf32>,
    %get3A_1369 = vector.shape_cast %get3A_1368 : vector<1x16xf32> to vector<16xf32>
    %add3A_1370 = arith.addf %add3A_1364, %get3A_1369 : vector<16xf32>
    %get3A_1371 = arith.constant 15 : i32
    %get3A_1372 = arith.index_cast %get3A_1371 : i32 to index
    %get3A_1373 = arith.constant 112 : index
    %get3A_1374 = tpu.vector_load %arg17[%get3A_1372, %get3A_1373] {strides = array<i32>} : memref<32x128xf32, #tpu.memory_space<vmem>>, vector<1x16xf32>,
    %get3A_1375 = vector.shape_cast %get3A_1374 : vector<1x16xf32> to vector<16xf32>
    %add3A_1376 = arith.addf %add3A_1370, %get3A_1375 : vector<16xf32>
    %get3A_1377 = arith.constant 112 : index
    %get3A_1378 = tpu.vector_load %arg21[%get3A_1377] {strides = array<i32>} : memref<128xf32, #tpu.memory_space<vmem>>, vector<16xf32>,
    %get3A_1379 = vector.shape_cast %get3A_1378 : vector<16xf32> to vector<16xf32>
    %mul3A_1380 = arith.mulf %mul3A_69, %add3A_1376 : vector<16xf32>
    %add3A_1381 = arith.addf %get3A_1379, %mul3A_1380 : vector<16xf32>
    %swap3A_1382 = arith.constant 112 : index
    %swap3A_1383 = tpu.vector_load %arg21[%swap3A_1382] {strides = array<i32>} : memref<128xf32, #tpu.memory_space<vmem>>, vector<16xf32>,
    %swap3A_1384 = vector.shape_cast %swap3A_1383 : vector<16xf32> to vector<16xf32>
    %swap3A_1385 = vector.shape_cast %add3A_1381 : vector<16xf32> to vector<16xf32>
    tpu.vector_store %arg21[%swap3A_1382], %swap3A_1385 {strides = array<i32>} : memref<128xf32, #tpu.memory_space<vmem>>, vector<16xf32>,
    %dma_wait3A_1386 = arith.constant 16 : i32
    %dma_wait3A_1387 = arith.constant 0 : i32
    %dma_wait3A_1388 = tpu.memref_slice %arg17[%dma_wait3A_1386, %dma_wait3A_1387] : memref<32x128xf32, #tpu.memory_space<vmem>> -> memref<16x128xf32, #tpu.memory_space<vmem>>
    %dma_wait3A_1389 = arith.constant 16 : i32
    %dma_wait3A_1390 = tpu.memref_slice %arg14[%dma_wait3A_1389] : memref<32xi32, #tpu.memory_space<vmem>> -> memref<16xi32, #tpu.memory_space<vmem>>
    %dma_wait3A_1391 = arith.constant 0 : i32
    %dma_wait3A_1392 = arith.constant 0 : i32
    %dma_wait3A_1393 = tpu.memref_slice %arg4[%dma_wait3A_1391, %dma_wait3A_1392] : memref<100000x128xf32, #tpu.memory_space<hbm>> -> memref<100000x128xf32, #tpu.memory_space<hbm>>
    tpu.wait_indirect_dma semaphore(%arg26 : memref<!tpu.dma_semaphore, #tpu.memory_space<semaphore_mem>>) src(%dma_wait3A_1393 : memref<100000x128xf32, #tpu.memory_space<hbm>>) dst(%dma_wait3A_1388 : memref<16x128xf32, #tpu.memory_space<vmem>>)
    %get3A_1394 = arith.constant 16 : i32
    %get3A_1395 = arith.index_cast %get3A_1394 : i32 to index
    %get3A_1396 = arith.constant 0 : index
    %get3A_1397 = tpu.vector_load %arg17[%get3A_1395, %get3A_1396] {strides = array<i32>} : memref<32x128xf32, #tpu.memory_space<vmem>>, vector<1x16xf32>,
    %get3A_1398 = vector.shape_cast %get3A_1397 : vector<1x16xf32> to vector<16xf32>
    %get3A_1399 = arith.constant 17 : i32
    %get3A_1400 = arith.index_cast %get3A_1399 : i32 to index
    %get3A_1401 = arith.constant 0 : index
    %get3A_1402 = tpu.vector_load %arg17[%get3A_1400, %get3A_1401] {strides = array<i32>} : memref<32x128xf32, #tpu.memory_space<vmem>>, vector<1x16xf32>,
    %get3A_1403 = vector.shape_cast %get3A_1402 : vector<1x16xf32> to vector<16xf32>
    %add3A_1404 = arith.addf %get3A_1398, %get3A_1403 : vector<16xf32>
    %get3A_1405 = arith.constant 18 : i32
    %get3A_1406 = arith.index_cast %get3A_1405 : i32 to index
    %get3A_1407 = arith.constant 0 : index
    %get3A_1408 = tpu.vector_load %arg17[%get3A_1406, %get3A_1407] {strides = array<i32>} : memref<32x128xf32, #tpu.memory_space<vmem>>, vector<1x16xf32>,
    %get3A_1409 = vector.shape_cast %get3A_1408 : vector<1x16xf32> to vector<16xf32>
    %add3A_1410 = arith.addf %add3A_1404, %get3A_1409 : vector<16xf32>
    %get3A_1411 = arith.constant 19 : i32
    %get3A_1412 = arith.index_cast %get3A_1411 : i32 to index
    %get3A_1413 = arith.constant 0 : index
    %get3A_1414 = tpu.vector_load %arg17[%get3A_1412, %get3A_1413] {strides = array<i32>} : memref<32x128xf32, #tpu.memory_space<vmem>>, vector<1x16xf32>,
    %get3A_1415 = vector.shape_cast %get3A_1414 : vector<1x16xf32> to vector<16xf32>
    %add3A_1416 = arith.addf %add3A_1410, %get3A_1415 : vector<16xf32>
    %get3A_1417 = arith.constant 20 : i32
    %get3A_1418 = arith.index_cast %get3A_1417 : i32 to index
    %get3A_1419 = arith.constant 0 : index
    %get3A_1420 = tpu.vector_load %arg17[%get3A_1418, %get3A_1419] {strides = array<i32>} : memref<32x128xf32, #tpu.memory_space<vmem>>, vector<1x16xf32>,
    %get3A_1421 = vector.shape_cast %get3A_1420 : vector<1x16xf32> to vector<16xf32>
    %add3A_1422 = arith.addf %add3A_1416, %get3A_1421 : vector<16xf32>
    %get3A_1423 = arith.constant 21 : i32
    %get3A_1424 = arith.index_cast %get3A_1423 : i32 to index
    %get3A_1425 = arith.constant 0 : index
    %get3A_1426 = tpu.vector_load %arg17[%get3A_1424, %get3A_1425] {strides = array<i32>} : memref<32x128xf32, #tpu.memory_space<vmem>>, vector<1x16xf32>,
    %get3A_1427 = vector.shape_cast %get3A_1426 : vector<1x16xf32> to vector<16xf32>
    %add3A_1428 = arith.addf %add3A_1422, %get3A_1427 : vector<16xf32>
    %get3A_1429 = arith.constant 22 : i32
    %get3A_1430 = arith.index_cast %get3A_1429 : i32 to index
    %get3A_1431 = arith.constant 0 : index
    %get3A_1432 = tpu.vector_load %arg17[%get3A_1430, %get3A_1431] {strides = array<i32>} : memref<32x128xf32, #tpu.memory_space<vmem>>, vector<1x16xf32>,
    %get3A_1433 = vector.shape_cast %get3A_1432 : vector<1x16xf32> to vector<16xf32>
    %add3A_1434 = arith.addf %add3A_1428, %get3A_1433 : vector<16xf32>
    %get3A_1435 = arith.constant 23 : i32
    %get3A_1436 = arith.index_cast %get3A_1435 : i32 to index
    %get3A_1437 = arith.constant 0 : index
    %get3A_1438 = tpu.vector_load %arg17[%get3A_1436, %get3A_1437] {strides = array<i32>} : memref<32x128xf32, #tpu.memory_space<vmem>>, vector<1x16xf32>,
    %get3A_1439 = vector.shape_cast %get3A_1438 : vector<1x16xf32> to vector<16xf32>
    %add3A_1440 = arith.addf %add3A_1434, %get3A_1439 : vector<16xf32>
    %get3A_1441 = arith.constant 24 : i32
    %get3A_1442 = arith.index_cast %get3A_1441 : i32 to index
    %get3A_1443 = arith.constant 0 : index
    %get3A_1444 = tpu.vector_load %arg17[%get3A_1442, %get3A_1443] {strides = array<i32>} : memref<32x128xf32, #tpu.memory_space<vmem>>, vector<1x16xf32>,
    %get3A_1445 = vector.shape_cast %get3A_1444 : vector<1x16xf32> to vector<16xf32>
    %add3A_1446 = arith.addf %add3A_1440, %get3A_1445 : vector<16xf32>
    %get3A_1447 = arith.constant 25 : i32
    %get3A_1448 = arith.index_cast %get3A_1447 : i32 to index
    %get3A_1449 = arith.constant 0 : index
    %get3A_1450 = tpu.vector_load %arg17[%get3A_1448, %get3A_1449] {strides = array<i32>} : memref<32x128xf32, #tpu.memory_space<vmem>>, vector<1x16xf32>,
    %get3A_1451 = vector.shape_cast %get3A_1450 : vector<1x16xf32> to vector<16xf32>
    %add3A_1452 = arith.addf %add3A_1446, %get3A_1451 : vector<16xf32>
    %get3A_1453 = arith.constant 26 : i32
    %get3A_1454 = arith.index_cast %get3A_1453 : i32 to index
    %get3A_1455 = arith.constant 0 : index
    %get3A_1456 = tpu.vector_load %arg17[%get3A_1454, %get3A_1455] {strides = array<i32>} : memref<32x128xf32, #tpu.memory_space<vmem>>, vector<1x16xf32>,
    %get3A_1457 = vector.shape_cast %get3A_1456 : vector<1x16xf32> to vector<16xf32>
    %add3A_1458 = arith.addf %add3A_1452, %get3A_1457 : vector<16xf32>
    %get3A_1459 = arith.constant 27 : i32
    %get3A_1460 = arith.index_cast %get3A_1459 : i32 to index
    %get3A_1461 = arith.constant 0 : index
    %get3A_1462 = tpu.vector_load %arg17[%get3A_1460, %get3A_1461] {strides = array<i32>} : memref<32x128xf32, #tpu.memory_space<vmem>>, vector<1x16xf32>,
    %get3A_1463 = vector.shape_cast %get3A_1462 : vector<1x16xf32> to vector<16xf32>
    %add3A_1464 = arith.addf %add3A_1458, %get3A_1463 : vector<16xf32>
    %get3A_1465 = arith.constant 28 : i32
    %get3A_1466 = arith.index_cast %get3A_1465 : i32 to index
    %get3A_1467 = arith.constant 0 : index
    %get3A_1468 = tpu.vector_load %arg17[%get3A_1466, %get3A_1467] {strides = array<i32>} : memref<32x128xf32, #tpu.memory_space<vmem>>, vector<1x16xf32>,
    %get3A_1469 = vector.shape_cast %get3A_1468 : vector<1x16xf32> to vector<16xf32>
    %add3A_1470 = arith.addf %add3A_1464, %get3A_1469 : vector<16xf32>
    %get3A_1471 = arith.constant 29 : i32
    %get3A_1472 = arith.index_cast %get3A_1471 : i32 to index
    %get3A_1473 = arith.constant 0 : index
    %get3A_1474 = tpu.vector_load %arg17[%get3A_1472, %get3A_1473] {strides = array<i32>} : memref<32x128xf32, #tpu.memory_space<vmem>>, vector<1x16xf32>,
    %get3A_1475 = vector.shape_cast %get3A_1474 : vector<1x16xf32> to vector<16xf32>
    %add3A_1476 = arith.addf %add3A_1470, %get3A_1475 : vector<16xf32>
    %get3A_1477 = arith.constant 30 : i32
    %get3A_1478 = arith.index_cast %get3A_1477 : i32 to index
    %get3A_1479 = arith.constant 0 : index
    %get3A_1480 = tpu.vector_load %arg17[%get3A_1478, %get3A_1479] {strides = array<i32>} : memref<32x128xf32, #tpu.memory_space<vmem>>, vector<1x16xf32>,
    %get3A_1481 = vector.shape_cast %get3A_1480 : vector<1x16xf32> to vector<16xf32>
    %add3A_1482 = arith.addf %add3A_1476, %get3A_1481 : vector<16xf32>
    %get3A_1483 = arith.constant 31 : i32
    %get3A_1484 = arith.index_cast %get3A_1483 : i32 to index
    %get3A_1485 = arith.constant 0 : index
    %get3A_1486 = tpu.vector_load %arg17[%get3A_1484, %get3A_1485] {strides = array<i32>} : memref<32x128xf32, #tpu.memory_space<vmem>>, vector<1x16xf32>,
    %get3A_1487 = vector.shape_cast %get3A_1486 : vector<1x16xf32> to vector<16xf32>
    %add3A_1488 = arith.addf %add3A_1482, %get3A_1487 : vector<16xf32>
    %get3A_1489 = arith.constant 0 : index
    %get3A_1490 = tpu.vector_load %arg21[%get3A_1489] {strides = array<i32>} : memref<128xf32, #tpu.memory_space<vmem>>, vector<16xf32>,
    %get3A_1491 = vector.shape_cast %get3A_1490 : vector<16xf32> to vector<16xf32>
    %mul3A_1492 = arith.mulf %mul3A_69, %add3A_1488 : vector<16xf32>
    %add3A_1493 = arith.addf %get3A_1491, %mul3A_1492 : vector<16xf32>
    %swap3A_1494 = arith.constant 0 : index
    %swap3A_1495 = tpu.vector_load %arg21[%swap3A_1494] {strides = array<i32>} : memref<128xf32, #tpu.memory_space<vmem>>, vector<16xf32>,
    %swap3A_1496 = vector.shape_cast %swap3A_1495 : vector<16xf32> to vector<16xf32>
    %swap3A_1497 = vector.shape_cast %add3A_1493 : vector<16xf32> to vector<16xf32>
    tpu.vector_store %arg21[%swap3A_1494], %swap3A_1497 {strides = array<i32>} : memref<128xf32, #tpu.memory_space<vmem>>, vector<16xf32>,
    %get3A_1498 = arith.constant 16 : i32
    %get3A_1499 = arith.index_cast %get3A_1498 : i32 to index
    %get3A_1500 = arith.constant 16 : index
    %get3A_1501 = tpu.vector_load %arg17[%get3A_1499, %get3A_1500] {strides = array<i32>} : memref<32x128xf32, #tpu.memory_space<vmem>>, vector<1x16xf32>,
    %get3A_1502 = vector.shape_cast %get3A_1501 : vector<1x16xf32> to vector<16xf32>
    %get3A_1503 = arith.constant 17 : i32
    %get3A_1504 = arith.index_cast %get3A_1503 : i32 to index
    %get3A_1505 = arith.constant 16 : index
    %get3A_1506 = tpu.vector_load %arg17[%get3A_1504, %get3A_1505] {strides = array<i32>} : memref<32x128xf32, #tpu.memory_space<vmem>>, vector<1x16xf32>,
    %get3A_1507 = vector.shape_cast %get3A_1506 : vector<1x16xf32> to vector<16xf32>
    %add3A_1508 = arith.addf %get3A_1502, %get3A_1507 : vector<16xf32>
    %get3A_1509 = arith.constant 18 : i32
    %get3A_1510 = arith.index_cast %get3A_1509 : i32 to index
    %get3A_1511 = arith.constant 16 : index
    %get3A_1512 = tpu.vector_load %arg17[%get3A_1510, %get3A_1511] {strides = array<i32>} : memref<32x128xf32, #tpu.memory_space<vmem>>, vector<1x16xf32>,
    %get3A_1513 = vector.shape_cast %get3A_1512 : vector<1x16xf32> to vector<16xf32>
    %add3A_1514 = arith.addf %add3A_1508, %get3A_1513 : vector<16xf32>
    %get3A_1515 = arith.constant 19 : i32
    %get3A_1516 = arith.index_cast %get3A_1515 : i32 to index
    %get3A_1517 = arith.constant 16 : index
    %get3A_1518 = tpu.vector_load %arg17[%get3A_1516, %get3A_1517] {strides = array<i32>} : memref<32x128xf32, #tpu.memory_space<vmem>>, vector<1x16xf32>,
    %get3A_1519 = vector.shape_cast %get3A_1518 : vector<1x16xf32> to vector<16xf32>
    %add3A_1520 = arith.addf %add3A_1514, %get3A_1519 : vector<16xf32>
    %get3A_1521 = arith.constant 20 : i32
    %get3A_1522 = arith.index_cast %get3A_1521 : i32 to index
    %get3A_1523 = arith.constant 16 : index
    %get3A_1524 = tpu.vector_load %arg17[%get3A_1522, %get3A_1523] {strides = array<i32>} : memref<32x128xf32, #tpu.memory_space<vmem>>, vector<1x16xf32>,
    %get3A_1525 = vector.shape_cast %get3A_1524 : vector<1x16xf32> to vector<16xf32>
    %add3A_1526 = arith.addf %add3A_1520, %get3A_1525 : vector<16xf32>
    %get3A_1527 = arith.constant 21 : i32
    %get3A_1528 = arith.index_cast %get3A_1527 : i32 to index
    %get3A_1529 = arith.constant 16 : index
    %get3A_1530 = tpu.vector_load %arg17[%get3A_1528, %get3A_1529] {strides = array<i32>} : memref<32x128xf32, #tpu.memory_space<vmem>>, vector<1x16xf32>,
    %get3A_1531 = vector.shape_cast %get3A_1530 : vector<1x16xf32> to vector<16xf32>
    %add3A_1532 = arith.addf %add3A_1526, %get3A_1531 : vector<16xf32>
    %get3A_1533 = arith.constant 22 : i32
    %get3A_1534 = arith.index_cast %get3A_1533 : i32 to index
    %get3A_1535 = arith.constant 16 : index
    %get3A_1536 = tpu.vector_load %arg17[%get3A_1534, %get3A_1535] {strides = array<i32>} : memref<32x128xf32, #tpu.memory_space<vmem>>, vector<1x16xf32>,
    %get3A_1537 = vector.shape_cast %get3A_1536 : vector<1x16xf32> to vector<16xf32>
    %add3A_1538 = arith.addf %add3A_1532, %get3A_1537 : vector<16xf32>
    %get3A_1539 = arith.constant 23 : i32
    %get3A_1540 = arith.index_cast %get3A_1539 : i32 to index
    %get3A_1541 = arith.constant 16 : index
    %get3A_1542 = tpu.vector_load %arg17[%get3A_1540, %get3A_1541] {strides = array<i32>} : memref<32x128xf32, #tpu.memory_space<vmem>>, vector<1x16xf32>,
    %get3A_1543 = vector.shape_cast %get3A_1542 : vector<1x16xf32> to vector<16xf32>
    %add3A_1544 = arith.addf %add3A_1538, %get3A_1543 : vector<16xf32>
    %get3A_1545 = arith.constant 24 : i32
    %get3A_1546 = arith.index_cast %get3A_1545 : i32 to index
    %get3A_1547 = arith.constant 16 : index
    %get3A_1548 = tpu.vector_load %arg17[%get3A_1546, %get3A_1547] {strides = array<i32>} : memref<32x128xf32, #tpu.memory_space<vmem>>, vector<1x16xf32>,
    %get3A_1549 = vector.shape_cast %get3A_1548 : vector<1x16xf32> to vector<16xf32>
    %add3A_1550 = arith.addf %add3A_1544, %get3A_1549 : vector<16xf32>
    %get3A_1551 = arith.constant 25 : i32
    %get3A_1552 = arith.index_cast %get3A_1551 : i32 to index
    %get3A_1553 = arith.constant 16 : index
    %get3A_1554 = tpu.vector_load %arg17[%get3A_1552, %get3A_1553] {strides = array<i32>} : memref<32x128xf32, #tpu.memory_space<vmem>>, vector<1x16xf32>,
    %get3A_1555 = vector.shape_cast %get3A_1554 : vector<1x16xf32> to vector<16xf32>
    %add3A_1556 = arith.addf %add3A_1550, %get3A_1555 : vector<16xf32>
    %get3A_1557 = arith.constant 26 : i32
    %get3A_1558 = arith.index_cast %get3A_1557 : i32 to index
    %get3A_1559 = arith.constant 16 : index
    %get3A_1560 = tpu.vector_load %arg17[%get3A_1558, %get3A_1559] {strides = array<i32>} : memref<32x128xf32, #tpu.memory_space<vmem>>, vector<1x16xf32>,
    %get3A_1561 = vector.shape_cast %get3A_1560 : vector<1x16xf32> to vector<16xf32>
    %add3A_1562 = arith.addf %add3A_1556, %get3A_1561 : vector<16xf32>
    %get3A_1563 = arith.constant 27 : i32
    %get3A_1564 = arith.index_cast %get3A_1563 : i32 to index
    %get3A_1565 = arith.constant 16 : index
    %get3A_1566 = tpu.vector_load %arg17[%get3A_1564, %get3A_1565] {strides = array<i32>} : memref<32x128xf32, #tpu.memory_space<vmem>>, vector<1x16xf32>,
    %get3A_1567 = vector.shape_cast %get3A_1566 : vector<1x16xf32> to vector<16xf32>
    %add3A_1568 = arith.addf %add3A_1562, %get3A_1567 : vector<16xf32>
    %get3A_1569 = arith.constant 28 : i32
    %get3A_1570 = arith.index_cast %get3A_1569 : i32 to index
    %get3A_1571 = arith.constant 16 : index
    %get3A_1572 = tpu.vector_load %arg17[%get3A_1570, %get3A_1571] {strides = array<i32>} : memref<32x128xf32, #tpu.memory_space<vmem>>, vector<1x16xf32>,
    %get3A_1573 = vector.shape_cast %get3A_1572 : vector<1x16xf32> to vector<16xf32>
    %add3A_1574 = arith.addf %add3A_1568, %get3A_1573 : vector<16xf32>
    %get3A_1575 = arith.constant 29 : i32
    %get3A_1576 = arith.index_cast %get3A_1575 : i32 to index
    %get3A_1577 = arith.constant 16 : index
    %get3A_1578 = tpu.vector_load %arg17[%get3A_1576, %get3A_1577] {strides = array<i32>} : memref<32x128xf32, #tpu.memory_space<vmem>>, vector<1x16xf32>,
    %get3A_1579 = vector.shape_cast %get3A_1578 : vector<1x16xf32> to vector<16xf32>
    %add3A_1580 = arith.addf %add3A_1574, %get3A_1579 : vector<16xf32>
    %get3A_1581 = arith.constant 30 : i32
    %get3A_1582 = arith.index_cast %get3A_1581 : i32 to index
    %get3A_1583 = arith.constant 16 : index
    %get3A_1584 = tpu.vector_load %arg17[%get3A_1582, %get3A_1583] {strides = array<i32>} : memref<32x128xf32, #tpu.memory_space<vmem>>, vector<1x16xf32>,
    %get3A_1585 = vector.shape_cast %get3A_1584 : vector<1x16xf32> to vector<16xf32>
    %add3A_1586 = arith.addf %add3A_1580, %get3A_1585 : vector<16xf32>
    %get3A_1587 = arith.constant 31 : i32
    %get3A_1588 = arith.index_cast %get3A_1587 : i32 to index
    %get3A_1589 = arith.constant 16 : index
    %get3A_1590 = tpu.vector_load %arg17[%get3A_1588, %get3A_1589] {strides = array<i32>} : memref<32x128xf32, #tpu.memory_space<vmem>>, vector<1x16xf32>,
    %get3A_1591 = vector.shape_cast %get3A_1590 : vector<1x16xf32> to vector<16xf32>
    %add3A_1592 = arith.addf %add3A_1586, %get3A_1591 : vector<16xf32>
    %get3A_1593 = arith.constant 16 : index
    %get3A_1594 = tpu.vector_load %arg21[%get3A_1593] {strides = array<i32>} : memref<128xf32, #tpu.memory_space<vmem>>, vector<16xf32>,
    %get3A_1595 = vector.shape_cast %get3A_1594 : vector<16xf32> to vector<16xf32>
    %mul3A_1596 = arith.mulf %mul3A_69, %add3A_1592 : vector<16xf32>
    %add3A_1597 = arith.addf %get3A_1595, %mul3A_1596 : vector<16xf32>
    %swap3A_1598 = arith.constant 16 : index
    %swap3A_1599 = tpu.vector_load %arg21[%swap3A_1598] {strides = array<i32>} : memref<128xf32, #tpu.memory_space<vmem>>, vector<16xf32>,
    %swap3A_1600 = vector.shape_cast %swap3A_1599 : vector<16xf32> to vector<16xf32>
    %swap3A_1601 = vector.shape_cast %add3A_1597 : vector<16xf32> to vector<16xf32>
    tpu.vector_store %arg21[%swap3A_1598], %swap3A_1601 {strides = array<i32>} : memref<128xf32, #tpu.memory_space<vmem>>, vector<16xf32>,
    %get3A_1602 = arith.constant 16 : i32
    %get3A_1603 = arith.index_cast %get3A_1602 : i32 to index
    %get3A_1604 = arith.constant 32 : index
    %get3A_1605 = tpu.vector_load %arg17[%get3A_1603, %get3A_1604] {strides = array<i32>} : memref<32x128xf32, #tpu.memory_space<vmem>>, vector<1x16xf32>,
    %get3A_1606 = vector.shape_cast %get3A_1605 : vector<1x16xf32> to vector<16xf32>
    %get3A_1607 = arith.constant 17 : i32
    %get3A_1608 = arith.index_cast %get3A_1607 : i32 to index
    %get3A_1609 = arith.constant 32 : index
    %get3A_1610 = tpu.vector_load %arg17[%get3A_1608, %get3A_1609] {strides = array<i32>} : memref<32x128xf32, #tpu.memory_space<vmem>>, vector<1x16xf32>,
    %get3A_1611 = vector.shape_cast %get3A_1610 : vector<1x16xf32> to vector<16xf32>
    %add3A_1612 = arith.addf %get3A_1606, %get3A_1611 : vector<16xf32>
    %get3A_1613 = arith.constant 18 : i32
    %get3A_1614 = arith.index_cast %get3A_1613 : i32 to index
    %get3A_1615 = arith.constant 32 : index
    %get3A_1616 = tpu.vector_load %arg17[%get3A_1614, %get3A_1615] {strides = array<i32>} : memref<32x128xf32, #tpu.memory_space<vmem>>, vector<1x16xf32>,
    %get3A_1617 = vector.shape_cast %get3A_1616 : vector<1x16xf32> to vector<16xf32>
    %add3A_1618 = arith.addf %add3A_1612, %get3A_1617 : vector<16xf32>
    %get3A_1619 = arith.constant 19 : i32
    %get3A_1620 = arith.index_cast %get3A_1619 : i32 to index
    %get3A_1621 = arith.constant 32 : index
    %get3A_1622 = tpu.vector_load %arg17[%get3A_1620, %get3A_1621] {strides = array<i32>} : memref<32x128xf32, #tpu.memory_space<vmem>>, vector<1x16xf32>,
    %get3A_1623 = vector.shape_cast %get3A_1622 : vector<1x16xf32> to vector<16xf32>
    %add3A_1624 = arith.addf %add3A_1618, %get3A_1623 : vector<16xf32>
    %get3A_1625 = arith.constant 20 : i32
    %get3A_1626 = arith.index_cast %get3A_1625 : i32 to index
    %get3A_1627 = arith.constant 32 : index
    %get3A_1628 = tpu.vector_load %arg17[%get3A_1626, %get3A_1627] {strides = array<i32>} : memref<32x128xf32, #tpu.memory_space<vmem>>, vector<1x16xf32>,
    %get3A_1629 = vector.shape_cast %get3A_1628 : vector<1x16xf32> to vector<16xf32>
    %add3A_1630 = arith.addf %add3A_1624, %get3A_1629 : vector<16xf32>
    %get3A_1631 = arith.constant 21 : i32
    %get3A_1632 = arith.index_cast %get3A_1631 : i32 to index
    %get3A_1633 = arith.constant 32 : index
    %get3A_1634 = tpu.vector_load %arg17[%get3A_1632, %get3A_1633] {strides = array<i32>} : memref<32x128xf32, #tpu.memory_space<vmem>>, vector<1x16xf32>,
    %get3A_1635 = vector.shape_cast %get3A_1634 : vector<1x16xf32> to vector<16xf32>
    %add3A_1636 = arith.addf %add3A_1630, %get3A_1635 : vector<16xf32>
    %get3A_1637 = arith.constant 22 : i32
    %get3A_1638 = arith.index_cast %get3A_1637 : i32 to index
    %get3A_1639 = arith.constant 32 : index
    %get3A_1640 = tpu.vector_load %arg17[%get3A_1638, %get3A_1639] {strides = array<i32>} : memref<32x128xf32, #tpu.memory_space<vmem>>, vector<1x16xf32>,
    %get3A_1641 = vector.shape_cast %get3A_1640 : vector<1x16xf32> to vector<16xf32>
    %add3A_1642 = arith.addf %add3A_1636, %get3A_1641 : vector<16xf32>
    %get3A_1643 = arith.constant 23 : i32
    %get3A_1644 = arith.index_cast %get3A_1643 : i32 to index
    %get3A_1645 = arith.constant 32 : index
    %get3A_1646 = tpu.vector_load %arg17[%get3A_1644, %get3A_1645] {strides = array<i32>} : memref<32x128xf32, #tpu.memory_space<vmem>>, vector<1x16xf32>,
    %get3A_1647 = vector.shape_cast %get3A_1646 : vector<1x16xf32> to vector<16xf32>
    %add3A_1648 = arith.addf %add3A_1642, %get3A_1647 : vector<16xf32>
    %get3A_1649 = arith.constant 24 : i32
    %get3A_1650 = arith.index_cast %get3A_1649 : i32 to index
    %get3A_1651 = arith.constant 32 : index
    %get3A_1652 = tpu.vector_load %arg17[%get3A_1650, %get3A_1651] {strides = array<i32>} : memref<32x128xf32, #tpu.memory_space<vmem>>, vector<1x16xf32>,
    %get3A_1653 = vector.shape_cast %get3A_1652 : vector<1x16xf32> to vector<16xf32>
    %add3A_1654 = arith.addf %add3A_1648, %get3A_1653 : vector<16xf32>
    %get3A_1655 = arith.constant 25 : i32
    %get3A_1656 = arith.index_cast %get3A_1655 : i32 to index
    %get3A_1657 = arith.constant 32 : index
    %get3A_1658 = tpu.vector_load %arg17[%get3A_1656, %get3A_1657] {strides = array<i32>} : memref<32x128xf32, #tpu.memory_space<vmem>>, vector<1x16xf32>,
    %get3A_1659 = vector.shape_cast %get3A_1658 : vector<1x16xf32> to vector<16xf32>
    %add3A_1660 = arith.addf %add3A_1654, %get3A_1659 : vector<16xf32>
    %get3A_1661 = arith.constant 26 : i32
    %get3A_1662 = arith.index_cast %get3A_1661 : i32 to index
    %get3A_1663 = arith.constant 32 : index
    %get3A_1664 = tpu.vector_load %arg17[%get3A_1662, %get3A_1663] {strides = array<i32>} : memref<32x128xf32, #tpu.memory_space<vmem>>, vector<1x16xf32>,
    %get3A_1665 = vector.shape_cast %get3A_1664 : vector<1x16xf32> to vector<16xf32>
    %add3A_1666 = arith.addf %add3A_1660, %get3A_1665 : vector<16xf32>
    %get3A_1667 = arith.constant 27 : i32
    %get3A_1668 = arith.index_cast %get3A_1667 : i32 to index
    %get3A_1669 = arith.constant 32 : index
    %get3A_1670 = tpu.vector_load %arg17[%get3A_1668, %get3A_1669] {strides = array<i32>} : memref<32x128xf32, #tpu.memory_space<vmem>>, vector<1x16xf32>,
    %get3A_1671 = vector.shape_cast %get3A_1670 : vector<1x16xf32> to vector<16xf32>
    %add3A_1672 = arith.addf %add3A_1666, %get3A_1671 : vector<16xf32>
    %get3A_1673 = arith.constant 28 : i32
    %get3A_1674 = arith.index_cast %get3A_1673 : i32 to index
    %get3A_1675 = arith.constant 32 : index
    %get3A_1676 = tpu.vector_load %arg17[%get3A_1674, %get3A_1675] {strides = array<i32>} : memref<32x128xf32, #tpu.memory_space<vmem>>, vector<1x16xf32>,
    %get3A_1677 = vector.shape_cast %get3A_1676 : vector<1x16xf32> to vector<16xf32>
    %add3A_1678 = arith.addf %add3A_1672, %get3A_1677 : vector<16xf32>
    %get3A_1679 = arith.constant 29 : i32
    %get3A_1680 = arith.index_cast %get3A_1679 : i32 to index
    %get3A_1681 = arith.constant 32 : index
    %get3A_1682 = tpu.vector_load %arg17[%get3A_1680, %get3A_1681] {strides = array<i32>} : memref<32x128xf32, #tpu.memory_space<vmem>>, vector<1x16xf32>,
    %get3A_1683 = vector.shape_cast %get3A_1682 : vector<1x16xf32> to vector<16xf32>
    %add3A_1684 = arith.addf %add3A_1678, %get3A_1683 : vector<16xf32>
    %get3A_1685 = arith.constant 30 : i32
    %get3A_1686 = arith.index_cast %get3A_1685 : i32 to index
    %get3A_1687 = arith.constant 32 : index
    %get3A_1688 = tpu.vector_load %arg17[%get3A_1686, %get3A_1687] {strides = array<i32>} : memref<32x128xf32, #tpu.memory_space<vmem>>, vector<1x16xf32>,
    %get3A_1689 = vector.shape_cast %get3A_1688 : vector<1x16xf32> to vector<16xf32>
    %add3A_1690 = arith.addf %add3A_1684, %get3A_1689 : vector<16xf32>
    %get3A_1691 = arith.constant 31 : i32
    %get3A_1692 = arith.index_cast %get3A_1691 : i32 to index
    %get3A_1693 = arith.constant 32 : index
    %get3A_1694 = tpu.vector_load %arg17[%get3A_1692, %get3A_1693] {strides = array<i32>} : memref<32x128xf32, #tpu.memory_space<vmem>>, vector<1x16xf32>,
    %get3A_1695 = vector.shape_cast %get3A_1694 : vector<1x16xf32> to vector<16xf32>
    %add3A_1696 = arith.addf %add3A_1690, %get3A_1695 : vector<16xf32>
    %get3A_1697 = arith.constant 32 : index
    %get3A_1698 = tpu.vector_load %arg21[%get3A_1697] {strides = array<i32>} : memref<128xf32, #tpu.memory_space<vmem>>, vector<16xf32>,
    %get3A_1699 = vector.shape_cast %get3A_1698 : vector<16xf32> to vector<16xf32>
    %mul3A_1700 = arith.mulf %mul3A_69, %add3A_1696 : vector<16xf32>
    %add3A_1701 = arith.addf %get3A_1699, %mul3A_1700 : vector<16xf32>
    %swap3A_1702 = arith.constant 32 : index
    %swap3A_1703 = tpu.vector_load %arg21[%swap3A_1702] {strides = array<i32>} : memref<128xf32, #tpu.memory_space<vmem>>, vector<16xf32>,
    %swap3A_1704 = vector.shape_cast %swap3A_1703 : vector<16xf32> to vector<16xf32>
    %swap3A_1705 = vector.shape_cast %add3A_1701 : vector<16xf32> to vector<16xf32>
    tpu.vector_store %arg21[%swap3A_1702], %swap3A_1705 {strides = array<i32>} : memref<128xf32, #tpu.memory_space<vmem>>, vector<16xf32>,
    %get3A_1706 = arith.constant 16 : i32
    %get3A_1707 = arith.index_cast %get3A_1706 : i32 to index
    %get3A_1708 = arith.constant 48 : index
    %get3A_1709 = tpu.vector_load %arg17[%get3A_1707, %get3A_1708] {strides = array<i32>} : memref<32x128xf32, #tpu.memory_space<vmem>>, vector<1x16xf32>,
    %get3A_1710 = vector.shape_cast %get3A_1709 : vector<1x16xf32> to vector<16xf32>
    %get3A_1711 = arith.constant 17 : i32
    %get3A_1712 = arith.index_cast %get3A_1711 : i32 to index
    %get3A_1713 = arith.constant 48 : index
    %get3A_1714 = tpu.vector_load %arg17[%get3A_1712, %get3A_1713] {strides = array<i32>} : memref<32x128xf32, #tpu.memory_space<vmem>>, vector<1x16xf32>,
    %get3A_1715 = vector.shape_cast %get3A_1714 : vector<1x16xf32> to vector<16xf32>
    %add3A_1716 = arith.addf %get3A_1710, %get3A_1715 : vector<16xf32>
    %get3A_1717 = arith.constant 18 : i32
    %get3A_1718 = arith.index_cast %get3A_1717 : i32 to index
    %get3A_1719 = arith.constant 48 : index
    %get3A_1720 = tpu.vector_load %arg17[%get3A_1718, %get3A_1719] {strides = array<i32>} : memref<32x128xf32, #tpu.memory_space<vmem>>, vector<1x16xf32>,
    %get3A_1721 = vector.shape_cast %get3A_1720 : vector<1x16xf32> to vector<16xf32>
    %add3A_1722 = arith.addf %add3A_1716, %get3A_1721 : vector<16xf32>
    %get3A_1723 = arith.constant 19 : i32
    %get3A_1724 = arith.index_cast %get3A_1723 : i32 to index
    %get3A_1725 = arith.constant 48 : index
    %get3A_1726 = tpu.vector_load %arg17[%get3A_1724, %get3A_1725] {strides = array<i32>} : memref<32x128xf32, #tpu.memory_space<vmem>>, vector<1x16xf32>,
    %get3A_1727 = vector.shape_cast %get3A_1726 : vector<1x16xf32> to vector<16xf32>
    %add3A_1728 = arith.addf %add3A_1722, %get3A_1727 : vector<16xf32>
    %get3A_1729 = arith.constant 20 : i32
    %get3A_1730 = arith.index_cast %get3A_1729 : i32 to index
    %get3A_1731 = arith.constant 48 : index
    %get3A_1732 = tpu.vector_load %arg17[%get3A_1730, %get3A_1731] {strides = array<i32>} : memref<32x128xf32, #tpu.memory_space<vmem>>, vector<1x16xf32>,
    %get3A_1733 = vector.shape_cast %get3A_1732 : vector<1x16xf32> to vector<16xf32>
    %add3A_1734 = arith.addf %add3A_1728, %get3A_1733 : vector<16xf32>
    %get3A_1735 = arith.constant 21 : i32
    %get3A_1736 = arith.index_cast %get3A_1735 : i32 to index
    %get3A_1737 = arith.constant 48 : index
    %get3A_1738 = tpu.vector_load %arg17[%get3A_1736, %get3A_1737] {strides = array<i32>} : memref<32x128xf32, #tpu.memory_space<vmem>>, vector<1x16xf32>,
    %get3A_1739 = vector.shape_cast %get3A_1738 : vector<1x16xf32> to vector<16xf32>
    %add3A_1740 = arith.addf %add3A_1734, %get3A_1739 : vector<16xf32>
    %get3A_1741 = arith.constant 22 : i32
    %get3A_1742 = arith.index_cast %get3A_1741 : i32 to index
    %get3A_1743 = arith.constant 48 : index
    %get3A_1744 = tpu.vector_load %arg17[%get3A_1742, %get3A_1743] {strides = array<i32>} : memref<32x128xf32, #tpu.memory_space<vmem>>, vector<1x16xf32>,
    %get3A_1745 = vector.shape_cast %get3A_1744 : vector<1x16xf32> to vector<16xf32>
    %add3A_1746 = arith.addf %add3A_1740, %get3A_1745 : vector<16xf32>
    %get3A_1747 = arith.constant 23 : i32
    %get3A_1748 = arith.index_cast %get3A_1747 : i32 to index
    %get3A_1749 = arith.constant 48 : index
    %get3A_1750 = tpu.vector_load %arg17[%get3A_1748, %get3A_1749] {strides = array<i32>} : memref<32x128xf32, #tpu.memory_space<vmem>>, vector<1x16xf32>,
    %get3A_1751 = vector.shape_cast %get3A_1750 : vector<1x16xf32> to vector<16xf32>
    %add3A_1752 = arith.addf %add3A_1746, %get3A_1751 : vector<16xf32>
    %get3A_1753 = arith.constant 24 : i32
    %get3A_1754 = arith.index_cast %get3A_1753 : i32 to index
    %get3A_1755 = arith.constant 48 : index
    %get3A_1756 = tpu.vector_load %arg17[%get3A_1754, %get3A_1755] {strides = array<i32>} : memref<32x128xf32, #tpu.memory_space<vmem>>, vector<1x16xf32>,
    %get3A_1757 = vector.shape_cast %get3A_1756 : vector<1x16xf32> to vector<16xf32>
    %add3A_1758 = arith.addf %add3A_1752, %get3A_1757 : vector<16xf32>
    %get3A_1759 = arith.constant 25 : i32
    %get3A_1760 = arith.index_cast %get3A_1759 : i32 to index
    %get3A_1761 = arith.constant 48 : index
    %get3A_1762 = tpu.vector_load %arg17[%get3A_1760, %get3A_1761] {strides = array<i32>} : memref<32x128xf32, #tpu.memory_space<vmem>>, vector<1x16xf32>,
    %get3A_1763 = vector.shape_cast %get3A_1762 : vector<1x16xf32> to vector<16xf32>
    %add3A_1764 = arith.addf %add3A_1758, %get3A_1763 : vector<16xf32>
    %get3A_1765 = arith.constant 26 : i32
    %get3A_1766 = arith.index_cast %get3A_1765 : i32 to index
    %get3A_1767 = arith.constant 48 : index
    %get3A_1768 = tpu.vector_load %arg17[%get3A_1766, %get3A_1767] {strides = array<i32>} : memref<32x128xf32, #tpu.memory_space<vmem>>, vector<1x16xf32>,
    %get3A_1769 = vector.shape_cast %get3A_1768 : vector<1x16xf32> to vector<16xf32>
    %add3A_1770 = arith.addf %add3A_1764, %get3A_1769 : vector<16xf32>
    %get3A_1771 = arith.constant 27 : i32
    %get3A_1772 = arith.index_cast %get3A_1771 : i32 to index
    %get3A_1773 = arith.constant 48 : index
    %get3A_1774 = tpu.vector_load %arg17[%get3A_1772, %get3A_1773] {strides = array<i32>} : memref<32x128xf32, #tpu.memory_space<vmem>>, vector<1x16xf32>,
    %get3A_1775 = vector.shape_cast %get3A_1774 : vector<1x16xf32> to vector<16xf32>
    %add3A_1776 = arith.addf %add3A_1770, %get3A_1775 : vector<16xf32>
    %get3A_1777 = arith.constant 28 : i32
    %get3A_1778 = arith.index_cast %get3A_1777 : i32 to index
    %get3A_1779 = arith.constant 48 : index
    %get3A_1780 = tpu.vector_load %arg17[%get3A_1778, %get3A_1779] {strides = array<i32>} : memref<32x128xf32, #tpu.memory_space<vmem>>, vector<1x16xf32>,
    %get3A_1781 = vector.shape_cast %get3A_1780 : vector<1x16xf32> to vector<16xf32>
    %add3A_1782 = arith.addf %add3A_1776, %get3A_1781 : vector<16xf32>
    %get3A_1783 = arith.constant 29 : i32
    %get3A_1784 = arith.index_cast %get3A_1783 : i32 to index
    %get3A_1785 = arith.constant 48 : index
    %get3A_1786 = tpu.vector_load %arg17[%get3A_1784, %get3A_1785] {strides = array<i32>} : memref<32x128xf32, #tpu.memory_space<vmem>>, vector<1x16xf32>,
    %get3A_1787 = vector.shape_cast %get3A_1786 : vector<1x16xf32> to vector<16xf32>
    %add3A_1788 = arith.addf %add3A_1782, %get3A_1787 : vector<16xf32>
    %get3A_1789 = arith.constant 30 : i32
    %get3A_1790 = arith.index_cast %get3A_1789 : i32 to index
    %get3A_1791 = arith.constant 48 : index
    %get3A_1792 = tpu.vector_load %arg17[%get3A_1790, %get3A_1791] {strides = array<i32>} : memref<32x128xf32, #tpu.memory_space<vmem>>, vector<1x16xf32>,
    %get3A_1793 = vector.shape_cast %get3A_1792 : vector<1x16xf32> to vector<16xf32>
    %add3A_1794 = arith.addf %add3A_1788, %get3A_1793 : vector<16xf32>
    %get3A_1795 = arith.constant 31 : i32
    %get3A_1796 = arith.index_cast %get3A_1795 : i32 to index
    %get3A_1797 = arith.constant 48 : index
    %get3A_1798 = tpu.vector_load %arg17[%get3A_1796, %get3A_1797] {strides = array<i32>} : memref<32x128xf32, #tpu.memory_space<vmem>>, vector<1x16xf32>,
    %get3A_1799 = vector.shape_cast %get3A_1798 : vector<1x16xf32> to vector<16xf32>
    %add3A_1800 = arith.addf %add3A_1794, %get3A_1799 : vector<16xf32>
    %get3A_1801 = arith.constant 48 : index
    %get3A_1802 = tpu.vector_load %arg21[%get3A_1801] {strides = array<i32>} : memref<128xf32, #tpu.memory_space<vmem>>, vector<16xf32>,
    %get3A_1803 = vector.shape_cast %get3A_1802 : vector<16xf32> to vector<16xf32>
    %mul3A_1804 = arith.mulf %mul3A_69, %add3A_1800 : vector<16xf32>
    %add3A_1805 = arith.addf %get3A_1803, %mul3A_1804 : vector<16xf32>
    %swap3A_1806 = arith.constant 48 : index
    %swap3A_1807 = tpu.vector_load %arg21[%swap3A_1806] {strides = array<i32>} : memref<128xf32, #tpu.memory_space<vmem>>, vector<16xf32>,
    %swap3A_1808 = vector.shape_cast %swap3A_1807 : vector<16xf32> to vector<16xf32>
    %swap3A_1809 = vector.shape_cast %add3A_1805 : vector<16xf32> to vector<16xf32>
    tpu.vector_store %arg21[%swap3A_1806], %swap3A_1809 {strides = array<i32>} : memref<128xf32, #tpu.memory_space<vmem>>, vector<16xf32>,
    %get3A_1810 = arith.constant 16 : i32
    %get3A_1811 = arith.index_cast %get3A_1810 : i32 to index
    %get3A_1812 = arith.constant 64 : index
    %get3A_1813 = tpu.vector_load %arg17[%get3A_1811, %get3A_1812] {strides = array<i32>} : memref<32x128xf32, #tpu.memory_space<vmem>>, vector<1x16xf32>,
    %get3A_1814 = vector.shape_cast %get3A_1813 : vector<1x16xf32> to vector<16xf32>
    %get3A_1815 = arith.constant 17 : i32
    %get3A_1816 = arith.index_cast %get3A_1815 : i32 to index
    %get3A_1817 = arith.constant 64 : index
    %get3A_1818 = tpu.vector_load %arg17[%get3A_1816, %get3A_1817] {strides = array<i32>} : memref<32x128xf32, #tpu.memory_space<vmem>>, vector<1x16xf32>,
    %get3A_1819 = vector.shape_cast %get3A_1818 : vector<1x16xf32> to vector<16xf32>
    %add3A_1820 = arith.addf %get3A_1814, %get3A_1819 : vector<16xf32>
    %get3A_1821 = arith.constant 18 : i32
    %get3A_1822 = arith.index_cast %get3A_1821 : i32 to index
    %get3A_1823 = arith.constant 64 : index
    %get3A_1824 = tpu.vector_load %arg17[%get3A_1822, %get3A_1823] {strides = array<i32>} : memref<32x128xf32, #tpu.memory_space<vmem>>, vector<1x16xf32>,
    %get3A_1825 = vector.shape_cast %get3A_1824 : vector<1x16xf32> to vector<16xf32>
    %add3A_1826 = arith.addf %add3A_1820, %get3A_1825 : vector<16xf32>
    %get3A_1827 = arith.constant 19 : i32
    %get3A_1828 = arith.index_cast %get3A_1827 : i32 to index
    %get3A_1829 = arith.constant 64 : index
    %get3A_1830 = tpu.vector_load %arg17[%get3A_1828, %get3A_1829] {strides = array<i32>} : memref<32x128xf32, #tpu.memory_space<vmem>>, vector<1x16xf32>,
    %get3A_1831 = vector.shape_cast %get3A_1830 : vector<1x16xf32> to vector<16xf32>
    %add3A_1832 = arith.addf %add3A_1826, %get3A_1831 : vector<16xf32>
    %get3A_1833 = arith.constant 20 : i32
    %get3A_1834 = arith.index_cast %get3A_1833 : i32 to index
    %get3A_1835 = arith.constant 64 : index
    %get3A_1836 = tpu.vector_load %arg17[%get3A_1834, %get3A_1835] {strides = array<i32>} : memref<32x128xf32, #tpu.memory_space<vmem>>, vector<1x16xf32>,
    %get3A_1837 = vector.shape_cast %get3A_1836 : vector<1x16xf32> to vector<16xf32>
    %add3A_1838 = arith.addf %add3A_1832, %get3A_1837 : vector<16xf32>
    %get3A_1839 = arith.constant 21 : i32
    %get3A_1840 = arith.index_cast %get3A_1839 : i32 to index
    %get3A_1841 = arith.constant 64 : index
    %get3A_1842 = tpu.vector_load %arg17[%get3A_1840, %get3A_1841] {strides = array<i32>} : memref<32x128xf32, #tpu.memory_space<vmem>>, vector<1x16xf32>,
    %get3A_1843 = vector.shape_cast %get3A_1842 : vector<1x16xf32> to vector<16xf32>
    %add3A_1844 = arith.addf %add3A_1838, %get3A_1843 : vector<16xf32>
    %get3A_1845 = arith.constant 22 : i32
    %get3A_1846 = arith.index_cast %get3A_1845 : i32 to index
    %get3A_1847 = arith.constant 64 : index
    %get3A_1848 = tpu.vector_load %arg17[%get3A_1846, %get3A_1847] {strides = array<i32>} : memref<32x128xf32, #tpu.memory_space<vmem>>, vector<1x16xf32>,
    %get3A_1849 = vector.shape_cast %get3A_1848 : vector<1x16xf32> to vector<16xf32>
    %add3A_1850 = arith.addf %add3A_1844, %get3A_1849 : vector<16xf32>
    %get3A_1851 = arith.constant 23 : i32
    %get3A_1852 = arith.index_cast %get3A_1851 : i32 to index
    %get3A_1853 = arith.constant 64 : index
    %get3A_1854 = tpu.vector_load %arg17[%get3A_1852, %get3A_1853] {strides = array<i32>} : memref<32x128xf32, #tpu.memory_space<vmem>>, vector<1x16xf32>,
    %get3A_1855 = vector.shape_cast %get3A_1854 : vector<1x16xf32> to vector<16xf32>
    %add3A_1856 = arith.addf %add3A_1850, %get3A_1855 : vector<16xf32>
    %get3A_1857 = arith.constant 24 : i32
    %get3A_1858 = arith.index_cast %get3A_1857 : i32 to index
    %get3A_1859 = arith.constant 64 : index
    %get3A_1860 = tpu.vector_load %arg17[%get3A_1858, %get3A_1859] {strides = array<i32>} : memref<32x128xf32, #tpu.memory_space<vmem>>, vector<1x16xf32>,
    %get3A_1861 = vector.shape_cast %get3A_1860 : vector<1x16xf32> to vector<16xf32>
    %add3A_1862 = arith.addf %add3A_1856, %get3A_1861 : vector<16xf32>
    %get3A_1863 = arith.constant 25 : i32
    %get3A_1864 = arith.index_cast %get3A_1863 : i32 to index
    %get3A_1865 = arith.constant 64 : index
    %get3A_1866 = tpu.vector_load %arg17[%get3A_1864, %get3A_1865] {strides = array<i32>} : memref<32x128xf32, #tpu.memory_space<vmem>>, vector<1x16xf32>,
    %get3A_1867 = vector.shape_cast %get3A_1866 : vector<1x16xf32> to vector<16xf32>
    %add3A_1868 = arith.addf %add3A_1862, %get3A_1867 : vector<16xf32>
    %get3A_1869 = arith.constant 26 : i32
    %get3A_1870 = arith.index_cast %get3A_1869 : i32 to index
    %get3A_1871 = arith.constant 64 : index
    %get3A_1872 = tpu.vector_load %arg17[%get3A_1870, %get3A_1871] {strides = array<i32>} : memref<32x128xf32, #tpu.memory_space<vmem>>, vector<1x16xf32>,
    %get3A_1873 = vector.shape_cast %get3A_1872 : vector<1x16xf32> to vector<16xf32>
    %add3A_1874 = arith.addf %add3A_1868, %get3A_1873 : vector<16xf32>
    %get3A_1875 = arith.constant 27 : i32
    %get3A_1876 = arith.index_cast %get3A_1875 : i32 to index
    %get3A_1877 = arith.constant 64 : index
    %get3A_1878 = tpu.vector_load %arg17[%get3A_1876, %get3A_1877] {strides = array<i32>} : memref<32x128xf32, #tpu.memory_space<vmem>>, vector<1x16xf32>,
    %get3A_1879 = vector.shape_cast %get3A_1878 : vector<1x16xf32> to vector<16xf32>
    %add3A_1880 = arith.addf %add3A_1874, %get3A_1879 : vector<16xf32>
    %get3A_1881 = arith.constant 28 : i32
    %get3A_1882 = arith.index_cast %get3A_1881 : i32 to index
    %get3A_1883 = arith.constant 64 : index
    %get3A_1884 = tpu.vector_load %arg17[%get3A_1882, %get3A_1883] {strides = array<i32>} : memref<32x128xf32, #tpu.memory_space<vmem>>, vector<1x16xf32>,
    %get3A_1885 = vector.shape_cast %get3A_1884 : vector<1x16xf32> to vector<16xf32>
    %add3A_1886 = arith.addf %add3A_1880, %get3A_1885 : vector<16xf32>
    %get3A_1887 = arith.constant 29 : i32
    %get3A_1888 = arith.index_cast %get3A_1887 : i32 to index
    %get3A_1889 = arith.constant 64 : index
    %get3A_1890 = tpu.vector_load %arg17[%get3A_1888, %get3A_1889] {strides = array<i32>} : memref<32x128xf32, #tpu.memory_space<vmem>>, vector<1x16xf32>,
    %get3A_1891 = vector.shape_cast %get3A_1890 : vector<1x16xf32> to vector<16xf32>
    %add3A_1892 = arith.addf %add3A_1886, %get3A_1891 : vector<16xf32>
    %get3A_1893 = arith.constant 30 : i32
    %get3A_1894 = arith.index_cast %get3A_1893 : i32 to index
    %get3A_1895 = arith.constant 64 : index
    %get3A_1896 = tpu.vector_load %arg17[%get3A_1894, %get3A_1895] {strides = array<i32>} : memref<32x128xf32, #tpu.memory_space<vmem>>, vector<1x16xf32>,
    %get3A_1897 = vector.shape_cast %get3A_1896 : vector<1x16xf32> to vector<16xf32>
    %add3A_1898 = arith.addf %add3A_1892, %get3A_1897 : vector<16xf32>
    %get3A_1899 = arith.constant 31 : i32
    %get3A_1900 = arith.index_cast %get3A_1899 : i32 to index
    %get3A_1901 = arith.constant 64 : index
    %get3A_1902 = tpu.vector_load %arg17[%get3A_1900, %get3A_1901] {strides = array<i32>} : memref<32x128xf32, #tpu.memory_space<vmem>>, vector<1x16xf32>,
    %get3A_1903 = vector.shape_cast %get3A_1902 : vector<1x16xf32> to vector<16xf32>
    %add3A_1904 = arith.addf %add3A_1898, %get3A_1903 : vector<16xf32>
    %get3A_1905 = arith.constant 64 : index
    %get3A_1906 = tpu.vector_load %arg21[%get3A_1905] {strides = array<i32>} : memref<128xf32, #tpu.memory_space<vmem>>, vector<16xf32>,
    %get3A_1907 = vector.shape_cast %get3A_1906 : vector<16xf32> to vector<16xf32>
    %mul3A_1908 = arith.mulf %mul3A_69, %add3A_1904 : vector<16xf32>
    %add3A_1909 = arith.addf %get3A_1907, %mul3A_1908 : vector<16xf32>
    %swap3A_1910 = arith.constant 64 : index
    %swap3A_1911 = tpu.vector_load %arg21[%swap3A_1910] {strides = array<i32>} : memref<128xf32, #tpu.memory_space<vmem>>, vector<16xf32>,
    %swap3A_1912 = vector.shape_cast %swap3A_1911 : vector<16xf32> to vector<16xf32>
    %swap3A_1913 = vector.shape_cast %add3A_1909 : vector<16xf32> to vector<16xf32>
    tpu.vector_store %arg21[%swap3A_1910], %swap3A_1913 {strides = array<i32>} : memref<128xf32, #tpu.memory_space<vmem>>, vector<16xf32>,
    %get3A_1914 = arith.constant 16 : i32
    %get3A_1915 = arith.index_cast %get3A_1914 : i32 to index
    %get3A_1916 = arith.constant 80 : index
    %get3A_1917 = tpu.vector_load %arg17[%get3A_1915, %get3A_1916] {strides = array<i32>} : memref<32x128xf32, #tpu.memory_space<vmem>>, vector<1x16xf32>,
    %get3A_1918 = vector.shape_cast %get3A_1917 : vector<1x16xf32> to vector<16xf32>
    %get3A_1919 = arith.constant 17 : i32
    %get3A_1920 = arith.index_cast %get3A_1919 : i32 to index
    %get3A_1921 = arith.constant 80 : index
    %get3A_1922 = tpu.vector_load %arg17[%get3A_1920, %get3A_1921] {strides = array<i32>} : memref<32x128xf32, #tpu.memory_space<vmem>>, vector<1x16xf32>,
    %get3A_1923 = vector.shape_cast %get3A_1922 : vector<1x16xf32> to vector<16xf32>
    %add3A_1924 = arith.addf %get3A_1918, %get3A_1923 : vector<16xf32>
    %get3A_1925 = arith.constant 18 : i32
    %get3A_1926 = arith.index_cast %get3A_1925 : i32 to index
    %get3A_1927 = arith.constant 80 : index
    %get3A_1928 = tpu.vector_load %arg17[%get3A_1926, %get3A_1927] {strides = array<i32>} : memref<32x128xf32, #tpu.memory_space<vmem>>, vector<1x16xf32>,
    %get3A_1929 = vector.shape_cast %get3A_1928 : vector<1x16xf32> to vector<16xf32>
    %add3A_1930 = arith.addf %add3A_1924, %get3A_1929 : vector<16xf32>
    %get3A_1931 = arith.constant 19 : i32
    %get3A_1932 = arith.index_cast %get3A_1931 : i32 to index
    %get3A_1933 = arith.constant 80 : index
    %get3A_1934 = tpu.vector_load %arg17[%get3A_1932, %get3A_1933] {strides = array<i32>} : memref<32x128xf32, #tpu.memory_space<vmem>>, vector<1x16xf32>,
    %get3A_1935 = vector.shape_cast %get3A_1934 : vector<1x16xf32> to vector<16xf32>
    %add3A_1936 = arith.addf %add3A_1930, %get3A_1935 : vector<16xf32>
    %get3A_1937 = arith.constant 20 : i32
    %get3A_1938 = arith.index_cast %get3A_1937 : i32 to index
    %get3A_1939 = arith.constant 80 : index
    %get3A_1940 = tpu.vector_load %arg17[%get3A_1938, %get3A_1939] {strides = array<i32>} : memref<32x128xf32, #tpu.memory_space<vmem>>, vector<1x16xf32>,
    %get3A_1941 = vector.shape_cast %get3A_1940 : vector<1x16xf32> to vector<16xf32>
    %add3A_1942 = arith.addf %add3A_1936, %get3A_1941 : vector<16xf32>
    %get3A_1943 = arith.constant 21 : i32
    %get3A_1944 = arith.index_cast %get3A_1943 : i32 to index
    %get3A_1945 = arith.constant 80 : index
    %get3A_1946 = tpu.vector_load %arg17[%get3A_1944, %get3A_1945] {strides = array<i32>} : memref<32x128xf32, #tpu.memory_space<vmem>>, vector<1x16xf32>,
    %get3A_1947 = vector.shape_cast %get3A_1946 : vector<1x16xf32> to vector<16xf32>
    %add3A_1948 = arith.addf %add3A_1942, %get3A_1947 : vector<16xf32>
    %get3A_1949 = arith.constant 22 : i32
    %get3A_1950 = arith.index_cast %get3A_1949 : i32 to index
    %get3A_1951 = arith.constant 80 : index
    %get3A_1952 = tpu.vector_load %arg17[%get3A_1950, %get3A_1951] {strides = array<i32>} : memref<32x128xf32, #tpu.memory_space<vmem>>, vector<1x16xf32>,
    %get3A_1953 = vector.shape_cast %get3A_1952 : vector<1x16xf32> to vector<16xf32>
    %add3A_1954 = arith.addf %add3A_1948, %get3A_1953 : vector<16xf32>
    %get3A_1955 = arith.constant 23 : i32
    %get3A_1956 = arith.index_cast %get3A_1955 : i32 to index
    %get3A_1957 = arith.constant 80 : index
    %get3A_1958 = tpu.vector_load %arg17[%get3A_1956, %get3A_1957] {strides = array<i32>} : memref<32x128xf32, #tpu.memory_space<vmem>>, vector<1x16xf32>,
    %get3A_1959 = vector.shape_cast %get3A_1958 : vector<1x16xf32> to vector<16xf32>
    %add3A_1960 = arith.addf %add3A_1954, %get3A_1959 : vector<16xf32>
    %get3A_1961 = arith.constant 24 : i32
    %get3A_1962 = arith.index_cast %get3A_1961 : i32 to index
    %get3A_1963 = arith.constant 80 : index
    %get3A_1964 = tpu.vector_load %arg17[%get3A_1962, %get3A_1963] {strides = array<i32>} : memref<32x128xf32, #tpu.memory_space<vmem>>, vector<1x16xf32>,
    %get3A_1965 = vector.shape_cast %get3A_1964 : vector<1x16xf32> to vector<16xf32>
    %add3A_1966 = arith.addf %add3A_1960, %get3A_1965 : vector<16xf32>
    %get3A_1967 = arith.constant 25 : i32
    %get3A_1968 = arith.index_cast %get3A_1967 : i32 to index
    %get3A_1969 = arith.constant 80 : index
    %get3A_1970 = tpu.vector_load %arg17[%get3A_1968, %get3A_1969] {strides = array<i32>} : memref<32x128xf32, #tpu.memory_space<vmem>>, vector<1x16xf32>,
    %get3A_1971 = vector.shape_cast %get3A_1970 : vector<1x16xf32> to vector<16xf32>
    %add3A_1972 = arith.addf %add3A_1966, %get3A_1971 : vector<16xf32>
    %get3A_1973 = arith.constant 26 : i32
    %get3A_1974 = arith.index_cast %get3A_1973 : i32 to index
    %get3A_1975 = arith.constant 80 : index
    %get3A_1976 = tpu.vector_load %arg17[%get3A_1974, %get3A_1975] {strides = array<i32>} : memref<32x128xf32, #tpu.memory_space<vmem>>, vector<1x16xf32>,
    %get3A_1977 = vector.shape_cast %get3A_1976 : vector<1x16xf32> to vector<16xf32>
    %add3A_1978 = arith.addf %add3A_1972, %get3A_1977 : vector<16xf32>
    %get3A_1979 = arith.constant 27 : i32
    %get3A_1980 = arith.index_cast %get3A_1979 : i32 to index
    %get3A_1981 = arith.constant 80 : index
    %get3A_1982 = tpu.vector_load %arg17[%get3A_1980, %get3A_1981] {strides = array<i32>} : memref<32x128xf32, #tpu.memory_space<vmem>>, vector<1x16xf32>,
    %get3A_1983 = vector.shape_cast %get3A_1982 : vector<1x16xf32> to vector<16xf32>
    %add3A_1984 = arith.addf %add3A_1978, %get3A_1983 : vector<16xf32>
    %get3A_1985 = arith.constant 28 : i32
    %get3A_1986 = arith.index_cast %get3A_1985 : i32 to index
    %get3A_1987 = arith.constant 80 : index
    %get3A_1988 = tpu.vector_load %arg17[%get3A_1986, %get3A_1987] {strides = array<i32>} : memref<32x128xf32, #tpu.memory_space<vmem>>, vector<1x16xf32>,
    %get3A_1989 = vector.shape_cast %get3A_1988 : vector<1x16xf32> to vector<16xf32>
    %add3A_1990 = arith.addf %add3A_1984, %get3A_1989 : vector<16xf32>
    %get3A_1991 = arith.constant 29 : i32
    %get3A_1992 = arith.index_cast %get3A_1991 : i32 to index
    %get3A_1993 = arith.constant 80 : index
    %get3A_1994 = tpu.vector_load %arg17[%get3A_1992, %get3A_1993] {strides = array<i32>} : memref<32x128xf32, #tpu.memory_space<vmem>>, vector<1x16xf32>,
    %get3A_1995 = vector.shape_cast %get3A_1994 : vector<1x16xf32> to vector<16xf32>
    %add3A_1996 = arith.addf %add3A_1990, %get3A_1995 : vector<16xf32>
    %get3A_1997 = arith.constant 30 : i32
    %get3A_1998 = arith.index_cast %get3A_1997 : i32 to index
    %get3A_1999 = arith.constant 80 : index
    %get3A_2000 = tpu.vector_load %arg17[%get3A_1998, %get3A_1999] {strides = array<i32>} : memref<32x128xf32, #tpu.memory_space<vmem>>, vector<1x16xf32>,
    %get3A_2001 = vector.shape_cast %get3A_2000 : vector<1x16xf32> to vector<16xf32>
    %add3A_2002 = arith.addf %add3A_1996, %get3A_2001 : vector<16xf32>
    %get3A_2003 = arith.constant 31 : i32
    %get3A_2004 = arith.index_cast %get3A_2003 : i32 to index
    %get3A_2005 = arith.constant 80 : index
    %get3A_2006 = tpu.vector_load %arg17[%get3A_2004, %get3A_2005] {strides = array<i32>} : memref<32x128xf32, #tpu.memory_space<vmem>>, vector<1x16xf32>,
    %get3A_2007 = vector.shape_cast %get3A_2006 : vector<1x16xf32> to vector<16xf32>
    %add3A_2008 = arith.addf %add3A_2002, %get3A_2007 : vector<16xf32>
    %get3A_2009 = arith.constant 80 : index
    %get3A_2010 = tpu.vector_load %arg21[%get3A_2009] {strides = array<i32>} : memref<128xf32, #tpu.memory_space<vmem>>, vector<16xf32>,
    %get3A_2011 = vector.shape_cast %get3A_2010 : vector<16xf32> to vector<16xf32>
    %mul3A_2012 = arith.mulf %mul3A_69, %add3A_2008 : vector<16xf32>
    %add3A_2013 = arith.addf %get3A_2011, %mul3A_2012 : vector<16xf32>
    %swap3A_2014 = arith.constant 80 : index
    %swap3A_2015 = tpu.vector_load %arg21[%swap3A_2014] {strides = array<i32>} : memref<128xf32, #tpu.memory_space<vmem>>, vector<16xf32>,
    %swap3A_2016 = vector.shape_cast %swap3A_2015 : vector<16xf32> to vector<16xf32>
    %swap3A_2017 = vector.shape_cast %add3A_2013 : vector<16xf32> to vector<16xf32>
    tpu.vector_store %arg21[%swap3A_2014], %swap3A_2017 {strides = array<i32>} : memref<128xf32, #tpu.memory_space<vmem>>, vector<16xf32>,
    %get3A_2018 = arith.constant 16 : i32
    %get3A_2019 = arith.index_cast %get3A_2018 : i32 to index
    %get3A_2020 = arith.constant 96 : index
    %get3A_2021 = tpu.vector_load %arg17[%get3A_2019, %get3A_2020] {strides = array<i32>} : memref<32x128xf32, #tpu.memory_space<vmem>>, vector<1x16xf32>,
    %get3A_2022 = vector.shape_cast %get3A_2021 : vector<1x16xf32> to vector<16xf32>
    %get3A_2023 = arith.constant 17 : i32
    %get3A_2024 = arith.index_cast %get3A_2023 : i32 to index
    %get3A_2025 = arith.constant 96 : index
    %get3A_2026 = tpu.vector_load %arg17[%get3A_2024, %get3A_2025] {strides = array<i32>} : memref<32x128xf32, #tpu.memory_space<vmem>>, vector<1x16xf32>,
    %get3A_2027 = vector.shape_cast %get3A_2026 : vector<1x16xf32> to vector<16xf32>
    %add3A_2028 = arith.addf %get3A_2022, %get3A_2027 : vector<16xf32>
    %get3A_2029 = arith.constant 18 : i32
    %get3A_2030 = arith.index_cast %get3A_2029 : i32 to index
    %get3A_2031 = arith.constant 96 : index
    %get3A_2032 = tpu.vector_load %arg17[%get3A_2030, %get3A_2031] {strides = array<i32>} : memref<32x128xf32, #tpu.memory_space<vmem>>, vector<1x16xf32>,
    %get3A_2033 = vector.shape_cast %get3A_2032 : vector<1x16xf32> to vector<16xf32>
    %add3A_2034 = arith.addf %add3A_2028, %get3A_2033 : vector<16xf32>
    %get3A_2035 = arith.constant 19 : i32
    %get3A_2036 = arith.index_cast %get3A_2035 : i32 to index
    %get3A_2037 = arith.constant 96 : index
    %get3A_2038 = tpu.vector_load %arg17[%get3A_2036, %get3A_2037] {strides = array<i32>} : memref<32x128xf32, #tpu.memory_space<vmem>>, vector<1x16xf32>,
    %get3A_2039 = vector.shape_cast %get3A_2038 : vector<1x16xf32> to vector<16xf32>
    %add3A_2040 = arith.addf %add3A_2034, %get3A_2039 : vector<16xf32>
    %get3A_2041 = arith.constant 20 : i32
    %get3A_2042 = arith.index_cast %get3A_2041 : i32 to index
    %get3A_2043 = arith.constant 96 : index
    %get3A_2044 = tpu.vector_load %arg17[%get3A_2042, %get3A_2043] {strides = array<i32>} : memref<32x128xf32, #tpu.memory_space<vmem>>, vector<1x16xf32>,
    %get3A_2045 = vector.shape_cast %get3A_2044 : vector<1x16xf32> to vector<16xf32>
    %add3A_2046 = arith.addf %add3A_2040, %get3A_2045 : vector<16xf32>
    %get3A_2047 = arith.constant 21 : i32
    %get3A_2048 = arith.index_cast %get3A_2047 : i32 to index
    %get3A_2049 = arith.constant 96 : index
    %get3A_2050 = tpu.vector_load %arg17[%get3A_2048, %get3A_2049] {strides = array<i32>} : memref<32x128xf32, #tpu.memory_space<vmem>>, vector<1x16xf32>,
    %get3A_2051 = vector.shape_cast %get3A_2050 : vector<1x16xf32> to vector<16xf32>
    %add3A_2052 = arith.addf %add3A_2046, %get3A_2051 : vector<16xf32>
    %get3A_2053 = arith.constant 22 : i32
    %get3A_2054 = arith.index_cast %get3A_2053 : i32 to index
    %get3A_2055 = arith.constant 96 : index
    %get3A_2056 = tpu.vector_load %arg17[%get3A_2054, %get3A_2055] {strides = array<i32>} : memref<32x128xf32, #tpu.memory_space<vmem>>, vector<1x16xf32>,
    %get3A_2057 = vector.shape_cast %get3A_2056 : vector<1x16xf32> to vector<16xf32>
    %add3A_2058 = arith.addf %add3A_2052, %get3A_2057 : vector<16xf32>
    %get3A_2059 = arith.constant 23 : i32
    %get3A_2060 = arith.index_cast %get3A_2059 : i32 to index
    %get3A_2061 = arith.constant 96 : index
    %get3A_2062 = tpu.vector_load %arg17[%get3A_2060, %get3A_2061] {strides = array<i32>} : memref<32x128xf32, #tpu.memory_space<vmem>>, vector<1x16xf32>,
    %get3A_2063 = vector.shape_cast %get3A_2062 : vector<1x16xf32> to vector<16xf32>
    %add3A_2064 = arith.addf %add3A_2058, %get3A_2063 : vector<16xf32>
    %get3A_2065 = arith.constant 24 : i32
    %get3A_2066 = arith.index_cast %get3A_2065 : i32 to index
    %get3A_2067 = arith.constant 96 : index
    %get3A_2068 = tpu.vector_load %arg17[%get3A_2066, %get3A_2067] {strides = array<i32>} : memref<32x128xf32, #tpu.memory_space<vmem>>, vector<1x16xf32>,
    %get3A_2069 = vector.shape_cast %get3A_2068 : vector<1x16xf32> to vector<16xf32>
    %add3A_2070 = arith.addf %add3A_2064, %get3A_2069 : vector<16xf32>
    %get3A_2071 = arith.constant 25 : i32
    %get3A_2072 = arith.index_cast %get3A_2071 : i32 to index
    %get3A_2073 = arith.constant 96 : index
    %get3A_2074 = tpu.vector_load %arg17[%get3A_2072, %get3A_2073] {strides = array<i32>} : memref<32x128xf32, #tpu.memory_space<vmem>>, vector<1x16xf32>,
    %get3A_2075 = vector.shape_cast %get3A_2074 : vector<1x16xf32> to vector<16xf32>
    %add3A_2076 = arith.addf %add3A_2070, %get3A_2075 : vector<16xf32>
    %get3A_2077 = arith.constant 26 : i32
    %get3A_2078 = arith.index_cast %get3A_2077 : i32 to index
    %get3A_2079 = arith.constant 96 : index
    %get3A_2080 = tpu.vector_load %arg17[%get3A_2078, %get3A_2079] {strides = array<i32>} : memref<32x128xf32, #tpu.memory_space<vmem>>, vector<1x16xf32>,
    %get3A_2081 = vector.shape_cast %get3A_2080 : vector<1x16xf32> to vector<16xf32>
    %add3A_2082 = arith.addf %add3A_2076, %get3A_2081 : vector<16xf32>
    %get3A_2083 = arith.constant 27 : i32
    %get3A_2084 = arith.index_cast %get3A_2083 : i32 to index
    %get3A_2085 = arith.constant 96 : index
    %get3A_2086 = tpu.vector_load %arg17[%get3A_2084, %get3A_2085] {strides = array<i32>} : memref<32x128xf32, #tpu.memory_space<vmem>>, vector<1x16xf32>,
    %get3A_2087 = vector.shape_cast %get3A_2086 : vector<1x16xf32> to vector<16xf32>
    %add3A_2088 = arith.addf %add3A_2082, %get3A_2087 : vector<16xf32>
    %get3A_2089 = arith.constant 28 : i32
    %get3A_2090 = arith.index_cast %get3A_2089 : i32 to index
    %get3A_2091 = arith.constant 96 : index
    %get3A_2092 = tpu.vector_load %arg17[%get3A_2090, %get3A_2091] {strides = array<i32>} : memref<32x128xf32, #tpu.memory_space<vmem>>, vector<1x16xf32>,
    %get3A_2093 = vector.shape_cast %get3A_2092 : vector<1x16xf32> to vector<16xf32>
    %add3A_2094 = arith.addf %add3A_2088, %get3A_2093 : vector<16xf32>
    %get3A_2095 = arith.constant 29 : i32
    %get3A_2096 = arith.index_cast %get3A_2095 : i32 to index
    %get3A_2097 = arith.constant 96 : index
    %get3A_2098 = tpu.vector_load %arg17[%get3A_2096, %get3A_2097] {strides = array<i32>} : memref<32x128xf32, #tpu.memory_space<vmem>>, vector<1x16xf32>,
    %get3A_2099 = vector.shape_cast %get3A_2098 : vector<1x16xf32> to vector<16xf32>
    %add3A_2100 = arith.addf %add3A_2094, %get3A_2099 : vector<16xf32>
    %get3A_2101 = arith.constant 30 : i32
    %get3A_2102 = arith.index_cast %get3A_2101 : i32 to index
    %get3A_2103 = arith.constant 96 : index
    %get3A_2104 = tpu.vector_load %arg17[%get3A_2102, %get3A_2103] {strides = array<i32>} : memref<32x128xf32, #tpu.memory_space<vmem>>, vector<1x16xf32>,
    %get3A_2105 = vector.shape_cast %get3A_2104 : vector<1x16xf32> to vector<16xf32>
    %add3A_2106 = arith.addf %add3A_2100, %get3A_2105 : vector<16xf32>
    %get3A_2107 = arith.constant 31 : i32
    %get3A_2108 = arith.index_cast %get3A_2107 : i32 to index
    %get3A_2109 = arith.constant 96 : index
    %get3A_2110 = tpu.vector_load %arg17[%get3A_2108, %get3A_2109] {strides = array<i32>} : memref<32x128xf32, #tpu.memory_space<vmem>>, vector<1x16xf32>,
    %get3A_2111 = vector.shape_cast %get3A_2110 : vector<1x16xf32> to vector<16xf32>
    %add3A_2112 = arith.addf %add3A_2106, %get3A_2111 : vector<16xf32>
    %get3A_2113 = arith.constant 96 : index
    %get3A_2114 = tpu.vector_load %arg21[%get3A_2113] {strides = array<i32>} : memref<128xf32, #tpu.memory_space<vmem>>, vector<16xf32>,
    %get3A_2115 = vector.shape_cast %get3A_2114 : vector<16xf32> to vector<16xf32>
    %mul3A_2116 = arith.mulf %mul3A_69, %add3A_2112 : vector<16xf32>
    %add3A_2117 = arith.addf %get3A_2115, %mul3A_2116 : vector<16xf32>
    %swap3A_2118 = arith.constant 96 : index
    %swap3A_2119 = tpu.vector_load %arg21[%swap3A_2118] {strides = array<i32>} : memref<128xf32, #tpu.memory_space<vmem>>, vector<16xf32>,
    %swap3A_2120 = vector.shape_cast %swap3A_2119 : vector<16xf32> to vector<16xf32>
    %swap3A_2121 = vector.shape_cast %add3A_2117 : vector<16xf32> to vector<16xf32>
    tpu.vector_store %arg21[%swap3A_2118], %swap3A_2121 {strides = array<i32>} : memref<128xf32, #tpu.memory_space<vmem>>, vector<16xf32>,
    %get3A_2122 = arith.constant 16 : i32
    %get3A_2123 = arith.index_cast %get3A_2122 : i32 to index
    %get3A_2124 = arith.constant 112 : index
    %get3A_2125 = tpu.vector_load %arg17[%get3A_2123, %get3A_2124] {strides = array<i32>} : memref<32x128xf32, #tpu.memory_space<vmem>>, vector<1x16xf32>,
    %get3A_2126 = vector.shape_cast %get3A_2125 : vector<1x16xf32> to vector<16xf32>
    %get3A_2127 = arith.constant 17 : i32
    %get3A_2128 = arith.index_cast %get3A_2127 : i32 to index
    %get3A_2129 = arith.constant 112 : index
    %get3A_2130 = tpu.vector_load %arg17[%get3A_2128, %get3A_2129] {strides = array<i32>} : memref<32x128xf32, #tpu.memory_space<vmem>>, vector<1x16xf32>,
    %get3A_2131 = vector.shape_cast %get3A_2130 : vector<1x16xf32> to vector<16xf32>
    %add3A_2132 = arith.addf %get3A_2126, %get3A_2131 : vector<16xf32>
    %get3A_2133 = arith.constant 18 : i32
    %get3A_2134 = arith.index_cast %get3A_2133 : i32 to index
    %get3A_2135 = arith.constant 112 : index
    %get3A_2136 = tpu.vector_load %arg17[%get3A_2134, %get3A_2135] {strides = array<i32>} : memref<32x128xf32, #tpu.memory_space<vmem>>, vector<1x16xf32>,
    %get3A_2137 = vector.shape_cast %get3A_2136 : vector<1x16xf32> to vector<16xf32>
    %add3A_2138 = arith.addf %add3A_2132, %get3A_2137 : vector<16xf32>
    %get3A_2139 = arith.constant 19 : i32
    %get3A_2140 = arith.index_cast %get3A_2139 : i32 to index
    %get3A_2141 = arith.constant 112 : index
    %get3A_2142 = tpu.vector_load %arg17[%get3A_2140, %get3A_2141] {strides = array<i32>} : memref<32x128xf32, #tpu.memory_space<vmem>>, vector<1x16xf32>,
    %get3A_2143 = vector.shape_cast %get3A_2142 : vector<1x16xf32> to vector<16xf32>
    %add3A_2144 = arith.addf %add3A_2138, %get3A_2143 : vector<16xf32>
    %get3A_2145 = arith.constant 20 : i32
    %get3A_2146 = arith.index_cast %get3A_2145 : i32 to index
    %get3A_2147 = arith.constant 112 : index
    %get3A_2148 = tpu.vector_load %arg17[%get3A_2146, %get3A_2147] {strides = array<i32>} : memref<32x128xf32, #tpu.memory_space<vmem>>, vector<1x16xf32>,
    %get3A_2149 = vector.shape_cast %get3A_2148 : vector<1x16xf32> to vector<16xf32>
    %add3A_2150 = arith.addf %add3A_2144, %get3A_2149 : vector<16xf32>
    %get3A_2151 = arith.constant 21 : i32
    %get3A_2152 = arith.index_cast %get3A_2151 : i32 to index
    %get3A_2153 = arith.constant 112 : index
    %get3A_2154 = tpu.vector_load %arg17[%get3A_2152, %get3A_2153] {strides = array<i32>} : memref<32x128xf32, #tpu.memory_space<vmem>>, vector<1x16xf32>,
    %get3A_2155 = vector.shape_cast %get3A_2154 : vector<1x16xf32> to vector<16xf32>
    %add3A_2156 = arith.addf %add3A_2150, %get3A_2155 : vector<16xf32>
    %get3A_2157 = arith.constant 22 : i32
    %get3A_2158 = arith.index_cast %get3A_2157 : i32 to index
    %get3A_2159 = arith.constant 112 : index
    %get3A_2160 = tpu.vector_load %arg17[%get3A_2158, %get3A_2159] {strides = array<i32>} : memref<32x128xf32, #tpu.memory_space<vmem>>, vector<1x16xf32>,
    %get3A_2161 = vector.shape_cast %get3A_2160 : vector<1x16xf32> to vector<16xf32>
    %add3A_2162 = arith.addf %add3A_2156, %get3A_2161 : vector<16xf32>
    %get3A_2163 = arith.constant 23 : i32
    %get3A_2164 = arith.index_cast %get3A_2163 : i32 to index
    %get3A_2165 = arith.constant 112 : index
    %get3A_2166 = tpu.vector_load %arg17[%get3A_2164, %get3A_2165] {strides = array<i32>} : memref<32x128xf32, #tpu.memory_space<vmem>>, vector<1x16xf32>,
    %get3A_2167 = vector.shape_cast %get3A_2166 : vector<1x16xf32> to vector<16xf32>
    %add3A_2168 = arith.addf %add3A_2162, %get3A_2167 : vector<16xf32>
    %get3A_2169 = arith.constant 24 : i32
    %get3A_2170 = arith.index_cast %get3A_2169 : i32 to index
    %get3A_2171 = arith.constant 112 : index
    %get3A_2172 = tpu.vector_load %arg17[%get3A_2170, %get3A_2171] {strides = array<i32>} : memref<32x128xf32, #tpu.memory_space<vmem>>, vector<1x16xf32>,
    %get3A_2173 = vector.shape_cast %get3A_2172 : vector<1x16xf32> to vector<16xf32>
    %add3A_2174 = arith.addf %add3A_2168, %get3A_2173 : vector<16xf32>
    %get3A_2175 = arith.constant 25 : i32
    %get3A_2176 = arith.index_cast %get3A_2175 : i32 to index
    %get3A_2177 = arith.constant 112 : index
    %get3A_2178 = tpu.vector_load %arg17[%get3A_2176, %get3A_2177] {strides = array<i32>} : memref<32x128xf32, #tpu.memory_space<vmem>>, vector<1x16xf32>,
    %get3A_2179 = vector.shape_cast %get3A_2178 : vector<1x16xf32> to vector<16xf32>
    %add3A_2180 = arith.addf %add3A_2174, %get3A_2179 : vector<16xf32>
    %get3A_2181 = arith.constant 26 : i32
    %get3A_2182 = arith.index_cast %get3A_2181 : i32 to index
    %get3A_2183 = arith.constant 112 : index
    %get3A_2184 = tpu.vector_load %arg17[%get3A_2182, %get3A_2183] {strides = array<i32>} : memref<32x128xf32, #tpu.memory_space<vmem>>, vector<1x16xf32>,
    %get3A_2185 = vector.shape_cast %get3A_2184 : vector<1x16xf32> to vector<16xf32>
    %add3A_2186 = arith.addf %add3A_2180, %get3A_2185 : vector<16xf32>
    %get3A_2187 = arith.constant 27 : i32
    %get3A_2188 = arith.index_cast %get3A_2187 : i32 to index
    %get3A_2189 = arith.constant 112 : index
    %get3A_2190 = tpu.vector_load %arg17[%get3A_2188, %get3A_2189] {strides = array<i32>} : memref<32x128xf32, #tpu.memory_space<vmem>>, vector<1x16xf32>,
    %get3A_2191 = vector.shape_cast %get3A_2190 : vector<1x16xf32> to vector<16xf32>
    %add3A_2192 = arith.addf %add3A_2186, %get3A_2191 : vector<16xf32>
    %get3A_2193 = arith.constant 28 : i32
    %get3A_2194 = arith.index_cast %get3A_2193 : i32 to index
    %get3A_2195 = arith.constant 112 : index
    %get3A_2196 = tpu.vector_load %arg17[%get3A_2194, %get3A_2195] {strides = array<i32>} : memref<32x128xf32, #tpu.memory_space<vmem>>, vector<1x16xf32>,
    %get3A_2197 = vector.shape_cast %get3A_2196 : vector<1x16xf32> to vector<16xf32>
    %add3A_2198 = arith.addf %add3A_2192, %get3A_2197 : vector<16xf32>
    %get3A_2199 = arith.constant 29 : i32
    %get3A_2200 = arith.index_cast %get3A_2199 : i32 to index
    %get3A_2201 = arith.constant 112 : index
    %get3A_2202 = tpu.vector_load %arg17[%get3A_2200, %get3A_2201] {strides = array<i32>} : memref<32x128xf32, #tpu.memory_space<vmem>>, vector<1x16xf32>,
    %get3A_2203 = vector.shape_cast %get3A_2202 : vector<1x16xf32> to vector<16xf32>
    %add3A_2204 = arith.addf %add3A_2198, %get3A_2203 : vector<16xf32>
    %get3A_2205 = arith.constant 30 : i32
    %get3A_2206 = arith.index_cast %get3A_2205 : i32 to index
    %get3A_2207 = arith.constant 112 : index
    %get3A_2208 = tpu.vector_load %arg17[%get3A_2206, %get3A_2207] {strides = array<i32>} : memref<32x128xf32, #tpu.memory_space<vmem>>, vector<1x16xf32>,
    %get3A_2209 = vector.shape_cast %get3A_2208 : vector<1x16xf32> to vector<16xf32>
    %add3A_2210 = arith.addf %add3A_2204, %get3A_2209 : vector<16xf32>
    %get3A_2211 = arith.constant 31 : i32
    %get3A_2212 = arith.index_cast %get3A_2211 : i32 to index
    %get3A_2213 = arith.constant 112 : index
    %get3A_2214 = tpu.vector_load %arg17[%get3A_2212, %get3A_2213] {strides = array<i32>} : memref<32x128xf32, #tpu.memory_space<vmem>>, vector<1x16xf32>,
    %get3A_2215 = vector.shape_cast %get3A_2214 : vector<1x16xf32> to vector<16xf32>
    %add3A_2216 = arith.addf %add3A_2210, %get3A_2215 : vector<16xf32>
    %get3A_2217 = arith.constant 112 : index
    %get3A_2218 = tpu.vector_load %arg21[%get3A_2217] {strides = array<i32>} : memref<128xf32, #tpu.memory_space<vmem>>, vector<16xf32>,
    %get3A_2219 = vector.shape_cast %get3A_2218 : vector<16xf32> to vector<16xf32>
    %mul3A_2220 = arith.mulf %mul3A_69, %add3A_2216 : vector<16xf32>
    %add3A_2221 = arith.addf %get3A_2219, %mul3A_2220 : vector<16xf32>
    %swap3A_2222 = arith.constant 112 : index
    %swap3A_2223 = tpu.vector_load %arg21[%swap3A_2222] {strides = array<i32>} : memref<128xf32, #tpu.memory_space<vmem>>, vector<16xf32>,
    %swap3A_2224 = vector.shape_cast %swap3A_2223 : vector<16xf32> to vector<16xf32>
    %swap3A_2225 = vector.shape_cast %add3A_2221 : vector<16xf32> to vector<16xf32>
    tpu.vector_store %arg21[%swap3A_2222], %swap3A_2225 {strides = array<i32>} : memref<128xf32, #tpu.memory_space<vmem>>, vector<16xf32>,
    "tpu.region"() ({
      %run_scoped3A = tpu.sem_alloc : memref<!tpu.dma_semaphore, #tpu.memory_space<semaphore_mem>>
      tpu.enqueue_dma source(%arg21 : memref<128xf32, #tpu.memory_space<vmem>>) target(%arg11 : memref<128xf32, #tpu.memory_space<hbm>>) target_semaphore(%run_scoped3A : memref<!tpu.dma_semaphore, #tpu.memory_space<semaphore_mem>>)
      tpu.wait_dma2 semaphore(%run_scoped3A : memref<!tpu.dma_semaphore, #tpu.memory_space<semaphore_mem>>) src(%arg21 : memref<128xf32, #tpu.memory_space<vmem>>) dst(%arg11 : memref<128xf32, #tpu.memory_space<hbm>>)
      tpu.yield
    }) : () -> ()
    return
  }
}

</mosaic_0001>

<sc_bundles>
// kernel: kernel.3.cloned.1.call-start
scs
__scs_entry_jumppad:
0x0: {  	(pc) =	sbr.rel $0x88, $3  }
0x1: {  	(tag) =	ssettag $0x0;
	lr =	simm.s32 $0x1  }
0x2: {  	[smem:$0x3F98] =	sst lr;
	_ =	strace $0xD0000000  }
0x3: {  	_ = 	snop  }
0x4: {  	_ = 	snop  }
0x5: {  	_ = 	snop  }
0x6: {  	_ = 	snop  }
0x7: {  	_ = 	snop  }
__scs_overlays_trampoline_lowered:
0x8: {  	[smem:$0x3FA7] =	sst s0  }
0x9: {  	[smem:$0x3FA8] =	sst s1  }
0xa: {  	[smem:$0x3FA9] =	sst s2  }
0xb: {  	[smem:$0x3FAA] =	sst s3  }
0xc: {  	[smem:$0x3FAB] =	sst s4  }
0xd: {  	[smem:$0x3FAC] =	sst s5  }
0xe: {  	[smem:$0x3FAD] =	sst s6  }
0xf: {  	[smem:$0x3FAE] =	sst s7  }
0x10: {  	[smem:$0x3FAF] =	sst s8  }
0x11: {  	[smem:$0x3FB0] =	sst s9;
	s0 =	simm.s32 @!p0 $0x0  }
0x12: {  	s1 =	sld [smem:$0x3F96];
	s0 =	simm.s32 @p0 $0x1  }
0x13: {  	[smem:$0x3FB1] =	sst s0;
	s0 =	simm.s32 @!p1 $0x0  }
0x14: {  	s2 =	sld [smem:$0x3F95];
	s0 =	simm.s32 @p1 $0x1  }
0x15: {  	[smem:$0x3FB2] =	sst s0;
	s0 =	simm.s32 @!p2 $0x0  }
0x16: {  	s3 =	sld [smem:$0x3FDB];
	s0 =	simm.s32 @p2 $0x1  }
0x17: {  	s4 =	simm.s32 $0x1BF5;
	[smem:$0x3FB4] =	sst s0  }
0x18: {  	s0 =	sld [smem:$0x3F97];
	_ =	swait.ge [sflag:s4], $0x0  }
0x19: {  	s7 =	sld [smem:$0x3F98]  }
0x1a: {  	s8 =	sadd.s32 $0xFFFFE003, lr  }
0x1b: {  	s9 =	sadd.s32 $0xFFFFFEF7, lr;
	s5 =	simm.s32 $0xFFFFFFFF;
	p2 =	slt.u32 s8, $0xFFFFF086  }
0x1c: {  	p1 =	slt.u32 s9, $0xF7A;
	s5 =	simm.s32 @!p2 $0x0  }
0x1d: {  	s5 =	simm.s32 @p1 $0x1;
	p0 =	seq.s32 s7, s2  }
0x1e: {  	s7 =	smul.u32 @!p0 $0xF7A, s2;
	p2 =	seq.s32 @!p0 s5, $0x0  }
0x1f: {  	s9 =	smul.u32 $0xF7A, s1;
	s8 =	simm.s32 @!p0 $0x1BF5;
	p2 =	por !p2, p0  }
0x20: {  	[sflag:s8] =	ssyncset.s32 @!p0 $0xFFFFF086;
	s6 =	sadd.s32 @!p0 s3, s7;
	s7 =	simm.s32 @!p0 $0x108  }
0x21: {  	s3 =	sadd.s32 s3, s9;
	s6 =	sadd.s32 @!p0 $0x88, s6;
	s7 =	simm.s32 @p2 $0x1082  }
0x22: {  	[simem:s7], [sflag:s8] =	dma.local @!p0 [hbm:s6], $0xF7A  }
0x23: {  	s9 =	sor.u32 $0xD0000000, s2;
	s6 =	simm.s32 $0x108;
	_ =	swait.ge @!p0 [sflag:s8], $0x0  }
0x24: {  	s3 =	sadd.s32 $0x88, s3;
	s6 =	simm.s32 @!p1 $0x1082;
	[sflag:s4] =	ssyncset.s32 $0xFFFFF086  }
0x25: {  	[simem:s6], [sflag:s4] =	dma.local [hbm:s3], $0xF7A  }
0x26: {  	[smem:$0x3F98] =	sst s1;
	(tag) =	ssettag s2;
	_ =	strace s9  }
0x27: {  	s1 =	sld [smem:$0x3FA8]  }
0x28: {  	s2 =	sld [smem:$0x3FA9]  }
0x29: {  	s4 =	sld [smem:$0x3FAB]  }
0x2a: {  	p0 =	seq.s32 s5, $0x0;
	s5 =	sld [smem:$0x3FAC]  }
0x2b: {  	s6 =	sld [smem:$0x3FAD]  }
0x2c: {  	s7 =	sld [smem:$0x3FAE]  }
0x2d: {  	s3 =	simm.s32 $0x108;
	s8 =	sld [smem:$0x3FAF]  }
0x2e: {  	s3 =	simm.s32 @!p0 $0x1082;
	s9 =	sld [smem:$0x3FB0]  }
0x2f: {  	lr =	sadd.s32 s0, s3;
	s0 =	sld [smem:$0x3FA7]  }
0x30: {  	s3 =	sld [smem:$0x3FAA]  }
0x31: {  	[smem:$0x3FB3] =	sst s10  }
0x32: {  	s10 =	sld [smem:$0x3FB1];
	_ =	sdelay $0x3  }
0x33: {  	p0 =	seq.s32 s10, $0x1;
	s10 =	sld [smem:$0x3FB3];
	_ =	sdelay $0x3  }
0x34: {  	[smem:$0x3FB3] =	sst s10  }
0x35: {  	s10 =	sld [smem:$0x3FB2];
	_ =	sdelay $0x3  }
0x36: {  	p1 =	seq.s32 s10, $0x1;
	s10 =	sld [smem:$0x3FB3];
	_ =	sdelay $0x3  }
0x37: {  	[smem:$0x3FB3] =	sst s10  }
0x38: {  	s10 =	sld [smem:$0x3FB4]  }
0x39: {  	_ = 	snop;
	(pc) =	sbr.ind lr, $3  }
0x3a: {  	_ = 	snop  }
0x3b: {  	_ = 	snop  }
0x3c: {  	p2 =	seq.s32 s10, $0x1;
	s10 =	sld [smem:$0x3FB3]  }
0x3d: {  	_ =	shalt  }
0x3e: {  	_ =	shalt  }
0x3f: {  	_ =	shalt  }
0x40: {  	_ =	shalt  }
0x41: {  	_ =	shalt  }
0x42: {  	_ =	shalt  }
0x43: {  	_ =	shalt  }
0x44: {  	_ =	shalt  }
0x45: {  	_ =	shalt  }
0x46: {  	_ =	shalt  }
0x47: {  	_ =	shalt  }
0x48: {  	_ =	shalt  }
0x49: {  	_ =	shalt  }
0x4a: {  	_ =	shalt  }
0x4b: {  	_ =	shalt  }
0x4c: {  	_ =	shalt  }
0x4d: {  	_ =	shalt  }
0x4e: {  	_ =	shalt  }
0x4f: {  	_ =	shalt  }
0x50: {  	_ =	shalt  }
0x51: {  	_ =	shalt  }
0x52: {  	_ =	shalt  }
0x53: {  	_ =	shalt  }
0x54: {  	_ =	shalt  }
0x55: {  	_ =	shalt  }
0x56: {  	_ =	shalt  }
0x57: {  	_ =	shalt  }
0x58: {  	_ =	shalt  }
0x59: {  	_ =	shalt  }
0x5a: {  	_ =	shalt  }
0x5b: {  	_ =	shalt  }
0x5c: {  	_ =	shalt  }
0x5d: {  	_ =	shalt  }
0x5e: {  	_ =	shalt  }
0x5f: {  	_ =	shalt  }
0x60: {  	_ =	shalt  }
0x61: {  	_ =	shalt  }
0x62: {  	_ =	shalt  }
0x63: {  	_ =	shalt  }
0x64: {  	_ =	shalt  }
0x65: {  	_ =	shalt  }
0x66: {  	_ =	shalt  }
0x67: {  	_ =	shalt  }
0x68: {  	_ =	shalt  }
0x69: {  	_ =	shalt  }
0x6a: {  	_ =	shalt  }
0x6b: {  	_ =	shalt  }
0x6c: {  	_ =	shalt  }
0x6d: {  	_ =	shalt  }
0x6e: {  	_ =	shalt  }
0x6f: {  	_ =	shalt  }
0x70: {  	_ =	shalt  }
0x71: {  	_ =	shalt  }
0x72: {  	_ =	shalt  }
0x73: {  	_ =	shalt  }
0x74: {  	_ =	shalt  }
0x75: {  	_ =	shalt  }
0x76: {  	_ =	shalt  }
0x77: {  	_ =	shalt  }
0x78: {  	_ =	shalt  }
0x79: {  	_ =	shalt  }
0x7a: {  	_ =	shalt  }
0x7b: {  	_ =	shalt  }
0x7c: {  	_ =	shalt  }
0x7d: {  	_ =	shalt  }
0x7e: {  	_ =	shalt  }
0x7f: {  	_ =	shalt  }
0x80: {  	_ =	shalt  }
0x81: {  	_ =	shalt  }
0x82: {  	_ =	shalt  }
0x83: {  	_ =	shalt  }
0x84: {  	_ =	shalt  }
0x85: {  	_ =	shalt  }
0x86: {  	_ =	shalt  }
0x87: {  	_ =	shalt  }
.Lfunc_end0:
.L_simem_size_0:
called_computation_lowered:
.L_overlay_start_0:
0x88: {  	s0 =	sld [smem:$0x3FD9]  }
0x89: {  	s1 =	sld [smem:$0x3FFE];
	_ =	sdelay $0x3  }
0x8a: {  	s0 =	sadd.s32 s1, s0  }
0x8b: {  	[smem:$0x3FBF] =	sst s0  }
0x8c: {  	_ = 	snop  }
0x8d: {  	s0 =	sld [smem:$0x3FC9]  }
0x8e: {  	s17 =	sld [smem:$0x3FC8]  }
0x8f: {  	s2 =	sld [smem:$0x3FC7]  }
0x90: {  	s3 =	sld [smem:$0x3FC6]  }
0x91: {  	s4 =	sld [smem:$0x3FC5]  }
0x92: {  	s5 =	sld [smem:$0x3FC4]  }
0x93: {  	s6 =	sld [smem:$0x3FC3]  }
0x94: {  	s7 =	sld [smem:$0x3FC2]  }
0x95: {  	s8 =	sld [smem:$0x3FC1]  }
0x96: {  	s9 =	sld [smem:$0x3FD0];
	(tm) =	ssettm $0x1  }
0x97: {  	s10 =	sld [smem:$0x3FFB];
	_ =	sdelay $0x3  }
0x98: {  	_ =	strace s10  }
0x99: {  	s10 =	sld [smem:$0x3FFC];
	_ =	sdelay $0x3  }
0x9a: {  	_ =	strace s10  }
0x9b: {  	s10 =	sld [smem:$0x3FFD];
	_ =	sdelay $0x3  }
0x9c: {  	_ =	strace s10  }
0x9d: {  	_ =	strace $0x8FFFFFFF  }
0x9e: {  	s18 =	sld [smem:$0x3FDB];
	_ =	sdelay $0x1  }
0x9f: {  	s11 =	simm.s32 $_scs_section_size  }
0xa0: {  	s12 =	simm.s32 $_size__tile_overlayer_lowered;
	s13 =	simm.s32 $_tile_overlayer_lowered  }
0xa1: {  	s21 =	simm.s32 $0x1BFF;
	s20 =	sshll.u32 s13, $0x1;
	s10 =	sadd.s32 s11, s18  }
0xa2: {  	s14 =	simm.s32 $0x0;
	s19 =	sshll.u32 s12, $0x1;
	s12 =	sadd.s32 s20, s10  }
0xa3: {  	[timem:s14], [sflag:s21] =	dma.local [hbm:s12], s19  }
0xa4: {  	_ =	swait.ge [sflag:s21], s19  }
0xa5: {  	s11 =	ssub.s32 $0x0, s19;
	[sflag:s21] =	ssyncset.done $0x0  }
0xa6: {  	[sflag:s21] =	ssyncadd.s32 s11;
	_ =	sdelay $0x1  }
0xa7: {  	s22 =	simm.s32 $0x1B8B  }
0xa8: {  	_ =	swait.ge [sflag:s22], $0x1  }
0xa9: {  	[sflag:s22] =	ssyncset.done $0x0  }
0xaa: {  	s23 =	simm.s32 $0x1B8E;
	[sflag:s22] =	ssyncadd.s32 $0xFFFFFFFF  }
0xab: {  	s24 =	simm.s32 $execute0_lowered;
	[smem:$0x3FD2] =	sst s23  }
0xac: {  	s11 =	sshll.u32 s24, $0x1;
	_ =	strace $0x80000046;
	[dreg:$0x1] =	wrdreg $0xFFFFFFFF  }
0xad: {  	s25 =	simm.s32 $_size_execute0_lowered;
	s10 =	sadd.s32 s10, s11;
	[dreg:$0x0] =	wrdreg $0x0  }
0xae: {  	s11 =	sshll.u32 s25, $0x1;
	[dreg:$0x2] =	wrdreg s10  }
0xaf: {  	[dreg:$0x3] =	wrdreg s11  }
0xb0: {  	[dreg:$0x4] =	wrdreg $0xC0  }
0xb1: {  	_ =	task [dreg:s14], $0x5FFFF  }
0xb2: {  	[dreg:$0x1] =	wrdreg $0xFFFFFFFF  }
0xb3: {  	[dreg:$0x0] =	wrdreg $0x60  }
0xb4: {  	[dreg:$0x2] =	wrdreg s17  }
0xb5: {  	[dreg:$0x3] =	wrdreg s2  }
0xb6: {  	[dreg:$0x4] =	wrdreg s0  }
0xb7: {  	[dreg:$0x5] =	wrdreg s6  }
0xb8: {  	[dreg:$0x6] =	wrdreg s7  }
0xb9: {  	[dreg:$0x7] =	wrdreg s8  }
0xba: {  	[dreg:$0x8] =	wrdreg s3  }
0xbb: {  	[dreg:$0x9] =	wrdreg s4  }
0xbc: {  	[dreg:$0xa] =	wrdreg s5  }
0xbd: {  	[dreg:$0xb] =	wrdreg s9  }
0xbe: {  	[dreg:$0xc] =	wrdreg $0x9  }
0xbf: {  	_ =	task.clear_ibuf [dreg:s14], $0xDFFFF;
	_ =	strace $0x90000046  }
0xc0: {  	s26 =	simm.s32 $0x9;
	_ =	strace $0x80000048  }
0xc1: {  	_ =	swait.ge [sflag:s26], $0x1  }
0xc2: {  	[sflag:s26] =	ssyncadd.s32 $0xFFFFFFFF  }
0xc3: {  	_ =	strace $0x90000048  }
0xc4: {  	_ =	sfence  }
0xc5: {  	s28 =	sld [smem:$0x0];
	_ =	sdelay $0x1  }
0xc6: {  	s29 =	srdreg.scid  }
0xc7: {  	s30 =	sshll.u32 s29, $0xD;
	s31 =	sshrl.u32 s29, $0x2  }
0xc8: {  	s1 =	sand.u32 $0x1, s29;
	s2 =	sand.u32 $0x4000, s30;
	s0 =	sadd.s32 s31, s28  }
0xc9: {  	s1 =	sor.u32 s2, s1;
	s0 =	sshll.u32 s0, $0x11  }
0xca: {  	s0 =	sor.u32 s0, s1  }
0xcb: {  	s0 =	sadd.s32 $0x8F2B, s0  }
0xcc: {  	[sflag:s0] =	ssyncadd.remote.s32 $0x1  }
0xcd: {  	_ =	sfence.sel $0xFFFF  }
0xce: {  	[dreg:$0x0] =	wrdreg $0xFFFFFFFF;
	(pc) =	sbr.abs _section_cstart, $3  }
0xcf: {  	[dreg:$0x1] =	wrdreg $0xFFFFFFFF  }
0xd0: {  	_ =	task.clear_ibuf [dreg:s14], $0x2FFFF;
	_ =	strace $0x9FFFFFFF  }
0xd1: {  	(tm) =	ssettm $0x7FFFFFFF  }
tec
execute0_lowered:
.L_overlay_start_1:
0x0: {  	(tag) =	ssettag $0x1  }
0x1: {  	s5 =	rddreg [dreg:$0x0]  }
0x2: {  	s4 =	rddreg [dreg:$0x1]  }
0x3: {  	s3 =	rddreg [dreg:$0x2]  }
0x4: {  	s11 =	rddreg [dreg:$0x3]  }
0x5: {  	s10 =	rddreg [dreg:$0x4];
	s2 =	stileid.u32  }
0x6: {  	s9 =	rddreg [dreg:$0x5];
	p0 =	sne.s32 s2, $0x0  }
.Ltmp0:
0x7: {  	s8 =	rddreg [dreg:$0x6];
	(pc) =	sbr.rel @p0 .LBB2_2-.Ltmp0, $4  }
0x8: {  	s7 =	rddreg [dreg:$0x7]  }
0x9: {  	s6 =	rddreg [dreg:$0x8]  }
0xa: {  	s1 =	rddreg [dreg:$0x9]  }
0xb: {  	s0 =	rddreg [dreg:$0xa];
	_ =	strace $0x80000047  }
0xc: {  	s2 =	simm.s32 $0x0  }
0xd: {  	[tilespmem:s2], [sflag:$0x1] =	stream.linear.gather [hbm4b:s11+s2], $0x80, $0x38;
	[tilespmem:$0x1800] =	vst v63  }
0xe: {  	s12 =	simm.s32 $0x80  }
0xf: {  	[tilespmem:s12], [sflag:$0x1] =	stream.linear.gather [hbm4b:s10+s2], $0x80, $0x38;
	[tilespmem:$0x1800] =	vst v63  }
0x10: {  	s13 =	simm.s32 $0x100  }
0x11: {  	[tilespmem:s13], [sflag:$0x1] =	stream.linear.gather [hbm4b:s9+s2], $0x80, $0x38;
	[tilespmem:$0x1800] =	vst v63  }
0x12: {  	s14 =	simm.s32 $0x1600  }
0x13: {  	[tilespmem:s14], [sflag:$0x2] =	stream.linear.gather [hbm4b:s8+s2], $0x1, $0x38;
	[tilespmem:$0x1800] =	vst v63  }
0x14: {  	s15 =	simm.s32 $0x1680  }
0x15: {  	[tilespmem:s15], [sflag:$0x2] =	stream.linear.gather [hbm4b:s7+s2], $0x1, $0x38;
	[tilespmem:$0x1800] =	vst v63  }
0x16: {  	s16 =	simm.s32 $0x1700;
	s17 =	simm.s32 $0x1  }
0x17: {  	[tilespmem:s16], [sflag:$0x2] =	stream.linear.gather [hbm4b:s6+s2], $0x1, $0x38;
	[tilespmem:$0x1800] =	vst v63  }
0x18: {  	_ =	swait.ge [sflag:s17], $0x80  }
0x19: {  	[sflag:s17] =	ssyncset.done $0x0  }
0x1a: {  	[sflag:s17] =	ssyncadd.s32 $0xFFFFFF80  }
0x1b: {  	_ =	swait.ge [sflag:s17], $0x80  }
0x1c: {  	[sflag:s17] =	ssyncset.done $0x0  }
0x1d: {  	[sflag:s17] =	ssyncadd.s32 $0xFFFFFF80  }
0x1e: {  	_ =	swait.ge [sflag:s17], $0x80  }
0x1f: {  	[sflag:s17] =	ssyncset.done $0x0  }
0x20: {  	s18 =	simm.s32 $0x8;
	s19 =	simm.s32 $0x180;
	[sflag:s17] =	ssyncadd.s32 $0xFFFFFF80  }
0x21: {  	[tilespmem:s19], [sflag:$0x3] =	stream.indirect.gather [hbm4b:s5+s18], $0x80, s2, s18, $0xb8;
	[tilespmem:$0x1800] =	vst v63  }
0x22: {  	s20 =	simm.s32 $0x580  }
0x23: {  	[tilespmem:s20], [sflag:$0x3] =	stream.indirect.gather [hbm4b:s4+s17], $0x80, s12, s17, $0xb8;
	[tilespmem:$0x1800] =	vst v63  }
0x24: {  	s21 =	simm.s32 $0x10;
	s22 =	simm.s32 $0x600  }
0x25: {  	[tilespmem:s22], [sflag:$0x4] =	stream.indirect.gather [hbm4b:s3+s21], $0x80, s13, s21, $0xb8;
	[tilespmem:$0x1800] =	vst v63  }
0x26: {  	s23 =	simm.s32 $0x110;
	s24 =	simm.s32 $0xE00;
	s25 =	simm.s32 $0x2  }
0x27: {  	[tilespmem:s24], [sflag:$0x5] =	stream.indirect.gather [hbm4b:s3+s21], $0x80, s23, s21, $0xb8;
	[tilespmem:$0x1800] =	vst v63  }
0x28: {  	_ =	swait.ge [sflag:s25], $0x1  }
0x29: {  	[sflag:s25] =	ssyncset.done $0x0  }
0x2a: {  	[sflag:s25] =	ssyncadd.s32 $0xFFFFFFFF  }
0x2b: {  	_ =	swait.ge [sflag:s25], $0x1  }
0x2c: {  	[sflag:s25] =	ssyncset.done $0x0  }
0x2d: {  	[sflag:s25] =	ssyncadd.s32 $0xFFFFFFFF  }
0x2e: {  	_ =	swait.ge [sflag:s25], $0x1  }
0x2f: {  	[sflag:s25] =	ssyncset.done $0x0  }
0x30: {  	[sflag:s25] =	ssyncadd.s32 $0xFFFFFFFF  }
0x31: {  	v0 =	vld [tilespmem:$0x1700];
	_ =	sdelay $0x4  }
0x32: {  	s26 =	simm.s32 $0x3;
	v1 =	vld [tilespmem:$0x1600];
	[tilespmem:$0x1FE90] =	vst v0  }
0x33: {  	v2 =	vld [tilespmem:$0x1680];
	_ =	swait.ge [sflag:s26], $0x400  }
0x34: {  	[sflag:s26] =	ssyncset.done $0x0  }
0x35: {  	[sflag:s26] =	ssyncadd.s32 $0xFFFFFC00  }
0x36: {  	_ =	swait.ge [sflag:s26], $0x80  }
0x37: {  	[sflag:s26] =	ssyncset.done $0x0  }
0x38: {  	[sflag:s26] =	ssyncadd.s32 $0xFFFFFF80  }
0x39: {  	v3 =	vld [tilespmem:$0x180]  }
0x3a: {  	v4 =	vld [tilespmem:$0x200]  }
0x3b: {  	v5 =	vld [tilespmem:$0x280]  }
0x3c: {  	v6 =	vld [tilespmem:$0x300]  }
0x3d: {  	v7 =	vld [tilespmem:$0x380]  }
0x3e: {  	v8 =	vld [tilespmem:$0x400]  }
0x3f: {  	v9 =	vld [tilespmem:$0x480]  }
0x40: {  	v10 =	vld [tilespmem:$0x500]  }
0x41: {  	v11 =	vld [tilespmem:$0x580]  }
0x42: {  	v12 =	vld [tilespmem:$0x190]  }
0x43: {  	v13 =	vld [tilespmem:$0x210]  }
0x44: {  	v14 =	vld [tilespmem:$0x290]  }
0x45: {  	v15 =	vld [tilespmem:$0x310]  }
0x46: {  	v16 =	vld [tilespmem:$0x390]  }
0x47: {  	v17 =	vld [tilespmem:$0x410]  }
0x48: {  	v18 =	vld [tilespmem:$0x490]  }
0x49: {  	v19 =	vld [tilespmem:$0x510]  }
0x4a: {  	v20 =	vld [tilespmem:$0x590]  }
0x4b: {  	v21 =	vld [tilespmem:$0x1A0]  }
0x4c: {  	v22 =	vld [tilespmem:$0x220]  }
0x4d: {  	v23 =	vld [tilespmem:$0x2A0]  }
0x4e: {  	v24 =	vld [tilespmem:$0x320]  }
0x4f: {  	v25 =	vld [tilespmem:$0x3A0]  }
0x50: {  	v26 =	vld [tilespmem:$0x420]  }
0x51: {  	v27 =	vld [tilespmem:$0x4A0]  }
0x52: {  	v28 =	vld [tilespmem:$0x520]  }
0x53: {  	v29 =	vld [tilespmem:$0x5A0]  }
0x54: {  	v30 =	vld [tilespmem:$0x1B0]  }
0x55: {  	v31 =	vld [tilespmem:$0x230]  }
0x56: {  	v32 =	vld [tilespmem:$0x2B0]  }
0x57: {  	v33 =	vld [tilespmem:$0x330]  }
0x58: {  	v34 =	vld [tilespmem:$0x3B0]  }
0x59: {  	v35 =	vld [tilespmem:$0x430]  }
0x5a: {  	v36 =	vld [tilespmem:$0x4B0]  }
0x5b: {  	v37 =	vld [tilespmem:$0x530]  }
0x5c: {  	v38 =	vld [tilespmem:$0x5B0]  }
0x5d: {  	v39 =	vld [tilespmem:$0x1C0]  }
0x5e: {  	v40 =	vld [tilespmem:$0x240]  }
0x5f: {  	v41 =	vld [tilespmem:$0x2C0]  }
0x60: {  	v42 =	vld [tilespmem:$0x340]  }
0x61: {  	v43 =	vld [tilespmem:$0x3C0]  }
0x62: {  	v48 =	vld [tilespmem:$0x1E0]  }
0x63: {  	v50 =	vld [tilespmem:$0x260];
	v3 =	vadd.f32 v4, v3;
	v12 =	vadd.f32 v13, v12  }
0x64: {  	v53 =	vld [tilespmem:$0x1F0];
	v63 =	vadd.f32 v22, v21;
	v30 =	vadd.f32 v31, v30  }
0x65: {  	v57 =	vld [tilespmem:$0x270];
	v62 =	vadd.f32 v40, v39;
	v3 =	vadd.f32 v5, v3  }
0x66: {  	v61 =	vld [tilespmem:$0x2E0];
	v12 =	vadd.f32 v14, v12;
	v5 =	vadd.f32 v23, v63  }
0x67: {  	v14 =	vadd.f32 v32, v30;
	v3 =	vadd.f32 v6, v3;
	v6 =	vld [tilespmem:$0x1D0]  }
0x68: {  	v12 =	vadd.f32 v15, v12;
	v15 =	vld [tilespmem:$0x250];
	v5 =	vadd.f32 v24, v5  }
0x69: {  	v4 =	vld [tilespmem:$0x440];
	v14 =	vadd.f32 v33, v14;
	v3 =	vadd.f32 v7, v3  }
0x6a: {  	v13 =	vld [tilespmem:$0x4C0];
	v12 =	vadd.f32 v16, v12;
	v5 =	vadd.f32 v25, v5  }
0x6b: {  	v23 =	vld [tilespmem:$0x2D0];
	v34 =	vadd.f32 v34, v14;
	v3 =	vadd.f32 v8, v3  }
0x6c: {  	v39 =	vld [tilespmem:$0x470];
	v33 =	vadd.f32 v17, v12;
	v5 =	vadd.f32 v26, v5  }
0x6d: {  	v31 =	vimm.s32 $0x0;
	v40 =	vld [tilespmem:$0x4E0];
	v45 =	vadd.f32 v35, v34;
	v6 =	vadd.f32 v15, v6  }
0x6e: {  	v1 =	vperm.xlane v1, v31;
	v63 =	vld [tilespmem:$0x2F0];
	v3 =	vadd.f32 v9, v3;
	v44 =	vadd.f32 v18, v33  }
0x6f: {  	v32 =	vimm.s32 $0x0;
	v16 =	vld [tilespmem:$0x350];
	v47 =	vadd.f32 v27, v5;
	v8 =	vadd.f32 v36, v45  }
0x70: {  	v24 =	vld [tilespmem:$0x3D0];
	v18 =	vperm.xlane v2, v32;
	v36 =	vadd.f32 v57, v53;
	v6 =	vadd.f32 v23, v6  }
0x71: {  	v25 =	vmul.f32 $1.250000000e-01, v1;
	v34 =	vld [tilespmem:$0x370];
	v46 =	vadd.f32 v10, v3;
	v1 =	vadd.f32 v19, v44  }
0x72: {  	v14 =	vld [tilespmem:$0x450];
	v49 =	vmul.f32 v11, v18;
	v3 =	vadd.f32 v28, v47;
	v51 =	vmul.f32 v20, v18  }
0x73: {  	v17 =	vld [tilespmem:$0x4D0];
	v52 =	vadd.f32 v37, v8;
	v56 =	vmul.f32 v29, v18;
	v10 =	vadd.f32 v50, v48  }
0x74: {  	v12 =	vld [tilespmem:$0x550];
	v60 =	vmul.f32 v38, v18;
	v23 =	vadd.f32 v63, v36;
	v6 =	vadd.f32 v16, v6  }
0x75: {  	v37 =	vld [tilespmem:$0x3F0];
	v2 =	vmul.f32 v46, v25;
	v55 =	vmul.f32 v3, v25;
	v3 =	vadd.f32 v41, v62  }
0x76: {  	v33 =	vld [tilespmem:$0x360];
	v1 =	vmul.f32 v1, v25;
	v10 =	vadd.f32 v61, v10;
	v11 =	vadd.f32 v34, v23  }
0x77: {  	v35 =	vld [tilespmem:$0x3E0];
	v59 =	vmul.f32 v52, v25;
	v6 =	vadd.f32 v24, v6;
	v54 =	vadd.f32 v49, v2  }
0x78: {  	v5 =	vld [tilespmem:$0x5D0];
	v58 =	vadd.f32 v51, v1;
	v2 =	vadd.f32 v56, v55  }
0x79: {  	v32 =	vadd.f32 v60, v59;
	v3 =	vadd.f32 v42, v3;
	v42 =	vld [tilespmem:$0x4F0]  }
0x7a: {  	v38 =	vld [tilespmem:$0x460];
	v6 =	vadd.f32 v14, v6;
	v11 =	vadd.f32 v37, v11  }
0x7b: {  	v44 =	vld [tilespmem:$0x570];
	v10 =	vadd.f32 v33, v10;
	v3 =	vadd.f32 v43, v3  }
0x7c: {  	v46 =	vld [tilespmem:$0x5F0];
	[tilespmem:$0x1FEC0] =	vst v54;
	v6 =	vadd.f32 v17, v6;
	v11 =	vadd.f32 v39, v11  }
0x7d: {  	v21 =	vld [tilespmem:$0x540];
	[tilespmem:$0x1FED0] =	vst v58;
	v41 =	vadd.f32 v35, v10;
	v3 =	vadd.f32 v4, v3  }
0x7e: {  	v22 =	vld [tilespmem:$0x5C0];
	[tilespmem:$0x1FEE0] =	vst v2;
	v6 =	vadd.f32 v12, v6;
	v10 =	vadd.f32 v42, v11  }
0x7f: {  	v5 =	vmul.f32 v5, v18;
	[tilespmem:$0x1FEF0] =	vst v32;
	v43 =	vld [tilespmem:$0x560];
	v4 =	vadd.f32 v38, v41  }
0x80: {  	[tilespmem:$0x1780] =	vst v54;
	v3 =	vadd.f32 v13, v3;
	v6 =	vmul.f32 v6, v25;
	v10 =	vadd.f32 v44, v10  }
0x81: {  	v45 =	vld [tilespmem:$0x5E0];
	[tilespmem:$0x1790] =	vst v58;
	v53 =	vmul.f32 v46, v18;
	v4 =	vadd.f32 v40, v4  }
0x82: {  	[tilespmem:$0x17A0] =	vst v2;
	v3 =	vadd.f32 v21, v3;
	v51 =	vadd.f32 v5, v6;
	v52 =	vmul.f32 v10, v25  }
0x83: {  	v47 =	vmul.f32 v22, v18;
	[tilespmem:$0x17B0] =	vst v32  }
0x84: {  	v4 =	vadd.f32 v43, v4;
	v3 =	vmul.f32 v3, v25;
	[tilespmem:$0x1FF10] =	vst v51;
	v55 =	vadd.f32 v53, v52  }
0x85: {  	[tilespmem:$0x17D0] =	vst v51  }
0x86: {  	v50 =	vmul.f32 v45, v18;
	v49 =	vmul.f32 v4, v25;
	v48 =	vadd.f32 v47, v3;
	[tilespmem:$0x1FF30] =	vst v55  }
0x87: {  	[tilespmem:$0x17F0] =	vst v55  }
0x88: {  	v54 =	vadd.f32 v50, v49;
	[tilespmem:$0x1FF00] =	vst v48  }
0x89: {  	[tilespmem:$0x17C0] =	vst v48  }
0x8a: {  	[tilespmem:$0x1FF20] =	vst v54  }
0x8b: {  	s28 =	simm.s32 $0x4;
	[tilespmem:$0x17E0] =	vst v54  }
0x8c: {  	_ =	swait.ge [sflag:s28], $0x800  }
0x8d: {  	[sflag:s28] =	ssyncset.done $0x0  }
0x8e: {  	[sflag:s28] =	ssyncadd.s32 $0xFFFFF800  }
0x8f: {  	v10 =	vld [tilespmem:$0x600]  }
0x90: {  	v11 =	vld [tilespmem:$0x680]  }
0x91: {  	v12 =	vld [tilespmem:$0x700]  }
0x92: {  	v13 =	vld [tilespmem:$0x780]  }
0x93: {  	v14 =	vld [tilespmem:$0x800]  }
0x94: {  	v19 =	vld [tilespmem:$0x880]  }
0x95: {  	v20 =	vld [tilespmem:$0x900]  }
0x96: {  	v21 =	vld [tilespmem:$0x980]  }
0x97: {  	v22 =	vld [tilespmem:$0xA00]  }
0x98: {  	v23 =	vld [tilespmem:$0xA80]  }
0x99: {  	v24 =	vld [tilespmem:$0xB00]  }
0x9a: {  	v27 =	vld [tilespmem:$0xB80]  }
0x9b: {  	v28 =	vld [tilespmem:$0xC00]  }
0x9c: {  	v56 =	vld [tilespmem:$0xC80]  }
0x9d: {  	v57 =	vld [tilespmem:$0xD00]  }
0x9e: {  	v58 =	vld [tilespmem:$0xD80]  }
0x9f: {  	v15 =	vld [tilespmem:$0x610]  }
0xa0: {  	v17 =	vld [tilespmem:$0x690]  }
0xa1: {  	v18 =	vld [tilespmem:$0x710]  }
0xa2: {  	v29 =	vld [tilespmem:$0x790]  }
0xa3: {  	v30 =	vld [tilespmem:$0x810]  }
0xa4: {  	v31 =	vld [tilespmem:$0x890]  }
0xa5: {  	v32 =	vld [tilespmem:$0x910]  }
0xa6: {  	v33 =	vld [tilespmem:$0x990]  }
0xa7: {  	v34 =	vld [tilespmem:$0xA10]  }
0xa8: {  	v35 =	vld [tilespmem:$0xA90]  }
0xa9: {  	v36 =	vld [tilespmem:$0xB10]  }
0xaa: {  	v37 =	vld [tilespmem:$0xB90]  }
0xab: {  	v38 =	vld [tilespmem:$0xC10]  }
0xac: {  	v39 =	vld [tilespmem:$0xC90]  }
0xad: {  	v40 =	vld [tilespmem:$0xD10]  }
0xae: {  	v41 =	vld [tilespmem:$0xD90]  }
0xaf: {  	v42 =	vld [tilespmem:$0x620]  }
0xb0: {  	v43 =	vld [tilespmem:$0x6A0]  }
0xb1: {  	v44 =	vld [tilespmem:$0x720]  }
0xb2: {  	v45 =	vld [tilespmem:$0x7A0]  }
0xb3: {  	v46 =	vld [tilespmem:$0x820]  }
0xb4: {  	v47 =	vld [tilespmem:$0x8A0]  }
0xb5: {  	v48 =	vld [tilespmem:$0x920]  }
0xb6: {  	v49 =	vld [tilespmem:$0x9A0]  }
0xb7: {  	v50 =	vld [tilespmem:$0xA20]  }
0xb8: {  	v51 =	vld [tilespmem:$0xAA0]  }
0xb9: {  	v52 =	vld [tilespmem:$0xB20]  }
0xba: {  	v53 =	vld [tilespmem:$0xBA0]  }
0xbb: {  	v54 =	vld [tilespmem:$0xC20]  }
0xbc: {  	v55 =	vld [tilespmem:$0xCA0]  }
0xbd: {  	v59 =	vld [tilespmem:$0x6B0]  }
0xbe: {  	v60 =	vld [tilespmem:$0x730]  }
0xbf: {  	v61 =	vld [tilespmem:$0x7B0]  }
0xc0: {  	v62 =	vld [tilespmem:$0x830]  }
0xc1: {  	v63 =	vld [tilespmem:$0x8B0]  }
0xc2: {  	v0 =	vld [tilespmem:$0x930]  }
0xc3: {  	v1 =	vld [tilespmem:$0x9B0]  }
0xc4: {  	v2 =	vld [tilespmem:$0xA30]  }
0xc5: {  	v3 =	vld [tilespmem:$0xAB0]  }
0xc6: {  	v4 =	vld [tilespmem:$0xB30]  }
0xc7: {  	v5 =	vld [tilespmem:$0xBB0]  }
0xc8: {  	v6 =	vld [tilespmem:$0xC30]  }
0xc9: {  	v7 =	vld [tilespmem:$0xCB0]  }
0xca: {  	v8 =	vld [tilespmem:$0xD30]  }
0xcb: {  	v25 =	vld [tilespmem:$0xDB0]  }
0xcc: {  	v16 =	vld [tilespmem:$0x640]  }
0xcd: {  	v9 =	vld [tilespmem:$0x6C0]  }
0xce: {  	v26 =	vld [tilespmem:$0x740]  }
0xcf: {  	[tilespmem:$0x1FE80] =	vst v56;
	v56 =	vld [tilespmem:$0xD20]  }
0xd0: {  	[tilespmem:$0x1FEA0] =	vst v57;
	v57 =	vld [tilespmem:$0xDA0]  }
0xd1: {  	[tilespmem:$0x1FEB0] =	vst v58;
	v58 =	vld [tilespmem:$0x630]  }
0xd2: {  	v10 =	vadd.f32 v11, v10;
	v11 =	vld [tilespmem:$0x7C0]  }
0xd3: {  	v15 =	vadd.f32 v17, v15;
	v17 =	vld [tilespmem:$0x840]  }
0xd4: {  	v9 =	vadd.f32 v9, v16;
	v10 =	vadd.f32 v12, v10;
	v12 =	vld [tilespmem:$0x8C0]  }
0xd5: {  	v15 =	vadd.f32 v18, v15;
	v18 =	vld [tilespmem:$0x940]  }
0xd6: {  	v9 =	vadd.f32 v26, v9;
	v26 =	vld [tilespmem:$0xB70]  }
0xd7: {  	v13 =	vadd.f32 v13, v10;
	v10 =	vld [tilespmem:$0x9C0]  }
0xd8: {  	v29 =	vadd.f32 v29, v15;
	v15 =	vld [tilespmem:$0xA40]  }
0xd9: {  	v13 =	vadd.f32 v14, v13;
	v14 =	vadd.f32 v43, v42;
	v43 =	vld [tilespmem:$0xAC0]  }
0xda: {  	v59 =	vadd.f32 v59, v58;
	v42 =	vld [tilespmem:$0xB40]  }
0xdb: {  	v29 =	vadd.f32 v30, v29;
	v30 =	vld [tilespmem:$0xCC0]  }
0xdc: {  	v60 =	vadd.f32 v60, v59;
	v59 =	vld [tilespmem:$0x1FEA0]  }
0xdd: {  	v44 =	vadd.f32 v44, v14;
	v14 =	vld [tilespmem:$0xBC0]  }
0xde: {  	v19 =	vadd.f32 v19, v13;
	v13 =	vld [tilespmem:$0xC40]  }
0xdf: {  	v29 =	vadd.f32 v31, v29;
	v31 =	vadd.f32 v61, v60;
	v60 =	vld [tilespmem:$0x1FEB0]  }
0xe0: {  	v61 =	vld [tilespmem:$0x660]  }
0xe1: {  	v19 =	vadd.f32 v20, v19;
	v20 =	vld [tilespmem:$0xD40]  }
0xe2: {  	v29 =	vadd.f32 v32, v29;
	v32 =	vld [tilespmem:$0x6D0]  }
0xe3: {  	v44 =	vadd.f32 v45, v44;
	v45 =	vld [tilespmem:$0x6F0]  }
0xe4: {  	v31 =	vadd.f32 v62, v31;
	v62 =	vld [tilespmem:$0x6E0]  }
0xe5: {  	v9 =	vadd.f32 v11, v9;
	v19 =	vadd.f32 v21, v19;
	v21 =	vld [tilespmem:$0xDC0]  }
0xe6: {  	v29 =	vadd.f32 v33, v29;
	v33 =	vld [tilespmem:$0x650]  }
0xe7: {  	v9 =	vadd.f32 v17, v9;
	v46 =	vadd.f32 v46, v44;
	v44 =	vld [tilespmem:$0x1FEC0]  }
0xe8: {  	v31 =	vadd.f32 v63, v31;
	v63 =	vld [tilespmem:$0x670]  }
0xe9: {  	v9 =	vadd.f32 v12, v9;
	v29 =	vadd.f32 v34, v29;
	v34 =	vld [tilespmem:$0x750]  }
0xea: {  	v19 =	vadd.f32 v22, v19;
	v47 =	vadd.f32 v47, v46;
	v46 =	vld [tilespmem:$0x1FED0]  }
0xeb: {  	v9 =	vadd.f32 v18, v9;
	v0 =	vadd.f32 v0, v31;
	v31 =	vld [tilespmem:$0x850]  }
0xec: {  	v19 =	vadd.f32 v23, v19;
	v23 =	vld [tilespmem:$0x7D0]  }
0xed: {  	v9 =	vadd.f32 v10, v9;
	v29 =	vadd.f32 v35, v29;
	v35 =	vld [tilespmem:$0xBD0]  }
0xee: {  	v22 =	vadd.f32 v48, v47;
	v47 =	vld [tilespmem:$0x760];
	v0 =	vadd.f32 v1, v0  }
0xef: {  	v48 =	vld [tilespmem:$0x770]  }
0xf0: {  	v9 =	vadd.f32 v15, v9;
	v1 =	vld [tilespmem:$0x950];
	v0 =	vadd.f32 v2, v0  }
0xf1: {  	v19 =	vadd.f32 v24, v19;
	v22 =	vadd.f32 v49, v22;
	v24 =	vld [tilespmem:$0x8D0]  }
0xf2: {  	v49 =	vadd.f32 v32, v33;
	v32 =	vld [tilespmem:$0xCE0];
	v0 =	vadd.f32 v3, v0  }
0xf3: {  	v9 =	vadd.f32 v43, v9;
	v33 =	vld [tilespmem:$0xCF0];
	v22 =	vadd.f32 v50, v22  }
0xf4: {  	v29 =	vadd.f32 v36, v29;
	v2 =	vld [tilespmem:$0xA50];
	v0 =	vadd.f32 v4, v0  }
0xf5: {  	v19 =	vadd.f32 v27, v19;
	v27 =	vld [tilespmem:$0x9D0];
	v22 =	vadd.f32 v51, v22  }
0xf6: {  	v29 =	vadd.f32 v37, v29;
	v37 =	vld [tilespmem:$0xCD0];
	v5 =	vadd.f32 v5, v0  }
0xf7: {  	v9 =	vadd.f32 v42, v9;
	v51 =	vld [tilespmem:$0x1FE80];
	v22 =	vadd.f32 v52, v22  }
0xf8: {  	v50 =	vld [tilespmem:$0x7E0];
	v29 =	vadd.f32 v38, v29;
	v5 =	vadd.f32 v6, v5  }
0xf9: {  	v19 =	vadd.f32 v28, v19;
	v52 =	vld [tilespmem:$0x1FE90];
	v22 =	vadd.f32 v53, v22  }
0xfa: {  	v3 =	vld [tilespmem:$0xB50];
	v29 =	vadd.f32 v39, v29;
	v5 =	vadd.f32 v7, v5  }
0xfb: {  	v28 =	vld [tilespmem:$0xAD0];
	v53 =	vadd.f32 v45, v63;
	v22 =	vadd.f32 v54, v22  }
0xfc: {  	v38 =	vld [tilespmem:$0xD50];
	v19 =	vadd.f32 v51, v19;
	v5 =	vadd.f32 v8, v5  }
0xfd: {  	v58 =	vimm.s32 $0x0;
	v6 =	vadd.f32 v62, v61;
	v51 =	vld [tilespmem:$0x7F0];
	v22 =	vadd.f32 v55, v22  }
0xfe: {  	v36 =	vperm.xlane v52, v58;
	v52 =	vld [tilespmem:$0x860];
	v5 =	vadd.f32 v25, v5;
	v25 =	vadd.f32 v34, v49  }
0xff: {  	v54 =	vld [tilespmem:$0x870];
	v16 =	vadd.f32 v48, v53;
	v6 =	vadd.f32 v47, v6  }
0x100: {  	v22 =	vadd.f32 v56, v22;
	v56 =	vld [tilespmem:$0x8E0];
	v55 =	vadd.f32 v23, v25  }
0x101: {  	v19 =	vadd.f32 v59, v19;
	v58 =	vld [tilespmem:$0x960];
	v6 =	vadd.f32 v50, v6  }
0x102: {  	v22 =	vadd.f32 v57, v22;
	v57 =	vld [tilespmem:$0x8F0];
	v11 =	vadd.f32 v31, v55  }
0x103: {  	v59 =	vld [tilespmem:$0x970];
	v16 =	vadd.f32 v51, v16;
	v6 =	vadd.f32 v52, v6  }
0x104: {  	v19 =	vadd.f32 v60, v19;
	v60 =	vld [tilespmem:$0x9E0];
	v11 =	vadd.f32 v24, v11  }
0x105: {  	v61 =	vld [tilespmem:$0x9F0];
	v8 =	vadd.f32 v54, v16;
	v6 =	vadd.f32 v56, v6  }
0x106: {  	v29 =	vadd.f32 v40, v29;
	v62 =	vld [tilespmem:$0xA60];
	v0 =	vmul.f32 $3.125000000e-02, v36;
	v1 =	vadd.f32 v1, v11  }
0x107: {  	v63 =	vld [tilespmem:$0xA70];
	v8 =	vadd.f32 v57, v8;
	v6 =	vadd.f32 v58, v6  }
0x108: {  	v29 =	vadd.f32 v41, v29;
	v19 =	vmul.f32 v19, v0;
	v23 =	vld [tilespmem:$0xAE0];
	v1 =	vadd.f32 v27, v1  }
0x109: {  	v25 =	vld [tilespmem:$0xB60];
	v8 =	vadd.f32 v59, v8;
	v6 =	vadd.f32 v60, v6  }
0x10a: {  	v29 =	vmul.f32 v29, v0;
	v7 =	vadd.f32 v19, v44;
	v24 =	vld [tilespmem:$0xAF0];
	v1 =	vadd.f32 v2, v1  }
0x10b: {  	v4 =	vld [tilespmem:$0xC50];
	v8 =	vadd.f32 v61, v8;
	v6 =	vadd.f32 v62, v6  }
0x10c: {  	v19 =	vadd.f32 v29, v46;
	v27 =	vld [tilespmem:$0xBE0];
	v1 =	vadd.f32 v28, v1  }
0x10d: {  	v29 =	vld [tilespmem:$0xC60];
	v8 =	vadd.f32 v63, v8;
	v6 =	vadd.f32 v23, v6  }
0x10e: {  	v9 =	vadd.f32 v14, v9;
	v28 =	vld [tilespmem:$0xBF0];
	v1 =	vadd.f32 v3, v1  }
0x10f: {  	v36 =	vld [tilespmem:$0xDD0];
	v8 =	vadd.f32 v24, v8;
	v2 =	vadd.f32 v25, v6  }
0x110: {  	v9 =	vadd.f32 v13, v9;
	v31 =	vld [tilespmem:$0xC70];
	v1 =	vadd.f32 v35, v1  }
0x111: {  	v34 =	vld [tilespmem:$0xD60];
	v8 =	vadd.f32 v26, v8;
	v2 =	vadd.f32 v27, v2  }
0x112: {  	v9 =	vadd.f32 v30, v9;
	v46 =	vld [tilespmem:$0x1FEF0];
	v1 =	vadd.f32 v4, v1  }
0x113: {  	v44 =	vld [tilespmem:$0x1FEE0];
	v2 =	vadd.f32 v29, v2;
	v8 =	vadd.f32 v28, v8  }
0x114: {  	v39 =	vld [tilespmem:$0xDE0];
	v40 =	vadd.f32 v20, v9;
	v1 =	vadd.f32 v37, v1  }
0x115: {  	v49 =	vld [tilespmem:$0x1FF00];
	v5 =	vmul.f32 v5, v0;
	[tilespmem:$0x1FF80] =	vst v7;
	v2 =	vadd.f32 v32, v2;
	v6 =	vadd.f32 v31, v8  }
0x116: {  	v42 =	vmul.f32 v22, v0;
	[tilespmem:$0x1FF90] =	vst v19;
	v35 =	vld [tilespmem:$0xD70];
	v8 =	vadd.f32 v21, v40;
	v1 =	vadd.f32 v38, v1  }
0x117: {  	v41 =	vld [tilespmem:$0xDF0];
	[tilespmem:$0x1780] =	vst v7;
	v4 =	vadd.f32 v34, v2;
	v2 =	vadd.f32 v5, v46  }
0x118: {  	v51 =	vld [tilespmem:$0x1FF10];
	[tilespmem:$0x1790] =	vst v19;
	v43 =	vadd.f32 v36, v1;
	v1 =	vadd.f32 v42, v44  }
0x119: {  	v52 =	vld [tilespmem:$0x1FF20];
	v6 =	vadd.f32 v33, v6;
	v45 =	vmul.f32 v8, v0;
	[tilespmem:$0x1FFB0] =	vst v2  }
0x11a: {  	v4 =	vadd.f32 v39, v4;
	[tilespmem:$0x1FFA0] =	vst v1  }
0x11b: {  	v3 =	vadd.f32 v35, v6;
	v47 =	vmul.f32 v43, v0;
	[tilespmem:$0x17A0] =	vst v1;
	v1 =	vadd.f32 v45, v49  }
0x11c: {  	v53 =	vld [tilespmem:$0x1FF30];
	[tilespmem:$0x17B0] =	vst v2;
	v50 =	vmul.f32 v4, v0  }
0x11d: {  	v48 =	vadd.f32 v41, v3;
	[tilespmem:$0x1FFC0] =	vst v1;
	v2 =	vadd.f32 v47, v51  }
0x11e: {  	[tilespmem:$0x17C0] =	vst v1;
	v1 =	vadd.f32 v50, v52  }
0x11f: {  	v8 =	vmul.f32 v48, v0;
	[tilespmem:$0x1FFD0] =	vst v2  }
0x120: {  	[tilespmem:$0x1FFE0] =	vst v1  }
0x121: {  	[tilespmem:$0x17D0] =	vst v2;
	v2 =	vadd.f32 v8, v53  }
0x122: {  	[tilespmem:$0x17E0] =	vst v1  }
0x123: {  	[tilespmem:$0x1FFF0] =	vst v2  }
0x124: {  	s29 =	simm.s32 $0x5;
	[tilespmem:$0x17F0] =	vst v2  }
0x125: {  	_ =	swait.ge [sflag:s29], $0x800  }
0x126: {  	[sflag:s29] =	ssyncset.done $0x0  }
0x127: {  	[sflag:s29] =	ssyncadd.s32 $0xFFFFF800  }
0x128: {  	v8 =	vld [tilespmem:$0xE00]  }
0x129: {  	v9 =	vld [tilespmem:$0xE80]  }
0x12a: {  	v10 =	vld [tilespmem:$0xF00]  }
0x12b: {  	v11 =	vld [tilespmem:$0xF80]  }
0x12c: {  	v12 =	vld [tilespmem:$0x1000]  }
0x12d: {  	v13 =	vld [tilespmem:$0x1080]  }
0x12e: {  	v17 =	vld [tilespmem:$0x1100]  }
0x12f: {  	v18 =	vld [tilespmem:$0x1180]  }
0x130: {  	v20 =	vld [tilespmem:$0x1200]  }
0x131: {  	v21 =	vld [tilespmem:$0x1280]  }
0x132: {  	v25 =	vld [tilespmem:$0x1300]  }
0x133: {  	v26 =	vld [tilespmem:$0x1380]  }
0x134: {  	v40 =	vld [tilespmem:$0x1400]  }
0x135: {  	v54 =	vld [tilespmem:$0x1480]  }
0x136: {  	v55 =	vld [tilespmem:$0x1500]  }
0x137: {  	v56 =	vld [tilespmem:$0x1580]  }
0x138: {  	v14 =	vld [tilespmem:$0xE10]  }
0x139: {  	v16 =	vld [tilespmem:$0xE90]  }
0x13a: {  	v27 =	vld [tilespmem:$0xF10]  }
0x13b: {  	v28 =	vld [tilespmem:$0xF90]  }
0x13c: {  	v29 =	vld [tilespmem:$0x1010]  }
0x13d: {  	v30 =	vld [tilespmem:$0x1090]  }
0x13e: {  	v31 =	vld [tilespmem:$0x1110]  }
0x13f: {  	v32 =	vld [tilespmem:$0x1190]  }
0x140: {  	v33 =	vld [tilespmem:$0x1210]  }
0x141: {  	v34 =	vld [tilespmem:$0x1290]  }
0x142: {  	v35 =	vld [tilespmem:$0x1310]  }
0x143: {  	v36 =	vld [tilespmem:$0x1390]  }
0x144: {  	v37 =	vld [tilespmem:$0x1410]  }
0x145: {  	v38 =	vld [tilespmem:$0x1490]  }
0x146: {  	v39 =	vld [tilespmem:$0x1510]  }
0x147: {  	v57 =	vld [tilespmem:$0x1590]  }
0x148: {  	v41 =	vld [tilespmem:$0xE20]  }
0x149: {  	v42 =	vld [tilespmem:$0xEA0]  }
0x14a: {  	v43 =	vld [tilespmem:$0xF20]  }
0x14b: {  	v44 =	vld [tilespmem:$0xFA0]  }
0x14c: {  	v45 =	vld [tilespmem:$0x1020]  }
0x14d: {  	v46 =	vld [tilespmem:$0x10A0]  }
0x14e: {  	v47 =	vld [tilespmem:$0x1120]  }
0x14f: {  	v48 =	vld [tilespmem:$0x11A0]  }
0x150: {  	v49 =	vld [tilespmem:$0x1220]  }
0x151: {  	v50 =	vld [tilespmem:$0x12A0]  }
0x152: {  	v51 =	vld [tilespmem:$0x1320]  }
0x153: {  	v52 =	vld [tilespmem:$0x13A0]  }
0x154: {  	v53 =	vld [tilespmem:$0x1420]  }
0x155: {  	v58 =	vld [tilespmem:$0xEB0]  }
0x156: {  	v59 =	vld [tilespmem:$0xF30]  }
0x157: {  	v60 =	vld [tilespmem:$0xFB0]  }
0x158: {  	v61 =	vld [tilespmem:$0x1030]  }
0x159: {  	v62 =	vld [tilespmem:$0x10B0]  }
0x15a: {  	v63 =	vld [tilespmem:$0x1130]  }
0x15b: {  	v1 =	vld [tilespmem:$0x11B0]  }
0x15c: {  	v2 =	vld [tilespmem:$0x1230]  }
0x15d: {  	v3 =	vld [tilespmem:$0x12B0]  }
0x15e: {  	v4 =	vld [tilespmem:$0x1330]  }
0x15f: {  	v5 =	vld [tilespmem:$0x13B0]  }
0x160: {  	v6 =	vld [tilespmem:$0x1430]  }
0x161: {  	v7 =	vld [tilespmem:$0x14B0]  }
0x162: {  	v15 =	vld [tilespmem:$0x1530]  }
0x163: {  	v23 =	vld [tilespmem:$0x15B0]  }
0x164: {  	v22 =	vld [tilespmem:$0xE40]  }
0x165: {  	v19 =	vld [tilespmem:$0xEC0]  }
0x166: {  	v24 =	vld [tilespmem:$0xF40]  }
0x167: {  	[tilespmem:$0x1FF40] =	vst v54;
	v54 =	vld [tilespmem:$0x14A0]  }
0x168: {  	[tilespmem:$0x1FF50] =	vst v55;
	v55 =	vld [tilespmem:$0x1520]  }
0x169: {  	[tilespmem:$0x1FF60] =	vst v56;
	v56 =	vld [tilespmem:$0x15A0]  }
0x16a: {  	[tilespmem:$0x1FF70] =	vst v57;
	v57 =	vld [tilespmem:$0xE30]  }
0x16b: {  	v8 =	vadd.f32 v9, v8;
	v9 =	vld [tilespmem:$0xFC0]  }
0x16c: {  	v14 =	vadd.f32 v16, v14;
	v16 =	vld [tilespmem:$0x1040]  }
0x16d: {  	v19 =	vadd.f32 v19, v22;
	v8 =	vadd.f32 v10, v8;
	v10 =	vld [tilespmem:$0x10C0]  }
0x16e: {  	v14 =	vadd.f32 v27, v14;
	v27 =	vld [tilespmem:$0x1140]  }
0x16f: {  	v19 =	vadd.f32 v24, v19;
	v24 =	vld [tilespmem:$0x1170]  }
0x170: {  	v8 =	vadd.f32 v11, v8;
	v11 =	vld [tilespmem:$0x11C0]  }
0x171: {  	v14 =	vadd.f32 v28, v14;
	v28 =	vld [tilespmem:$0x1240];
	v58 =	vadd.f32 v58, v57  }
0x172: {  	v8 =	vadd.f32 v12, v8;
	v12 =	vadd.f32 v42, v41;
	v41 =	vld [tilespmem:$0x12C0]  }
0x173: {  	v29 =	vadd.f32 v29, v14;
	v14 =	vld [tilespmem:$0x1340]  }
0x174: {  	v42 =	vadd.f32 v59, v58;
	v58 =	vld [tilespmem:$0xE50]  }
0x175: {  	v8 =	vadd.f32 v13, v8;
	v13 =	vld [tilespmem:$0x13C0]  }
0x176: {  	v43 =	vadd.f32 v43, v12;
	v12 =	vld [tilespmem:$0x1440]  }
0x177: {  	v30 =	vadd.f32 v30, v29;
	v29 =	vld [tilespmem:$0x14C0]  }
0x178: {  	v60 =	vadd.f32 v60, v42;
	v42 =	vld [tilespmem:$0x12F0]  }
0x179: {  	v8 =	vadd.f32 v17, v8;
	v17 =	vld [tilespmem:$0x1540]  }
0x17a: {  	v43 =	vadd.f32 v44, v43;
	v44 =	vld [tilespmem:$0x1FF50]  }
0x17b: {  	v30 =	vadd.f32 v31, v30;
	v31 =	vadd.f32 v61, v60;
	v60 =	vld [tilespmem:$0xED0]  }
0x17c: {  	v61 =	vld [tilespmem:$0xF50]  }
0x17d: {  	v18 =	vadd.f32 v18, v8;
	v8 =	vld [tilespmem:$0x15C0]  }
0x17e: {  	v57 =	vadd.f32 v45, v43;
	v43 =	vld [tilespmem:$0x1FF40]  }
0x17f: {  	v9 =	vadd.f32 v9, v19;
	v45 =	vld [tilespmem:$0x1FF60]  }
0x180: {  	v30 =	vadd.f32 v32, v30;
	v32 =	vld [tilespmem:$0x11E0]  }
0x181: {  	v9 =	vadd.f32 v16, v9;
	v31 =	vadd.f32 v62, v31;
	v62 =	vld [tilespmem:$0xFD0]  }
0x182: {  	v59 =	vadd.f32 v46, v57;
	v46 =	vld [tilespmem:$0x1FF70]  }
0x183: {  	v9 =	vadd.f32 v10, v9;
	v18 =	vadd.f32 v20, v18;
	v57 =	vld [tilespmem:$0xFF0]  }
0x184: {  	v30 =	vadd.f32 v33, v30;
	v33 =	vld [tilespmem:$0x11F0];
	v20 =	vadd.f32 v47, v59  }
0x185: {  	v31 =	vadd.f32 v63, v31;
	v63 =	vld [tilespmem:$0x1050]  }
0x186: {  	v9 =	vadd.f32 v27, v9;
	v47 =	vld [tilespmem:$0xE60];
	v20 =	vadd.f32 v48, v20  }
0x187: {  	v18 =	vadd.f32 v21, v18;
	v59 =	vld [tilespmem:$0x1070];
	v1 =	vadd.f32 v1, v31  }
0x188: {  	v30 =	vadd.f32 v34, v30;
	v34 =	vld [tilespmem:$0x1260];
	v20 =	vadd.f32 v49, v20  }
0x189: {  	v9 =	vadd.f32 v11, v9;
	v31 =	vld [tilespmem:$0x1150];
	v1 =	vadd.f32 v2, v1  }
0x18a: {  	v18 =	vadd.f32 v25, v18;
	v25 =	vld [tilespmem:$0x10D0];
	v20 =	vadd.f32 v50, v20  }
0x18b: {  	v30 =	vadd.f32 v35, v30;
	v35 =	vld [tilespmem:$0x12D0];
	v1 =	vadd.f32 v3, v1  }
0x18c: {  	v48 =	vld [tilespmem:$0xEE0];
	v20 =	vadd.f32 v51, v20  }
0x18d: {  	v9 =	vadd.f32 v28, v9;
	v2 =	vld [tilespmem:$0x1250];
	v1 =	vadd.f32 v4, v1  }
0x18e: {  	v18 =	vadd.f32 v26, v18;
	v26 =	vld [tilespmem:$0x11D0];
	v20 =	vadd.f32 v52, v20  }
0x18f: {  	v30 =	vadd.f32 v36, v30;
	v36 =	vld [tilespmem:$0x13D0];
	v1 =	vadd.f32 v5, v1  }
0x190: {  	v9 =	vadd.f32 v41, v9;
	v49 =	vld [tilespmem:$0xE70];
	v20 =	vadd.f32 v53, v20  }
0x191: {  	v3 =	vld [tilespmem:$0x1350];
	v1 =	vadd.f32 v6, v1  }
0x192: {  	v9 =	vadd.f32 v14, v9;
	v51 =	vld [tilespmem:$0xEF0];
	v20 =	vadd.f32 v54, v20  }
0x193: {  	v30 =	vadd.f32 v37, v30;
	v37 =	vld [tilespmem:$0x14D0];
	v1 =	vadd.f32 v7, v1  }
0x194: {  	v9 =	vadd.f32 v13, v9;
	v53 =	vld [tilespmem:$0xF60];
	v20 =	vadd.f32 v55, v20  }
0x195: {  	v18 =	vadd.f32 v40, v18;
	v54 =	vld [tilespmem:$0xF70];
	v1 =	vadd.f32 v15, v1  }
0x196: {  	v55 =	vadd.f32 v60, v58;
	v20 =	vadd.f32 v56, v20;
	v56 =	vld [tilespmem:$0xFE0]  }
0x197: {  	v50 =	vld [tilespmem:$0x1FF80];
	v6 =	vadd.f32 v48, v47;
	v7 =	vadd.f32 v51, v49  }
0x198: {  	v58 =	vld [tilespmem:$0x1060];
	v1 =	vadd.f32 v23, v1;
	v23 =	vadd.f32 v61, v55  }
0x199: {  	v40 =	vld [tilespmem:$0x12E0];
	v9 =	vadd.f32 v12, v9;
	v6 =	vadd.f32 v53, v6  }
0x19a: {  	v61 =	vld [tilespmem:$0x10E0];
	v7 =	vadd.f32 v54, v7;
	v60 =	vadd.f32 v62, v23  }
0x19b: {  	v18 =	vadd.f32 v43, v18;
	v62 =	vld [tilespmem:$0x10F0];
	v6 =	vadd.f32 v56, v6  }
0x19c: {  	v7 =	vadd.f32 v57, v7;
	v19 =	vadd.f32 v63, v60;
	v63 =	vld [tilespmem:$0x1160]  }
0x19d: {  	v4 =	vld [tilespmem:$0x1450];
	v30 =	vadd.f32 v38, v30;
	v6 =	vadd.f32 v58, v6  }
0x19e: {  	v38 =	vld [tilespmem:$0x15D0];
	v7 =	vadd.f32 v59, v7;
	v19 =	vadd.f32 v25, v19  }
0x19f: {  	v43 =	vld [tilespmem:$0x1360];
	v18 =	vadd.f32 v44, v18;
	v6 =	vadd.f32 v61, v6  }
0x1a0: {  	v5 =	vld [tilespmem:$0x1550];
	v7 =	vadd.f32 v62, v7;
	v19 =	vadd.f32 v31, v19  }
0x1a1: {  	v30 =	vadd.f32 v39, v30;
	v39 =	vld [tilespmem:$0x1270];
	v6 =	vadd.f32 v63, v6  }
0x1a2: {  	v52 =	vld [tilespmem:$0x1FF90];
	v7 =	vadd.f32 v24, v7;
	v19 =	vadd.f32 v26, v19  }
0x1a3: {  	v44 =	vld [tilespmem:$0x1370];
	v18 =	vadd.f32 v45, v18;
	v6 =	vadd.f32 v32, v6  }
0x1a4: {  	v48 =	vld [tilespmem:$0x1460];
	v7 =	vadd.f32 v33, v7;
	v2 =	vadd.f32 v2, v19  }
0x1a5: {  	v30 =	vadd.f32 v46, v30;
	v45 =	vld [tilespmem:$0x13E0];
	v18 =	vmul.f32 v18, v0;
	v6 =	vadd.f32 v34, v6  }
0x1a6: {  	v46 =	vld [tilespmem:$0x13F0];
	v7 =	vadd.f32 v39, v7;
	v2 =	vadd.f32 v35, v2  }
0x1a7: {  	v49 =	vld [tilespmem:$0x1470];
	v30 =	vmul.f32 v30, v0;
	v18 =	vadd.f32 v18, v50;
	v6 =	vadd.f32 v40, v6  }
0x1a8: {  	v51 =	vld [tilespmem:$0x14F0];
	v47 =	vadd.f32 v42, v7;
	v2 =	vadd.f32 v3, v2  }
0x1a9: {  	v30 =	vadd.f32 v30, v52;
	v50 =	vld [tilespmem:$0x14E0];
	v6 =	vadd.f32 v43, v6  }
0x1aa: {  	v52 =	vld [tilespmem:$0x1560];
	v3 =	vadd.f32 v44, v47;
	v2 =	vadd.f32 v36, v2  }
0x1ab: {  	v9 =	vadd.f32 v29, v9;
	v53 =	vld [tilespmem:$0x1570];
	v6 =	vadd.f32 v45, v6  }
0x1ac: {  	v55 =	vld [tilespmem:$0x15F0];
	v3 =	vadd.f32 v46, v3;
	v2 =	vadd.f32 v4, v2  }
0x1ad: {  	v9 =	vadd.f32 v17, v9;
	v54 =	vld [tilespmem:$0x15E0];
	v6 =	vadd.f32 v48, v6  }
0x1ae: {  	v59 =	vld [tilespmem:$0x1FFB0];
	v3 =	vadd.f32 v49, v3;
	v2 =	vadd.f32 v37, v2  }
0x1af: {  	v60 =	vld [tilespmem:$0x1FFC0];
	v56 =	vadd.f32 v8, v9;
	v6 =	vadd.f32 v50, v6  }
0x1b0: {  	v58 =	vld [tilespmem:$0x1FFA0];
	v3 =	vadd.f32 v51, v3;
	v2 =	vadd.f32 v5, v2  }
0x1b1: {  	v1 =	vmul.f32 v1, v0;
	v61 =	vld [tilespmem:$0x1FFD0];
	v4 =	vadd.f32 v52, v6  }
0x1b2: {  	v62 =	vld [tilespmem:$0x1FFE0];
	v5 =	vmul.f32 v56, v0;
	v3 =	vadd.f32 v53, v3;
	v2 =	vadd.f32 v38, v2  }
0x1b3: {  	[tilespmem:$0x1780] =	vst v18;
	v57 =	vmul.f32 v20, v0;
	v1 =	vadd.f32 v1, v59;
	v63 =	vld [tilespmem:$0x1FFF0];
	v4 =	vadd.f32 v54, v4  }
0x1b4: {  	[tilespmem:$0x1790] =	vst v30;
	v5 =	vadd.f32 v5, v60;
	v3 =	vadd.f32 v55, v3;
	v2 =	vmul.f32 v2, v0  }
0x1b5: {  	[tilespmem:$0x17B0] =	vst v1;
	v6 =	vadd.f32 v57, v58;
	v4 =	vmul.f32 v4, v0  }
0x1b6: {  	[tilespmem:$0x17C0] =	vst v5;
	v1 =	vadd.f32 v2, v61;
	v0 =	vmul.f32 v3, v0  }
0x1b7: {  	[tilespmem:$0x17A0] =	vst v6;
	v2 =	vadd.f32 v4, v62  }
0x1b8: {  	[tilespmem:$0x17D0] =	vst v1;
	v0 =	vadd.f32 v0, v63  }
0x1b9: {  	[tilespmem:$0x17E0] =	vst v2  }
0x1ba: {  	s30 =	simm.s32 $0x1780;
	s31 =	simm.s32 $0x6;
	[tilespmem:$0x17F0] =	vst v0  }
0x1bb: {  	[hbm4b:s1+s2] =	stream.linear.scatter [tilespmem:s30], [sflag:$0x6], $0x80, $0x38;
	[tilespmem:$0x1800] =	vst v63  }
0x1bc: {  	_ =	swait.ge [sflag:s31], $0x80  }
0x1bd: {  	[sflag:s31] =	ssyncset.done $0x0  }
0x1be: {  	[sflag:s31] =	ssyncadd.s32 $0xFFFFFF80  }
.LBB2_2:
0x1bf: {  	_ =	sfence.sel $0x180000  }
0x1c0: {  	[bflag:$0x0] =	sbarrier.arrive $0xFFFF  }
0x1c1: {  	_ =	strace $0x90000047  }
0x1c2: {  	s0 =	sadd.s32 @!p0 $0x100000, s0;
	[bflag:$0x2] =	sbarrier.arrive $0xFFFF  }
0x1c3: {  	[sflag:s0] =	ssyncadd.tile.s32 @!p0 $0x1;
	_ =	shalt  }
.Lfunc_end2:
_tile_overlayer_lowered:
.L_overlay_start_2:
0x1c4: {  	(tag) =	ssettag $0x2  }
0x1c5: {  	s0 =	rddreg [dreg:$0x0];
	s2 =	stileid.u32  }
0x1c6: {  	s1 =	rddreg [dreg:$0x1];
	p0 =	sne.s32 s2, $0x0  }
0x1c7: {  	s3 =	rddreg [dreg:$0x2];
	[bflag:$0x3] =	sbarrier.arrive $0xFFFF;
	s2 =	simm.s32 @!p0 $0x1C06  }
0x1c8: {  	[timem:s3], [sflag:s2] =	dma.local @!p0 [hbm:s0], s1  }
0x1c9: {  	s0 =	simm.s32 @!p0 $0x6  }
0x1ca: {  	_ =	swait.ge @!p0 [sflag:s0], s1  }
0x1cb: {  	s1 =	ssub.s32 @!p0 $0x0, s1;
	[sflag:s0] =	ssyncset.done @!p0 $0x0  }
0x1cc: {  	[sflag:s0] =	ssyncadd.s32 @!p0 s1  }
0x1cd: {  	[bflag:$0x3] =	sbarrier.arrive $0xFFFF  }
0x1ce: {  	_ =	shalt  }

</sc_bundles>
